<compile_context>
chip_gen: v7x
topology: tpu7x:2x2x1
jax: 0.10.2.dev20260603
libtpu: 0.0.44.dev20260713+nightly
codegen_flags: <defaults>
</compile_context>

<pallas_src>
import functools

import jax
import jax.numpy as jnp
from jax import lax
from jax.experimental import pallas as pl
from jax.experimental.pallas import tpu as pltpu
from jax.experimental.pallas import tpu_sc as plsc

B = 16384
D = 32
NC = 2
NS = 16
NW = NC * NS
L = 16
BPW = B // NW
CHKW = 4
NCHK = BPW // CHKW


def _mf_kernel(users_hbm, items_hbm, ueT_hbm, ieT_hbm, ub_hbm, ib_hbm,
               out_hbm, uidx, iidx, uwin, iwin, ubw, ibw, obuf, sem0, sem1):
    wid = lax.axis_index("s") * NC + lax.axis_index("c")
    base = wid * BPW

    pltpu.sync_copy(users_hbm.at[pl.ds(base, BPW)], uidx.at[pl.ds(0, BPW)])
    pltpu.sync_copy(items_hbm.at[pl.ds(base, BPW)], iidx.at[pl.ds(0, BPW)])

    lane = lax.iota(jnp.int32, L)
    sems = [sem0, sem1]

    def fire(c, buf):
        sem = sems[buf]
        iv_u = uidx[pl.ds(c * CHKW, L)]
        iv_i = iidx[pl.ds(c * CHKW, L)]
        for e in range(CHKW):
            u = iv_u[e]
            v = iv_i[e]
            wu = pl.multiple_of((u >> 7) * 128, 128)
            wv = pl.multiple_of((v >> 7) * 128, 128)
            pltpu.async_copy(ueT_hbm.at[:, pl.ds(wu, 128)], uwin.at[buf, e], sem)
            pltpu.async_copy(ieT_hbm.at[:, pl.ds(wv, 128)], iwin.at[buf, e], sem)
            pltpu.async_copy(ub_hbm.at[pl.ds(wu, 128)], ubw.at[buf, e], sem)
            pltpu.async_copy(ib_hbm.at[pl.ds(wv, 128)], ibw.at[buf, e], sem)

    def drain(buf):
        sem = sems[buf]
        for e in range(CHKW):
            pltpu.make_async_copy(ueT_hbm.at[:, pl.ds(0, 128)], uwin.at[buf, e], sem).wait()
            pltpu.make_async_copy(ieT_hbm.at[:, pl.ds(0, 128)], iwin.at[buf, e], sem).wait()
            pltpu.make_async_copy(ub_hbm.at[pl.ds(0, 128)], ubw.at[buf, e], sem).wait()
            pltpu.make_async_copy(ib_hbm.at[pl.ds(0, 128)], ibw.at[buf, e], sem).wait()

    def compute(c, buf, acc):
        iv_u = uidx[pl.ds(c * CHKW, L)]
        iv_i = iidx[pl.ds(c * CHKW, L)]
        bsp = jnp.full((L,), buf, jnp.int32)
        for e in range(CHKW):
            cu = jnp.full((L,), iv_u[e] & 127, jnp.int32)
            cv = jnp.full((L,), iv_i[e] & 127, jnp.int32)
            esp = jnp.full((L,), e, jnp.int32)
            du0 = plsc.load_gather(uwin, [bsp, esp, lane, cu])
            du1 = plsc.load_gather(uwin, [bsp, esp, lane + L, cu])
            di0 = plsc.load_gather(iwin, [bsp, esp, lane, cv])
            di1 = plsc.load_gather(iwin, [bsp, esp, lane + L, cv])
            tot = jnp.sum(du0 * di0 + du1 * di1)
            bu = plsc.load_gather(ubw, [bsp, esp, cu])
            bi = plsc.load_gather(ibw, [bsp, esp, cv])
            res = jnp.full((L,), tot) + bu + bi
            lanepos = (c & 3) * CHKW + e
            acc = jnp.where(lane == lanepos, res, acc)
        return acc

    def store_maybe(c, acc):
        @pl.when((c & 3) == 3)
        def _():
            obuf[pl.ds((c >> 2) * L, L)] = acc
        return jnp.where((c & 3) == 3, jnp.zeros((L,), jnp.float32), acc)

    fire(0, 0)

    def body(tp, acc):
        ca = 2 * tp
        cb = 2 * tp + 1
        fire(cb, 1)
        drain(0)
        acc = compute(ca, 0, acc)
        acc = store_maybe(ca, acc)

        @pl.when(tp < NCHK // 2 - 1)
        def _():
            fire(ca + 2, 0)

        drain(1)
        acc = compute(cb, 1, acc)
        acc = store_maybe(cb, acc)
        return acc

    lax.fori_loop(0, NCHK // 2, body, jnp.zeros((L,), jnp.float32))

    pltpu.sync_copy(obuf, out_hbm.at[pl.ds(base, BPW)])


@jax.jit
def kernel(vector, user_emb, item_emb, user_bias, item_bias):
    users = vector[0]
    items = vector[1]
    ueT = user_emb.T
    ieT = item_emb.T
    ub1 = user_bias[:, 0]
    ib1 = item_bias[:, 0]
    run = functools.partial(
        pl.kernel,
        out_type=jax.ShapeDtypeStruct((B,), jnp.float32),
        mesh=plsc.VectorSubcoreMesh(core_axis_name="c", subcore_axis_name="s"),
        compiler_params=pltpu.CompilerParams(
            needs_layout_passes=False, use_tc_tiling_on_sc=True),
        scratch_types=[
            pltpu.VMEM((BPW + L,), jnp.int32),
            pltpu.VMEM((BPW + L,), jnp.int32),
            pltpu.VMEM((2, CHKW, D, 128), jnp.float32),
            pltpu.VMEM((2, CHKW, D, 128), jnp.float32),
            pltpu.VMEM((2, CHKW, 128), jnp.float32),
            pltpu.VMEM((2, CHKW, 128), jnp.float32),
            pltpu.VMEM((BPW,), jnp.float32),
            pltpu.SemaphoreType.DMA,
            pltpu.SemaphoreType.DMA,
        ],
    )(_mf_kernel)
    return run(users, items, ueT, ieT, ub1, ib1)

# --- scband reference (transcript-rebuilt; emitter-appended) ---
"""Pipeline reference for scband-matrix-factorization-83013127897441 (READ-ONLY COPY).

The authoritative reference and input builder live on the scoring server;
editing this copy changes nothing except your own understanding.
"""

import jax, jax.numpy as jnp
import numpy as np

NUM_USERS = 1000000
NUM_ITEMS = 1000000
EMBED_DIM = 32
BATCH = 16384

def setup_inputs(seed: int = 0) -> dict:
    key = jax.random.key(seed)
    k1, k2, k3, k4, k5 = jax.random.split(key, 5)
    vector = jax.random.randint(k1, (2, BATCH), 0, NUM_USERS, dtype=jnp.int64 if jax.config.jax_enable_x64 else jnp.int32).astype(jnp.int32)
    user_emb = jax.random.normal(k2, (NUM_USERS, EMBED_DIM), dtype=jnp.float32)
    item_emb = jax.random.normal(k3, (NUM_ITEMS, EMBED_DIM), dtype=jnp.float32)
    user_bias = jax.random.normal(k4, (NUM_USERS, 1), dtype=jnp.float32)
    item_bias = jax.random.normal(k5, (NUM_ITEMS, 1), dtype=jnp.float32)
    return {"vector": vector, "user_emb": user_emb, "item_emb": item_emb, "user_bias": user_bias, "item_bias": item_bias}

def reference(vector, user_emb, item_emb, user_bias, item_bias):
    users = vector[0]
    items = vector[1]
    ues = jnp.take(user_emb, users, axis=0)
    uis = jnp.take(item_emb, items, axis=0)
    ubs = jnp.take(user_bias, users, axis=0)
    ibs = jnp.take(item_bias, items, axis=0)
    return (ues * uis).sum(axis=1) + jnp.squeeze(ubs, axis=-1) + jnp.squeeze(ibs, axis=-1)

if __name__ == "__main__":
    import jax
    _d = setup_inputs()
    print(jax.jit(kernel)(*tuple(_d.values())))

</pallas_src>

<mosaic_0001>
#map = affine_map<(d0, d1) -> (0)>
#map1 = affine_map<(d0, d1) -> (0, 0)>
module attributes {stable_mosaic.version = 14 : i64} {
  func.func @_mf_kernel(%arg0: i32, %arg1: i32, %arg2: memref<16384xi32, #tpu.memory_space<hbm>>, %arg3: memref<16384xi32, #tpu.memory_space<hbm>>, %arg4: memref<32x1000000xf32, #tpu.memory_space<hbm>>, %arg5: memref<32x1000000xf32, #tpu.memory_space<hbm>>, %arg6: memref<1000000xf32, #tpu.memory_space<hbm>>, %arg7: memref<1000000xf32, #tpu.memory_space<hbm>>, %arg8: memref<16384xf32, #tpu.memory_space<hbm>>, %arg9: memref<528xi32, #tpu.memory_space<vmem>>, %arg10: memref<528xi32, #tpu.memory_space<vmem>>, %arg11: memref<2x4x32x128xf32, #tpu.memory_space<vmem>>, %arg12: memref<2x4x32x128xf32, #tpu.memory_space<vmem>>, %arg13: memref<2x4x128xf32, #tpu.memory_space<vmem>>, %arg14: memref<2x4x128xf32, #tpu.memory_space<vmem>>, %arg15: memref<512xf32, #tpu.memory_space<vmem>>, %arg16: memref<!tpu.dma_semaphore, #tpu.memory_space<semaphore_mem>>, %arg17: memref<!tpu.dma_semaphore, #tpu.memory_space<semaphore_mem>>) attributes {dimension_semantics = [#tpu.dimension_semantics<core_parallel>, #tpu.dimension_semantics<subcore_parallel>], iteration_bounds = array<i64: 2, 16>, scalar_prefetch = 0 : i64, scratch_operands = 9 : i64, tpu.core_type = #tpu.core_type<sc_vector_subcore>, window_params = [{transform_indices = #map}, {transform_indices = #map}, {transform_indices = #map1}, {transform_indices = #map1}, {transform_indices = #map}, {transform_indices = #map}, {transform_indices = #map}]} {
    %mul3A = arith.constant 2 : i32
    %mul3A_0 = arith.muli %arg1, %mul3A : i32
    %add3A = arith.addi %mul3A_0, %arg0 : i32
    %mul3A_1 = arith.constant 512 : i32
    %mul3A_2 = arith.muli %add3A, %mul3A_1 : i32
    "tpu.region"() ({
      %run_scoped3A = tpu.sem_alloc : memref<!tpu.dma_semaphore, #tpu.memory_space<semaphore_mem>>
      %dma_start3A_255 = arith.constant 0 : i32
      %dma_start3A_256 = tpu.memref_slice %arg9[%dma_start3A_255] : memref<528xi32, #tpu.memory_space<vmem>> -> memref<512xi32, #tpu.memory_space<vmem>>
      %dma_start3A_257 = tpu.memref_slice %arg2[%mul3A_2] : memref<16384xi32, #tpu.memory_space<hbm>> -> memref<512xi32, #tpu.memory_space<hbm>>
      %dma_start3A_258 = arith.constant 0 : i32
      %dma_start3A_259 = tpu.memref_slice %arg9[%dma_start3A_258] : memref<528xi32, #tpu.memory_space<vmem>> -> memref<512xi32, #tpu.memory_space<vmem>>
      %dma_start3A_260 = tpu.memref_slice %arg2[%mul3A_2] : memref<16384xi32, #tpu.memory_space<hbm>> -> memref<512xi32, #tpu.memory_space<hbm>>
      tpu.enqueue_dma source(%dma_start3A_260 : memref<512xi32, #tpu.memory_space<hbm>>) target(%dma_start3A_259 : memref<512xi32, #tpu.memory_space<vmem>>) target_semaphore(%run_scoped3A : memref<!tpu.dma_semaphore, #tpu.memory_space<semaphore_mem>>)
      %dma_wait3A = arith.constant 0 : i32
      %dma_wait3A_261 = tpu.memref_slice %arg9[%dma_wait3A] : memref<528xi32, #tpu.memory_space<vmem>> -> memref<512xi32, #tpu.memory_space<vmem>>
      %dma_wait3A_262 = tpu.memref_slice %arg2[%mul3A_2] : memref<16384xi32, #tpu.memory_space<hbm>> -> memref<512xi32, #tpu.memory_space<hbm>>
      %dma_wait3A_263 = arith.constant 0 : i32
      %dma_wait3A_264 = tpu.memref_slice %arg9[%dma_wait3A_263] : memref<528xi32, #tpu.memory_space<vmem>> -> memref<512xi32, #tpu.memory_space<vmem>>
      %dma_wait3A_265 = tpu.memref_slice %arg2[%mul3A_2] : memref<16384xi32, #tpu.memory_space<hbm>> -> memref<512xi32, #tpu.memory_space<hbm>>
      tpu.wait_dma2 semaphore(%run_scoped3A : memref<!tpu.dma_semaphore, #tpu.memory_space<semaphore_mem>>) src(%dma_wait3A_265 : memref<512xi32, #tpu.memory_space<hbm>>) dst(%dma_wait3A_264 : memref<512xi32, #tpu.memory_space<vmem>>)
      tpu.yield
    }) : () -> ()
    "tpu.region"() ({
      %run_scoped3A = tpu.sem_alloc : memref<!tpu.dma_semaphore, #tpu.memory_space<semaphore_mem>>
      %dma_start3A_255 = arith.constant 0 : i32
      %dma_start3A_256 = tpu.memref_slice %arg10[%dma_start3A_255] : memref<528xi32, #tpu.memory_space<vmem>> -> memref<512xi32, #tpu.memory_space<vmem>>
      %dma_start3A_257 = tpu.memref_slice %arg3[%mul3A_2] : memref<16384xi32, #tpu.memory_space<hbm>> -> memref<512xi32, #tpu.memory_space<hbm>>
      %dma_start3A_258 = arith.constant 0 : i32
      %dma_start3A_259 = tpu.memref_slice %arg10[%dma_start3A_258] : memref<528xi32, #tpu.memory_space<vmem>> -> memref<512xi32, #tpu.memory_space<vmem>>
      %dma_start3A_260 = tpu.memref_slice %arg3[%mul3A_2] : memref<16384xi32, #tpu.memory_space<hbm>> -> memref<512xi32, #tpu.memory_space<hbm>>
      tpu.enqueue_dma source(%dma_start3A_260 : memref<512xi32, #tpu.memory_space<hbm>>) target(%dma_start3A_259 : memref<512xi32, #tpu.memory_space<vmem>>) target_semaphore(%run_scoped3A : memref<!tpu.dma_semaphore, #tpu.memory_space<semaphore_mem>>)
      %dma_wait3A = arith.constant 0 : i32
      %dma_wait3A_261 = tpu.memref_slice %arg10[%dma_wait3A] : memref<528xi32, #tpu.memory_space<vmem>> -> memref<512xi32, #tpu.memory_space<vmem>>
      %dma_wait3A_262 = tpu.memref_slice %arg3[%mul3A_2] : memref<16384xi32, #tpu.memory_space<hbm>> -> memref<512xi32, #tpu.memory_space<hbm>>
      %dma_wait3A_263 = arith.constant 0 : i32
      %dma_wait3A_264 = tpu.memref_slice %arg10[%dma_wait3A_263] : memref<528xi32, #tpu.memory_space<vmem>> -> memref<512xi32, #tpu.memory_space<vmem>>
      %dma_wait3A_265 = tpu.memref_slice %arg3[%mul3A_2] : memref<16384xi32, #tpu.memory_space<hbm>> -> memref<512xi32, #tpu.memory_space<hbm>>
      tpu.wait_dma2 semaphore(%run_scoped3A : memref<!tpu.dma_semaphore, #tpu.memory_space<semaphore_mem>>) src(%dma_wait3A_265 : memref<512xi32, #tpu.memory_space<hbm>>) dst(%dma_wait3A_264 : memref<512xi32, #tpu.memory_space<vmem>>)
      tpu.yield
    }) : () -> ()
    %iota3A = tpu.iota {dimensions = array<i32: 0>} : vector<16xi32>
    %get3A = arith.constant 0 : index
    %get3A_3 = tpu.vector_load %arg9[%get3A] {strides = array<i32>} : memref<528xi32, #tpu.memory_space<vmem>>, vector<16xi32>,
    %get3A_4 = arith.constant 0 : index
    %get3A_5 = tpu.vector_load %arg10[%get3A_4] {strides = array<i32>} : memref<528xi32, #tpu.memory_space<vmem>>, vector<16xi32>,
    %slice3A = vector.extract_strided_slice %get3A_3 {offsets = [0], sizes = [1], strides = [1]} : vector<16xi32> to vector<1xi32>
    %squeeze3A = vector.extract %slice3A[0] : i32 from vector<1xi32>
    %slice3A_6 = vector.extract_strided_slice %get3A_5 {offsets = [0], sizes = [1], strides = [1]} : vector<16xi32> to vector<1xi32>
    %squeeze3A_7 = vector.extract %slice3A_6[0] : i32 from vector<1xi32>
    %shift_right_arithmetic3A = arith.constant 7 : i32
    %shift_right_arithmetic3A_8 = arith.shrsi %squeeze3A, %shift_right_arithmetic3A : i32
    %mul3A_9 = arith.constant 128 : i32
    %mul3A_10 = arith.muli %shift_right_arithmetic3A_8, %mul3A_9 : i32
    %multiple_of3A = tpu.assume_multiple %mul3A_10, 128 : i32
    %shift_right_arithmetic3A_11 = arith.constant 7 : i32
    %shift_right_arithmetic3A_12 = arith.shrsi %squeeze3A_7, %shift_right_arithmetic3A_11 : i32
    %mul3A_13 = arith.constant 128 : i32
    %mul3A_14 = arith.muli %shift_right_arithmetic3A_12, %mul3A_13 : i32
    %multiple_of3A_15 = tpu.assume_multiple %mul3A_14, 128 : i32
    %dma_start3A = arith.constant 0 : i32
    %dma_start3A_16 = arith.constant 0 : i32
    %dma_start3A_17 = arith.constant 0 : i32
    %dma_start3A_18 = arith.constant 0 : i32
    %dma_start3A_19 = tpu.memref_slice %arg11[%dma_start3A, %dma_start3A_16, %dma_start3A_17, %dma_start3A_18] : memref<2x4x32x128xf32, #tpu.memory_space<vmem>> -> memref<1x1x32x128xf32, #tpu.memory_space<vmem>>
    %dma_start3A_20 = tpu.memref_squeeze %dma_start3A_19 : memref<1x1x32x128xf32, #tpu.memory_space<vmem>> -> memref<32x128xf32, #tpu.memory_space<vmem>>
    %dma_start3A_21 = arith.constant 0 : i32
    %dma_start3A_22 = tpu.memref_slice %arg4[%dma_start3A_21, %multiple_of3A] : memref<32x1000000xf32, #tpu.memory_space<hbm>> -> memref<32x128xf32, #tpu.memory_space<hbm>>
    %dma_start3A_23 = arith.constant 0 : i32
    %dma_start3A_24 = arith.constant 0 : i32
    %dma_start3A_25 = tpu.memref_slice %arg11[%dma_start3A, %dma_start3A_16, %dma_start3A_23, %dma_start3A_24] : memref<2x4x32x128xf32, #tpu.memory_space<vmem>> -> memref<1x1x32x128xf32, #tpu.memory_space<vmem>>
    %dma_start3A_26 = tpu.memref_squeeze %dma_start3A_25 : memref<1x1x32x128xf32, #tpu.memory_space<vmem>> -> memref<32x128xf32, #tpu.memory_space<vmem>>
    %dma_start3A_27 = arith.constant 0 : i32
    %dma_start3A_28 = tpu.memref_slice %arg4[%dma_start3A_27, %multiple_of3A] : memref<32x1000000xf32, #tpu.memory_space<hbm>> -> memref<32x128xf32, #tpu.memory_space<hbm>>
    tpu.enqueue_dma source(%dma_start3A_28 : memref<32x128xf32, #tpu.memory_space<hbm>>) target(%dma_start3A_26 : memref<32x128xf32, #tpu.memory_space<vmem>>) target_semaphore(%arg16 : memref<!tpu.dma_semaphore, #tpu.memory_space<semaphore_mem>>)
    %dma_start3A_29 = arith.constant 0 : i32
    %dma_start3A_30 = arith.constant 0 : i32
    %dma_start3A_31 = arith.constant 0 : i32
    %dma_start3A_32 = arith.constant 0 : i32
    %dma_start3A_33 = tpu.memref_slice %arg12[%dma_start3A_29, %dma_start3A_30, %dma_start3A_31, %dma_start3A_32] : memref<2x4x32x128xf32, #tpu.memory_space<vmem>> -> memref<1x1x32x128xf32, #tpu.memory_space<vmem>>
    %dma_start3A_34 = tpu.memref_squeeze %dma_start3A_33 : memref<1x1x32x128xf32, #tpu.memory_space<vmem>> -> memref<32x128xf32, #tpu.memory_space<vmem>>
    %dma_start3A_35 = arith.constant 0 : i32
    %dma_start3A_36 = tpu.memref_slice %arg5[%dma_start3A_35, %multiple_of3A_15] : memref<32x1000000xf32, #tpu.memory_space<hbm>> -> memref<32x128xf32, #tpu.memory_space<hbm>>
    %dma_start3A_37 = arith.constant 0 : i32
    %dma_start3A_38 = arith.constant 0 : i32
    %dma_start3A_39 = tpu.memref_slice %arg12[%dma_start3A_29, %dma_start3A_30, %dma_start3A_37, %dma_start3A_38] : memref<2x4x32x128xf32, #tpu.memory_space<vmem>> -> memref<1x1x32x128xf32, #tpu.memory_space<vmem>>
    %dma_start3A_40 = tpu.memref_squeeze %dma_start3A_39 : memref<1x1x32x128xf32, #tpu.memory_space<vmem>> -> memref<32x128xf32, #tpu.memory_space<vmem>>
    %dma_start3A_41 = arith.constant 0 : i32
    %dma_start3A_42 = tpu.memref_slice %arg5[%dma_start3A_41, %multiple_of3A_15] : memref<32x1000000xf32, #tpu.memory_space<hbm>> -> memref<32x128xf32, #tpu.memory_space<hbm>>
    tpu.enqueue_dma source(%dma_start3A_42 : memref<32x128xf32, #tpu.memory_space<hbm>>) target(%dma_start3A_40 : memref<32x128xf32, #tpu.memory_space<vmem>>) target_semaphore(%arg16 : memref<!tpu.dma_semaphore, #tpu.memory_space<semaphore_mem>>)
    %dma_start3A_43 = arith.constant 0 : i32
    %dma_start3A_44 = arith.constant 0 : i32
    %dma_start3A_45 = arith.constant 0 : i32
    %dma_start3A_46 = tpu.memref_slice %arg13[%dma_start3A_43, %dma_start3A_44, %dma_start3A_45] : memref<2x4x128xf32, #tpu.memory_space<vmem>> -> memref<1x1x128xf32, #tpu.memory_space<vmem>>
    %dma_start3A_47 = tpu.memref_squeeze %dma_start3A_46 : memref<1x1x128xf32, #tpu.memory_space<vmem>> -> memref<128xf32, #tpu.memory_space<vmem>>
    %dma_start3A_48 = tpu.memref_slice %arg6[%multiple_of3A] : memref<1000000xf32, #tpu.memory_space<hbm>> -> memref<128xf32, #tpu.memory_space<hbm>>
    %dma_start3A_49 = arith.constant 0 : i32
    %dma_start3A_50 = tpu.memref_slice %arg13[%dma_start3A_43, %dma_start3A_44, %dma_start3A_49] : memref<2x4x128xf32, #tpu.memory_space<vmem>> -> memref<1x1x128xf32, #tpu.memory_space<vmem>>
    %dma_start3A_51 = tpu.memref_squeeze %dma_start3A_50 : memref<1x1x128xf32, #tpu.memory_space<vmem>> -> memref<128xf32, #tpu.memory_space<vmem>>
    %dma_start3A_52 = tpu.memref_slice %arg6[%multiple_of3A] : memref<1000000xf32, #tpu.memory_space<hbm>> -> memref<128xf32, #tpu.memory_space<hbm>>
    tpu.enqueue_dma source(%dma_start3A_52 : memref<128xf32, #tpu.memory_space<hbm>>) target(%dma_start3A_51 : memref<128xf32, #tpu.memory_space<vmem>>) target_semaphore(%arg16 : memref<!tpu.dma_semaphore, #tpu.memory_space<semaphore_mem>>)
    %dma_start3A_53 = arith.constant 0 : i32
    %dma_start3A_54 = arith.constant 0 : i32
    %dma_start3A_55 = arith.constant 0 : i32
    %dma_start3A_56 = tpu.memref_slice %arg14[%dma_start3A_53, %dma_start3A_54, %dma_start3A_55] : memref<2x4x128xf32, #tpu.memory_space<vmem>> -> memref<1x1x128xf32, #tpu.memory_space<vmem>>
    %dma_start3A_57 = tpu.memref_squeeze %dma_start3A_56 : memref<1x1x128xf32, #tpu.memory_space<vmem>> -> memref<128xf32, #tpu.memory_space<vmem>>
    %dma_start3A_58 = tpu.memref_slice %arg7[%multiple_of3A_15] : memref<1000000xf32, #tpu.memory_space<hbm>> -> memref<128xf32, #tpu.memory_space<hbm>>
    %dma_start3A_59 = arith.constant 0 : i32
    %dma_start3A_60 = tpu.memref_slice %arg14[%dma_start3A_53, %dma_start3A_54, %dma_start3A_59] : memref<2x4x128xf32, #tpu.memory_space<vmem>> -> memref<1x1x128xf32, #tpu.memory_space<vmem>>
    %dma_start3A_61 = tpu.memref_squeeze %dma_start3A_60 : memref<1x1x128xf32, #tpu.memory_space<vmem>> -> memref<128xf32, #tpu.memory_space<vmem>>
    %dma_start3A_62 = tpu.memref_slice %arg7[%multiple_of3A_15] : memref<1000000xf32, #tpu.memory_space<hbm>> -> memref<128xf32, #tpu.memory_space<hbm>>
    tpu.enqueue_dma source(%dma_start3A_62 : memref<128xf32, #tpu.memory_space<hbm>>) target(%dma_start3A_61 : memref<128xf32, #tpu.memory_space<vmem>>) target_semaphore(%arg16 : memref<!tpu.dma_semaphore, #tpu.memory_space<semaphore_mem>>)
    %slice3A_63 = vector.extract_strided_slice %get3A_3 {offsets = [1], sizes = [1], strides = [1]} : vector<16xi32> to vector<1xi32>
    %squeeze3A_64 = vector.extract %slice3A_63[0] : i32 from vector<1xi32>
    %slice3A_65 = vector.extract_strided_slice %get3A_5 {offsets = [1], sizes = [1], strides = [1]} : vector<16xi32> to vector<1xi32>
    %squeeze3A_66 = vector.extract %slice3A_65[0] : i32 from vector<1xi32>
    %shift_right_arithmetic3A_67 = arith.constant 7 : i32
    %shift_right_arithmetic3A_68 = arith.shrsi %squeeze3A_64, %shift_right_arithmetic3A_67 : i32
    %mul3A_69 = arith.constant 128 : i32
    %mul3A_70 = arith.muli %shift_right_arithmetic3A_68, %mul3A_69 : i32
    %multiple_of3A_71 = tpu.assume_multiple %mul3A_70, 128 : i32
    %shift_right_arithmetic3A_72 = arith.constant 7 : i32
    %shift_right_arithmetic3A_73 = arith.shrsi %squeeze3A_66, %shift_right_arithmetic3A_72 : i32
    %mul3A_74 = arith.constant 128 : i32
    %mul3A_75 = arith.muli %shift_right_arithmetic3A_73, %mul3A_74 : i32
    %multiple_of3A_76 = tpu.assume_multiple %mul3A_75, 128 : i32
    %dma_start3A_77 = arith.constant 0 : i32
    %dma_start3A_78 = arith.constant 1 : i32
    %dma_start3A_79 = arith.constant 0 : i32
    %dma_start3A_80 = arith.constant 0 : i32
    %dma_start3A_81 = tpu.memref_slice %arg11[%dma_start3A_77, %dma_start3A_78, %dma_start3A_79, %dma_start3A_80] : memref<2x4x32x128xf32, #tpu.memory_space<vmem>> -> memref<1x1x32x128xf32, #tpu.memory_space<vmem>>
    %dma_start3A_82 = tpu.memref_squeeze %dma_start3A_81 : memref<1x1x32x128xf32, #tpu.memory_space<vmem>> -> memref<32x128xf32, #tpu.memory_space<vmem>>
    %dma_start3A_83 = arith.constant 0 : i32
    %dma_start3A_84 = tpu.memref_slice %arg4[%dma_start3A_83, %multiple_of3A_71] : memref<32x1000000xf32, #tpu.memory_space<hbm>> -> memref<32x128xf32, #tpu.memory_space<hbm>>
    %dma_start3A_85 = arith.constant 0 : i32
    %dma_start3A_86 = arith.constant 0 : i32
    %dma_start3A_87 = tpu.memref_slice %arg11[%dma_start3A_77, %dma_start3A_78, %dma_start3A_85, %dma_start3A_86] : memref<2x4x32x128xf32, #tpu.memory_space<vmem>> -> memref<1x1x32x128xf32, #tpu.memory_space<vmem>>
    %dma_start3A_88 = tpu.memref_squeeze %dma_start3A_87 : memref<1x1x32x128xf32, #tpu.memory_space<vmem>> -> memref<32x128xf32, #tpu.memory_space<vmem>>
    %dma_start3A_89 = arith.constant 0 : i32
    %dma_start3A_90 = tpu.memref_slice %arg4[%dma_start3A_89, %multiple_of3A_71] : memref<32x1000000xf32, #tpu.memory_space<hbm>> -> memref<32x128xf32, #tpu.memory_space<hbm>>
    tpu.enqueue_dma source(%dma_start3A_90 : memref<32x128xf32, #tpu.memory_space<hbm>>) target(%dma_start3A_88 : memref<32x128xf32, #tpu.memory_space<vmem>>) target_semaphore(%arg16 : memref<!tpu.dma_semaphore, #tpu.memory_space<semaphore_mem>>)
    %dma_start3A_91 = arith.constant 0 : i32
    %dma_start3A_92 = arith.constant 1 : i32
    %dma_start3A_93 = arith.constant 0 : i32
    %dma_start3A_94 = arith.constant 0 : i32
    %dma_start3A_95 = tpu.memref_slice %arg12[%dma_start3A_91, %dma_start3A_92, %dma_start3A_93, %dma_start3A_94] : memref<2x4x32x128xf32, #tpu.memory_space<vmem>> -> memref<1x1x32x128xf32, #tpu.memory_space<vmem>>
    %dma_start3A_96 = tpu.memref_squeeze %dma_start3A_95 : memref<1x1x32x128xf32, #tpu.memory_space<vmem>> -> memref<32x128xf32, #tpu.memory_space<vmem>>
    %dma_start3A_97 = arith.constant 0 : i32
    %dma_start3A_98 = tpu.memref_slice %arg5[%dma_start3A_97, %multiple_of3A_76] : memref<32x1000000xf32, #tpu.memory_space<hbm>> -> memref<32x128xf32, #tpu.memory_space<hbm>>
    %dma_start3A_99 = arith.constant 0 : i32
    %dma_start3A_100 = arith.constant 0 : i32
    %dma_start3A_101 = tpu.memref_slice %arg12[%dma_start3A_91, %dma_start3A_92, %dma_start3A_99, %dma_start3A_100] : memref<2x4x32x128xf32, #tpu.memory_space<vmem>> -> memref<1x1x32x128xf32, #tpu.memory_space<vmem>>
    %dma_start3A_102 = tpu.memref_squeeze %dma_start3A_101 : memref<1x1x32x128xf32, #tpu.memory_space<vmem>> -> memref<32x128xf32, #tpu.memory_space<vmem>>
    %dma_start3A_103 = arith.constant 0 : i32
    %dma_start3A_104 = tpu.memref_slice %arg5[%dma_start3A_103, %multiple_of3A_76] : memref<32x1000000xf32, #tpu.memory_space<hbm>> -> memref<32x128xf32, #tpu.memory_space<hbm>>
    tpu.enqueue_dma source(%dma_start3A_104 : memref<32x128xf32, #tpu.memory_space<hbm>>) target(%dma_start3A_102 : memref<32x128xf32, #tpu.memory_space<vmem>>) target_semaphore(%arg16 : memref<!tpu.dma_semaphore, #tpu.memory_space<semaphore_mem>>)
    %dma_start3A_105 = arith.constant 0 : i32
    %dma_start3A_106 = arith.constant 1 : i32
    %dma_start3A_107 = arith.constant 0 : i32
    %dma_start3A_108 = tpu.memref_slice %arg13[%dma_start3A_105, %dma_start3A_106, %dma_start3A_107] : memref<2x4x128xf32, #tpu.memory_space<vmem>> -> memref<1x1x128xf32, #tpu.memory_space<vmem>>
    %dma_start3A_109 = tpu.memref_squeeze %dma_start3A_108 : memref<1x1x128xf32, #tpu.memory_space<vmem>> -> memref<128xf32, #tpu.memory_space<vmem>>
    %dma_start3A_110 = tpu.memref_slice %arg6[%multiple_of3A_71] : memref<1000000xf32, #tpu.memory_space<hbm>> -> memref<128xf32, #tpu.memory_space<hbm>>
    %dma_start3A_111 = arith.constant 0 : i32
    %dma_start3A_112 = tpu.memref_slice %arg13[%dma_start3A_105, %dma_start3A_106, %dma_start3A_111] : memref<2x4x128xf32, #tpu.memory_space<vmem>> -> memref<1x1x128xf32, #tpu.memory_space<vmem>>
    %dma_start3A_113 = tpu.memref_squeeze %dma_start3A_112 : memref<1x1x128xf32, #tpu.memory_space<vmem>> -> memref<128xf32, #tpu.memory_space<vmem>>
    %dma_start3A_114 = tpu.memref_slice %arg6[%multiple_of3A_71] : memref<1000000xf32, #tpu.memory_space<hbm>> -> memref<128xf32, #tpu.memory_space<hbm>>
    tpu.enqueue_dma source(%dma_start3A_114 : memref<128xf32, #tpu.memory_space<hbm>>) target(%dma_start3A_113 : memref<128xf32, #tpu.memory_space<vmem>>) target_semaphore(%arg16 : memref<!tpu.dma_semaphore, #tpu.memory_space<semaphore_mem>>)
    %dma_start3A_115 = arith.constant 0 : i32
    %dma_start3A_116 = arith.constant 1 : i32
    %dma_start3A_117 = arith.constant 0 : i32
    %dma_start3A_118 = tpu.memref_slice %arg14[%dma_start3A_115, %dma_start3A_116, %dma_start3A_117] : memref<2x4x128xf32, #tpu.memory_space<vmem>> -> memref<1x1x128xf32, #tpu.memory_space<vmem>>
    %dma_start3A_119 = tpu.memref_squeeze %dma_start3A_118 : memref<1x1x128xf32, #tpu.memory_space<vmem>> -> memref<128xf32, #tpu.memory_space<vmem>>
    %dma_start3A_120 = tpu.memref_slice %arg7[%multiple_of3A_76] : memref<1000000xf32, #tpu.memory_space<hbm>> -> memref<128xf32, #tpu.memory_space<hbm>>
    %dma_start3A_121 = arith.constant 0 : i32
    %dma_start3A_122 = tpu.memref_slice %arg14[%dma_start3A_115, %dma_start3A_116, %dma_start3A_121] : memref<2x4x128xf32, #tpu.memory_space<vmem>> -> memref<1x1x128xf32, #tpu.memory_space<vmem>>
    %dma_start3A_123 = tpu.memref_squeeze %dma_start3A_122 : memref<1x1x128xf32, #tpu.memory_space<vmem>> -> memref<128xf32, #tpu.memory_space<vmem>>
    %dma_start3A_124 = tpu.memref_slice %arg7[%multiple_of3A_76] : memref<1000000xf32, #tpu.memory_space<hbm>> -> memref<128xf32, #tpu.memory_space<hbm>>
    tpu.enqueue_dma source(%dma_start3A_124 : memref<128xf32, #tpu.memory_space<hbm>>) target(%dma_start3A_123 : memref<128xf32, #tpu.memory_space<vmem>>) target_semaphore(%arg16 : memref<!tpu.dma_semaphore, #tpu.memory_space<semaphore_mem>>)
    %slice3A_125 = vector.extract_strided_slice %get3A_3 {offsets = [2], sizes = [1], strides = [1]} : vector<16xi32> to vector<1xi32>
    %squeeze3A_126 = vector.extract %slice3A_125[0] : i32 from vector<1xi32>
    %slice3A_127 = vector.extract_strided_slice %get3A_5 {offsets = [2], sizes = [1], strides = [1]} : vector<16xi32> to vector<1xi32>
    %squeeze3A_128 = vector.extract %slice3A_127[0] : i32 from vector<1xi32>
    %shift_right_arithmetic3A_129 = arith.constant 7 : i32
    %shift_right_arithmetic3A_130 = arith.shrsi %squeeze3A_126, %shift_right_arithmetic3A_129 : i32
    %mul3A_131 = arith.constant 128 : i32
    %mul3A_132 = arith.muli %shift_right_arithmetic3A_130, %mul3A_131 : i32
    %multiple_of3A_133 = tpu.assume_multiple %mul3A_132, 128 : i32
    %shift_right_arithmetic3A_134 = arith.constant 7 : i32
    %shift_right_arithmetic3A_135 = arith.shrsi %squeeze3A_128, %shift_right_arithmetic3A_134 : i32
    %mul3A_136 = arith.constant 128 : i32
    %mul3A_137 = arith.muli %shift_right_arithmetic3A_135, %mul3A_136 : i32
    %multiple_of3A_138 = tpu.assume_multiple %mul3A_137, 128 : i32
    %dma_start3A_139 = arith.constant 0 : i32
    %dma_start3A_140 = arith.constant 2 : i32
    %dma_start3A_141 = arith.constant 0 : i32
    %dma_start3A_142 = arith.constant 0 : i32
    %dma_start3A_143 = tpu.memref_slice %arg11[%dma_start3A_139, %dma_start3A_140, %dma_start3A_141, %dma_start3A_142] : memref<2x4x32x128xf32, #tpu.memory_space<vmem>> -> memref<1x1x32x128xf32, #tpu.memory_space<vmem>>
    %dma_start3A_144 = tpu.memref_squeeze %dma_start3A_143 : memref<1x1x32x128xf32, #tpu.memory_space<vmem>> -> memref<32x128xf32, #tpu.memory_space<vmem>>
    %dma_start3A_145 = arith.constant 0 : i32
    %dma_start3A_146 = tpu.memref_slice %arg4[%dma_start3A_145, %multiple_of3A_133] : memref<32x1000000xf32, #tpu.memory_space<hbm>> -> memref<32x128xf32, #tpu.memory_space<hbm>>
    %dma_start3A_147 = arith.constant 0 : i32
    %dma_start3A_148 = arith.constant 0 : i32
    %dma_start3A_149 = tpu.memref_slice %arg11[%dma_start3A_139, %dma_start3A_140, %dma_start3A_147, %dma_start3A_148] : memref<2x4x32x128xf32, #tpu.memory_space<vmem>> -> memref<1x1x32x128xf32, #tpu.memory_space<vmem>>
    %dma_start3A_150 = tpu.memref_squeeze %dma_start3A_149 : memref<1x1x32x128xf32, #tpu.memory_space<vmem>> -> memref<32x128xf32, #tpu.memory_space<vmem>>
    %dma_start3A_151 = arith.constant 0 : i32
    %dma_start3A_152 = tpu.memref_slice %arg4[%dma_start3A_151, %multiple_of3A_133] : memref<32x1000000xf32, #tpu.memory_space<hbm>> -> memref<32x128xf32, #tpu.memory_space<hbm>>
    tpu.enqueue_dma source(%dma_start3A_152 : memref<32x128xf32, #tpu.memory_space<hbm>>) target(%dma_start3A_150 : memref<32x128xf32, #tpu.memory_space<vmem>>) target_semaphore(%arg16 : memref<!tpu.dma_semaphore, #tpu.memory_space<semaphore_mem>>)
    %dma_start3A_153 = arith.constant 0 : i32
    %dma_start3A_154 = arith.constant 2 : i32
    %dma_start3A_155 = arith.constant 0 : i32
    %dma_start3A_156 = arith.constant 0 : i32
    %dma_start3A_157 = tpu.memref_slice %arg12[%dma_start3A_153, %dma_start3A_154, %dma_start3A_155, %dma_start3A_156] : memref<2x4x32x128xf32, #tpu.memory_space<vmem>> -> memref<1x1x32x128xf32, #tpu.memory_space<vmem>>
    %dma_start3A_158 = tpu.memref_squeeze %dma_start3A_157 : memref<1x1x32x128xf32, #tpu.memory_space<vmem>> -> memref<32x128xf32, #tpu.memory_space<vmem>>
    %dma_start3A_159 = arith.constant 0 : i32
    %dma_start3A_160 = tpu.memref_slice %arg5[%dma_start3A_159, %multiple_of3A_138] : memref<32x1000000xf32, #tpu.memory_space<hbm>> -> memref<32x128xf32, #tpu.memory_space<hbm>>
    %dma_start3A_161 = arith.constant 0 : i32
    %dma_start3A_162 = arith.constant 0 : i32
    %dma_start3A_163 = tpu.memref_slice %arg12[%dma_start3A_153, %dma_start3A_154, %dma_start3A_161, %dma_start3A_162] : memref<2x4x32x128xf32, #tpu.memory_space<vmem>> -> memref<1x1x32x128xf32, #tpu.memory_space<vmem>>
    %dma_start3A_164 = tpu.memref_squeeze %dma_start3A_163 : memref<1x1x32x128xf32, #tpu.memory_space<vmem>> -> memref<32x128xf32, #tpu.memory_space<vmem>>
    %dma_start3A_165 = arith.constant 0 : i32
    %dma_start3A_166 = tpu.memref_slice %arg5[%dma_start3A_165, %multiple_of3A_138] : memref<32x1000000xf32, #tpu.memory_space<hbm>> -> memref<32x128xf32, #tpu.memory_space<hbm>>
    tpu.enqueue_dma source(%dma_start3A_166 : memref<32x128xf32, #tpu.memory_space<hbm>>) target(%dma_start3A_164 : memref<32x128xf32, #tpu.memory_space<vmem>>) target_semaphore(%arg16 : memref<!tpu.dma_semaphore, #tpu.memory_space<semaphore_mem>>)
    %dma_start3A_167 = arith.constant 0 : i32
    %dma_start3A_168 = arith.constant 2 : i32
    %dma_start3A_169 = arith.constant 0 : i32
    %dma_start3A_170 = tpu.memref_slice %arg13[%dma_start3A_167, %dma_start3A_168, %dma_start3A_169] : memref<2x4x128xf32, #tpu.memory_space<vmem>> -> memref<1x1x128xf32, #tpu.memory_space<vmem>>
    %dma_start3A_171 = tpu.memref_squeeze %dma_start3A_170 : memref<1x1x128xf32, #tpu.memory_space<vmem>> -> memref<128xf32, #tpu.memory_space<vmem>>
    %dma_start3A_172 = tpu.memref_slice %arg6[%multiple_of3A_133] : memref<1000000xf32, #tpu.memory_space<hbm>> -> memref<128xf32, #tpu.memory_space<hbm>>
    %dma_start3A_173 = arith.constant 0 : i32
    %dma_start3A_174 = tpu.memref_slice %arg13[%dma_start3A_167, %dma_start3A_168, %dma_start3A_173] : memref<2x4x128xf32, #tpu.memory_space<vmem>> -> memref<1x1x128xf32, #tpu.memory_space<vmem>>
    %dma_start3A_175 = tpu.memref_squeeze %dma_start3A_174 : memref<1x1x128xf32, #tpu.memory_space<vmem>> -> memref<128xf32, #tpu.memory_space<vmem>>
    %dma_start3A_176 = tpu.memref_slice %arg6[%multiple_of3A_133] : memref<1000000xf32, #tpu.memory_space<hbm>> -> memref<128xf32, #tpu.memory_space<hbm>>
    tpu.enqueue_dma source(%dma_start3A_176 : memref<128xf32, #tpu.memory_space<hbm>>) target(%dma_start3A_175 : memref<128xf32, #tpu.memory_space<vmem>>) target_semaphore(%arg16 : memref<!tpu.dma_semaphore, #tpu.memory_space<semaphore_mem>>)
    %dma_start3A_177 = arith.constant 0 : i32
    %dma_start3A_178 = arith.constant 2 : i32
    %dma_start3A_179 = arith.constant 0 : i32
    %dma_start3A_180 = tpu.memref_slice %arg14[%dma_start3A_177, %dma_start3A_178, %dma_start3A_179] : memref<2x4x128xf32, #tpu.memory_space<vmem>> -> memref<1x1x128xf32, #tpu.memory_space<vmem>>
    %dma_start3A_181 = tpu.memref_squeeze %dma_start3A_180 : memref<1x1x128xf32, #tpu.memory_space<vmem>> -> memref<128xf32, #tpu.memory_space<vmem>>
    %dma_start3A_182 = tpu.memref_slice %arg7[%multiple_of3A_138] : memref<1000000xf32, #tpu.memory_space<hbm>> -> memref<128xf32, #tpu.memory_space<hbm>>
    %dma_start3A_183 = arith.constant 0 : i32
    %dma_start3A_184 = tpu.memref_slice %arg14[%dma_start3A_177, %dma_start3A_178, %dma_start3A_183] : memref<2x4x128xf32, #tpu.memory_space<vmem>> -> memref<1x1x128xf32, #tpu.memory_space<vmem>>
    %dma_start3A_185 = tpu.memref_squeeze %dma_start3A_184 : memref<1x1x128xf32, #tpu.memory_space<vmem>> -> memref<128xf32, #tpu.memory_space<vmem>>
    %dma_start3A_186 = tpu.memref_slice %arg7[%multiple_of3A_138] : memref<1000000xf32, #tpu.memory_space<hbm>> -> memref<128xf32, #tpu.memory_space<hbm>>
    tpu.enqueue_dma source(%dma_start3A_186 : memref<128xf32, #tpu.memory_space<hbm>>) target(%dma_start3A_185 : memref<128xf32, #tpu.memory_space<vmem>>) target_semaphore(%arg16 : memref<!tpu.dma_semaphore, #tpu.memory_space<semaphore_mem>>)
    %slice3A_187 = vector.extract_strided_slice %get3A_3 {offsets = [3], sizes = [1], strides = [1]} : vector<16xi32> to vector<1xi32>
    %squeeze3A_188 = vector.extract %slice3A_187[0] : i32 from vector<1xi32>
    %slice3A_189 = vector.extract_strided_slice %get3A_5 {offsets = [3], sizes = [1], strides = [1]} : vector<16xi32> to vector<1xi32>
    %squeeze3A_190 = vector.extract %slice3A_189[0] : i32 from vector<1xi32>
    %shift_right_arithmetic3A_191 = arith.constant 7 : i32
    %shift_right_arithmetic3A_192 = arith.shrsi %squeeze3A_188, %shift_right_arithmetic3A_191 : i32
    %mul3A_193 = arith.constant 128 : i32
    %mul3A_194 = arith.muli %shift_right_arithmetic3A_192, %mul3A_193 : i32
    %multiple_of3A_195 = tpu.assume_multiple %mul3A_194, 128 : i32
    %shift_right_arithmetic3A_196 = arith.constant 7 : i32
    %shift_right_arithmetic3A_197 = arith.shrsi %squeeze3A_190, %shift_right_arithmetic3A_196 : i32
    %mul3A_198 = arith.constant 128 : i32
    %mul3A_199 = arith.muli %shift_right_arithmetic3A_197, %mul3A_198 : i32
    %multiple_of3A_200 = tpu.assume_multiple %mul3A_199, 128 : i32
    %dma_start3A_201 = arith.constant 0 : i32
    %dma_start3A_202 = arith.constant 3 : i32
    %dma_start3A_203 = arith.constant 0 : i32
    %dma_start3A_204 = arith.constant 0 : i32
    %dma_start3A_205 = tpu.memref_slice %arg11[%dma_start3A_201, %dma_start3A_202, %dma_start3A_203, %dma_start3A_204] : memref<2x4x32x128xf32, #tpu.memory_space<vmem>> -> memref<1x1x32x128xf32, #tpu.memory_space<vmem>>
    %dma_start3A_206 = tpu.memref_squeeze %dma_start3A_205 : memref<1x1x32x128xf32, #tpu.memory_space<vmem>> -> memref<32x128xf32, #tpu.memory_space<vmem>>
    %dma_start3A_207 = arith.constant 0 : i32
    %dma_start3A_208 = tpu.memref_slice %arg4[%dma_start3A_207, %multiple_of3A_195] : memref<32x1000000xf32, #tpu.memory_space<hbm>> -> memref<32x128xf32, #tpu.memory_space<hbm>>
    %dma_start3A_209 = arith.constant 0 : i32
    %dma_start3A_210 = arith.constant 0 : i32
    %dma_start3A_211 = tpu.memref_slice %arg11[%dma_start3A_201, %dma_start3A_202, %dma_start3A_209, %dma_start3A_210] : memref<2x4x32x128xf32, #tpu.memory_space<vmem>> -> memref<1x1x32x128xf32, #tpu.memory_space<vmem>>
    %dma_start3A_212 = tpu.memref_squeeze %dma_start3A_211 : memref<1x1x32x128xf32, #tpu.memory_space<vmem>> -> memref<32x128xf32, #tpu.memory_space<vmem>>
    %dma_start3A_213 = arith.constant 0 : i32
    %dma_start3A_214 = tpu.memref_slice %arg4[%dma_start3A_213, %multiple_of3A_195] : memref<32x1000000xf32, #tpu.memory_space<hbm>> -> memref<32x128xf32, #tpu.memory_space<hbm>>
    tpu.enqueue_dma source(%dma_start3A_214 : memref<32x128xf32, #tpu.memory_space<hbm>>) target(%dma_start3A_212 : memref<32x128xf32, #tpu.memory_space<vmem>>) target_semaphore(%arg16 : memref<!tpu.dma_semaphore, #tpu.memory_space<semaphore_mem>>)
    %dma_start3A_215 = arith.constant 0 : i32
    %dma_start3A_216 = arith.constant 3 : i32
    %dma_start3A_217 = arith.constant 0 : i32
    %dma_start3A_218 = arith.constant 0 : i32
    %dma_start3A_219 = tpu.memref_slice %arg12[%dma_start3A_215, %dma_start3A_216, %dma_start3A_217, %dma_start3A_218] : memref<2x4x32x128xf32, #tpu.memory_space<vmem>> -> memref<1x1x32x128xf32, #tpu.memory_space<vmem>>
    %dma_start3A_220 = tpu.memref_squeeze %dma_start3A_219 : memref<1x1x32x128xf32, #tpu.memory_space<vmem>> -> memref<32x128xf32, #tpu.memory_space<vmem>>
    %dma_start3A_221 = arith.constant 0 : i32
    %dma_start3A_222 = tpu.memref_slice %arg5[%dma_start3A_221, %multiple_of3A_200] : memref<32x1000000xf32, #tpu.memory_space<hbm>> -> memref<32x128xf32, #tpu.memory_space<hbm>>
    %dma_start3A_223 = arith.constant 0 : i32
    %dma_start3A_224 = arith.constant 0 : i32
    %dma_start3A_225 = tpu.memref_slice %arg12[%dma_start3A_215, %dma_start3A_216, %dma_start3A_223, %dma_start3A_224] : memref<2x4x32x128xf32, #tpu.memory_space<vmem>> -> memref<1x1x32x128xf32, #tpu.memory_space<vmem>>
    %dma_start3A_226 = tpu.memref_squeeze %dma_start3A_225 : memref<1x1x32x128xf32, #tpu.memory_space<vmem>> -> memref<32x128xf32, #tpu.memory_space<vmem>>
    %dma_start3A_227 = arith.constant 0 : i32
    %dma_start3A_228 = tpu.memref_slice %arg5[%dma_start3A_227, %multiple_of3A_200] : memref<32x1000000xf32, #tpu.memory_space<hbm>> -> memref<32x128xf32, #tpu.memory_space<hbm>>
    tpu.enqueue_dma source(%dma_start3A_228 : memref<32x128xf32, #tpu.memory_space<hbm>>) target(%dma_start3A_226 : memref<32x128xf32, #tpu.memory_space<vmem>>) target_semaphore(%arg16 : memref<!tpu.dma_semaphore, #tpu.memory_space<semaphore_mem>>)
    %dma_start3A_229 = arith.constant 0 : i32
    %dma_start3A_230 = arith.constant 3 : i32
    %dma_start3A_231 = arith.constant 0 : i32
    %dma_start3A_232 = tpu.memref_slice %arg13[%dma_start3A_229, %dma_start3A_230, %dma_start3A_231] : memref<2x4x128xf32, #tpu.memory_space<vmem>> -> memref<1x1x128xf32, #tpu.memory_space<vmem>>
    %dma_start3A_233 = tpu.memref_squeeze %dma_start3A_232 : memref<1x1x128xf32, #tpu.memory_space<vmem>> -> memref<128xf32, #tpu.memory_space<vmem>>
    %dma_start3A_234 = tpu.memref_slice %arg6[%multiple_of3A_195] : memref<1000000xf32, #tpu.memory_space<hbm>> -> memref<128xf32, #tpu.memory_space<hbm>>
    %dma_start3A_235 = arith.constant 0 : i32
    %dma_start3A_236 = tpu.memref_slice %arg13[%dma_start3A_229, %dma_start3A_230, %dma_start3A_235] : memref<2x4x128xf32, #tpu.memory_space<vmem>> -> memref<1x1x128xf32, #tpu.memory_space<vmem>>
    %dma_start3A_237 = tpu.memref_squeeze %dma_start3A_236 : memref<1x1x128xf32, #tpu.memory_space<vmem>> -> memref<128xf32, #tpu.memory_space<vmem>>
    %dma_start3A_238 = tpu.memref_slice %arg6[%multiple_of3A_195] : memref<1000000xf32, #tpu.memory_space<hbm>> -> memref<128xf32, #tpu.memory_space<hbm>>
    tpu.enqueue_dma source(%dma_start3A_238 : memref<128xf32, #tpu.memory_space<hbm>>) target(%dma_start3A_237 : memref<128xf32, #tpu.memory_space<vmem>>) target_semaphore(%arg16 : memref<!tpu.dma_semaphore, #tpu.memory_space<semaphore_mem>>)
    %dma_start3A_239 = arith.constant 0 : i32
    %dma_start3A_240 = arith.constant 3 : i32
    %dma_start3A_241 = arith.constant 0 : i32
    %dma_start3A_242 = tpu.memref_slice %arg14[%dma_start3A_239, %dma_start3A_240, %dma_start3A_241] : memref<2x4x128xf32, #tpu.memory_space<vmem>> -> memref<1x1x128xf32, #tpu.memory_space<vmem>>
    %dma_start3A_243 = tpu.memref_squeeze %dma_start3A_242 : memref<1x1x128xf32, #tpu.memory_space<vmem>> -> memref<128xf32, #tpu.memory_space<vmem>>
    %dma_start3A_244 = tpu.memref_slice %arg7[%multiple_of3A_200] : memref<1000000xf32, #tpu.memory_space<hbm>> -> memref<128xf32, #tpu.memory_space<hbm>>
    %dma_start3A_245 = arith.constant 0 : i32
    %dma_start3A_246 = tpu.memref_slice %arg14[%dma_start3A_239, %dma_start3A_240, %dma_start3A_245] : memref<2x4x128xf32, #tpu.memory_space<vmem>> -> memref<1x1x128xf32, #tpu.memory_space<vmem>>
    %dma_start3A_247 = tpu.memref_squeeze %dma_start3A_246 : memref<1x1x128xf32, #tpu.memory_space<vmem>> -> memref<128xf32, #tpu.memory_space<vmem>>
    %dma_start3A_248 = tpu.memref_slice %arg7[%multiple_of3A_200] : memref<1000000xf32, #tpu.memory_space<hbm>> -> memref<128xf32, #tpu.memory_space<hbm>>
    tpu.enqueue_dma source(%dma_start3A_248 : memref<128xf32, #tpu.memory_space<hbm>>) target(%dma_start3A_247 : memref<128xf32, #tpu.memory_space<vmem>>) target_semaphore(%arg16 : memref<!tpu.dma_semaphore, #tpu.memory_space<semaphore_mem>>)
    %broadcast_in_dim3A = arith.constant 0.000000e+00 : f32
    %broadcast_in_dim3A_249 = vector.broadcast %broadcast_in_dim3A : f32 to vector<16xf32>
    %scan3A = arith.constant 0 : i32
    %scan3A_250 = arith.constant 64 : i32
    %scan3A_251 = arith.addi %scan3A, %scan3A_250 : i32
    %scan3A_252 = arith.constant 1 : i32
    %scan3A_253 = scf.for %scan3A_255 = %scan3A to %scan3A_251 step %scan3A_252 iter_args(%scan3A_256 = %broadcast_in_dim3A_249) -> (vector<16xf32>)  : i32 {
      %mul3A_257 = arith.constant 2 : i32
      %mul3A_258 = arith.muli %mul3A_257, %scan3A_255 : i32
      %mul3A_259 = arith.constant 2 : i32
      %mul3A_260 = arith.muli %mul3A_259, %scan3A_255 : i32
      %add3A_261 = arith.constant 1 : i32
      %add3A_262 = arith.addi %mul3A_260, %add3A_261 : i32
      %mul3A_263 = arith.constant 4 : i32
      %mul3A_264 = arith.muli %add3A_262, %mul3A_263 : i32
      %get3A_265 = arith.index_cast %mul3A_264 : i32 to index
      %get3A_266 = tpu.vector_load %arg9[%get3A_265] {strides = array<i32>} : memref<528xi32, #tpu.memory_space<vmem>>, vector<16xi32>,
      %mul3A_267 = arith.constant 4 : i32
      %mul3A_268 = arith.muli %add3A_262, %mul3A_267 : i32
      %get3A_269 = arith.index_cast %mul3A_268 : i32 to index
      %get3A_270 = tpu.vector_load %arg10[%get3A_269] {strides = array<i32>} : memref<528xi32, #tpu.memory_space<vmem>>, vector<16xi32>,
      %slice3A_271 = vector.extract_strided_slice %get3A_266 {offsets = [0], sizes = [1], strides = [1]} : vector<16xi32> to vector<1xi32>
      %squeeze3A_272 = vector.extract %slice3A_271[0] : i32 from vector<1xi32>
      %slice3A_273 = vector.extract_strided_slice %get3A_270 {offsets = [0], sizes = [1], strides = [1]} : vector<16xi32> to vector<1xi32>
      %squeeze3A_274 = vector.extract %slice3A_273[0] : i32 from vector<1xi32>
      %shift_right_arithmetic3A_275 = arith.constant 7 : i32
      %shift_right_arithmetic3A_276 = arith.shrsi %squeeze3A_272, %shift_right_arithmetic3A_275 : i32
      %mul3A_277 = arith.constant 128 : i32
      %mul3A_278 = arith.muli %shift_right_arithmetic3A_276, %mul3A_277 : i32
      %multiple_of3A_279 = tpu.assume_multiple %mul3A_278, 128 : i32
      %shift_right_arithmetic3A_280 = arith.constant 7 : i32
      %shift_right_arithmetic3A_281 = arith.shrsi %squeeze3A_274, %shift_right_arithmetic3A_280 : i32
      %mul3A_282 = arith.constant 128 : i32
      %mul3A_283 = arith.muli %shift_right_arithmetic3A_281, %mul3A_282 : i32
      %multiple_of3A_284 = tpu.assume_multiple %mul3A_283, 128 : i32
      %dma_start3A_285 = arith.constant 1 : i32
      %dma_start3A_286 = arith.constant 0 : i32
      %dma_start3A_287 = arith.constant 0 : i32
      %dma_start3A_288 = arith.constant 0 : i32
      %dma_start3A_289 = tpu.memref_slice %arg11[%dma_start3A_285, %dma_start3A_286, %dma_start3A_287, %dma_start3A_288] : memref<2x4x32x128xf32, #tpu.memory_space<vmem>> -> memref<1x1x32x128xf32, #tpu.memory_space<vmem>>
      %dma_start3A_290 = tpu.memref_squeeze %dma_start3A_289 : memref<1x1x32x128xf32, #tpu.memory_space<vmem>> -> memref<32x128xf32, #tpu.memory_space<vmem>>
      %dma_start3A_291 = arith.constant 0 : i32
      %dma_start3A_292 = tpu.memref_slice %arg4[%dma_start3A_291, %multiple_of3A_279] : memref<32x1000000xf32, #tpu.memory_space<hbm>> -> memref<32x128xf32, #tpu.memory_space<hbm>>
      %dma_start3A_293 = arith.constant 0 : i32
      %dma_start3A_294 = arith.constant 0 : i32
      %dma_start3A_295 = tpu.memref_slice %arg11[%dma_start3A_285, %dma_start3A_286, %dma_start3A_293, %dma_start3A_294] : memref<2x4x32x128xf32, #tpu.memory_space<vmem>> -> memref<1x1x32x128xf32, #tpu.memory_space<vmem>>
      %dma_start3A_296 = tpu.memref_squeeze %dma_start3A_295 : memref<1x1x32x128xf32, #tpu.memory_space<vmem>> -> memref<32x128xf32, #tpu.memory_space<vmem>>
      %dma_start3A_297 = arith.constant 0 : i32
      %dma_start3A_298 = tpu.memref_slice %arg4[%dma_start3A_297, %multiple_of3A_279] : memref<32x1000000xf32, #tpu.memory_space<hbm>> -> memref<32x128xf32, #tpu.memory_space<hbm>>
      tpu.enqueue_dma source(%dma_start3A_298 : memref<32x128xf32, #tpu.memory_space<hbm>>) target(%dma_start3A_296 : memref<32x128xf32, #tpu.memory_space<vmem>>) target_semaphore(%arg17 : memref<!tpu.dma_semaphore, #tpu.memory_space<semaphore_mem>>)
      %dma_start3A_299 = arith.constant 1 : i32
      %dma_start3A_300 = arith.constant 0 : i32
      %dma_start3A_301 = arith.constant 0 : i32
      %dma_start3A_302 = arith.constant 0 : i32
      %dma_start3A_303 = tpu.memref_slice %arg12[%dma_start3A_299, %dma_start3A_300, %dma_start3A_301, %dma_start3A_302] : memref<2x4x32x128xf32, #tpu.memory_space<vmem>> -> memref<1x1x32x128xf32, #tpu.memory_space<vmem>>
      %dma_start3A_304 = tpu.memref_squeeze %dma_start3A_303 : memref<1x1x32x128xf32, #tpu.memory_space<vmem>> -> memref<32x128xf32, #tpu.memory_space<vmem>>
      %dma_start3A_305 = arith.constant 0 : i32
      %dma_start3A_306 = tpu.memref_slice %arg5[%dma_start3A_305, %multiple_of3A_284] : memref<32x1000000xf32, #tpu.memory_space<hbm>> -> memref<32x128xf32, #tpu.memory_space<hbm>>
      %dma_start3A_307 = arith.constant 0 : i32
      %dma_start3A_308 = arith.constant 0 : i32
      %dma_start3A_309 = tpu.memref_slice %arg12[%dma_start3A_299, %dma_start3A_300, %dma_start3A_307, %dma_start3A_308] : memref<2x4x32x128xf32, #tpu.memory_space<vmem>> -> memref<1x1x32x128xf32, #tpu.memory_space<vmem>>
      %dma_start3A_310 = tpu.memref_squeeze %dma_start3A_309 : memref<1x1x32x128xf32, #tpu.memory_space<vmem>> -> memref<32x128xf32, #tpu.memory_space<vmem>>
      %dma_start3A_311 = arith.constant 0 : i32
      %dma_start3A_312 = tpu.memref_slice %arg5[%dma_start3A_311, %multiple_of3A_284] : memref<32x1000000xf32, #tpu.memory_space<hbm>> -> memref<32x128xf32, #tpu.memory_space<hbm>>
      tpu.enqueue_dma source(%dma_start3A_312 : memref<32x128xf32, #tpu.memory_space<hbm>>) target(%dma_start3A_310 : memref<32x128xf32, #tpu.memory_space<vmem>>) target_semaphore(%arg17 : memref<!tpu.dma_semaphore, #tpu.memory_space<semaphore_mem>>)
      %dma_start3A_313 = arith.constant 1 : i32
      %dma_start3A_314 = arith.constant 0 : i32
      %dma_start3A_315 = arith.constant 0 : i32
      %dma_start3A_316 = tpu.memref_slice %arg13[%dma_start3A_313, %dma_start3A_314, %dma_start3A_315] : memref<2x4x128xf32, #tpu.memory_space<vmem>> -> memref<1x1x128xf32, #tpu.memory_space<vmem>>
      %dma_start3A_317 = tpu.memref_squeeze %dma_start3A_316 : memref<1x1x128xf32, #tpu.memory_space<vmem>> -> memref<128xf32, #tpu.memory_space<vmem>>
      %dma_start3A_318 = tpu.memref_slice %arg6[%multiple_of3A_279] : memref<1000000xf32, #tpu.memory_space<hbm>> -> memref<128xf32, #tpu.memory_space<hbm>>
      %dma_start3A_319 = arith.constant 0 : i32
      %dma_start3A_320 = tpu.memref_slice %arg13[%dma_start3A_313, %dma_start3A_314, %dma_start3A_319] : memref<2x4x128xf32, #tpu.memory_space<vmem>> -> memref<1x1x128xf32, #tpu.memory_space<vmem>>
      %dma_start3A_321 = tpu.memref_squeeze %dma_start3A_320 : memref<1x1x128xf32, #tpu.memory_space<vmem>> -> memref<128xf32, #tpu.memory_space<vmem>>
      %dma_start3A_322 = tpu.memref_slice %arg6[%multiple_of3A_279] : memref<1000000xf32, #tpu.memory_space<hbm>> -> memref<128xf32, #tpu.memory_space<hbm>>
      tpu.enqueue_dma source(%dma_start3A_322 : memref<128xf32, #tpu.memory_space<hbm>>) target(%dma_start3A_321 : memref<128xf32, #tpu.memory_space<vmem>>) target_semaphore(%arg17 : memref<!tpu.dma_semaphore, #tpu.memory_space<semaphore_mem>>)
      %dma_start3A_323 = arith.constant 1 : i32
      %dma_start3A_324 = arith.constant 0 : i32
      %dma_start3A_325 = arith.constant 0 : i32
      %dma_start3A_326 = tpu.memref_slice %arg14[%dma_start3A_323, %dma_start3A_324, %dma_start3A_325] : memref<2x4x128xf32, #tpu.memory_space<vmem>> -> memref<1x1x128xf32, #tpu.memory_space<vmem>>
      %dma_start3A_327 = tpu.memref_squeeze %dma_start3A_326 : memref<1x1x128xf32, #tpu.memory_space<vmem>> -> memref<128xf32, #tpu.memory_space<vmem>>
      %dma_start3A_328 = tpu.memref_slice %arg7[%multiple_of3A_284] : memref<1000000xf32, #tpu.memory_space<hbm>> -> memref<128xf32, #tpu.memory_space<hbm>>
      %dma_start3A_329 = arith.constant 0 : i32
      %dma_start3A_330 = tpu.memref_slice %arg14[%dma_start3A_323, %dma_start3A_324, %dma_start3A_329] : memref<2x4x128xf32, #tpu.memory_space<vmem>> -> memref<1x1x128xf32, #tpu.memory_space<vmem>>
      %dma_start3A_331 = tpu.memref_squeeze %dma_start3A_330 : memref<1x1x128xf32, #tpu.memory_space<vmem>> -> memref<128xf32, #tpu.memory_space<vmem>>
      %dma_start3A_332 = tpu.memref_slice %arg7[%multiple_of3A_284] : memref<1000000xf32, #tpu.memory_space<hbm>> -> memref<128xf32, #tpu.memory_space<hbm>>
      tpu.enqueue_dma source(%dma_start3A_332 : memref<128xf32, #tpu.memory_space<hbm>>) target(%dma_start3A_331 : memref<128xf32, #tpu.memory_space<vmem>>) target_semaphore(%arg17 : memref<!tpu.dma_semaphore, #tpu.memory_space<semaphore_mem>>)
      %slice3A_333 = vector.extract_strided_slice %get3A_266 {offsets = [1], sizes = [1], strides = [1]} : vector<16xi32> to vector<1xi32>
      %squeeze3A_334 = vector.extract %slice3A_333[0] : i32 from vector<1xi32>
      %slice3A_335 = vector.extract_strided_slice %get3A_270 {offsets = [1], sizes = [1], strides = [1]} : vector<16xi32> to vector<1xi32>
      %squeeze3A_336 = vector.extract %slice3A_335[0] : i32 from vector<1xi32>
      %shift_right_arithmetic3A_337 = arith.constant 7 : i32
      %shift_right_arithmetic3A_338 = arith.shrsi %squeeze3A_334, %shift_right_arithmetic3A_337 : i32
      %mul3A_339 = arith.constant 128 : i32
      %mul3A_340 = arith.muli %shift_right_arithmetic3A_338, %mul3A_339 : i32
      %multiple_of3A_341 = tpu.assume_multiple %mul3A_340, 128 : i32
      %shift_right_arithmetic3A_342 = arith.constant 7 : i32
      %shift_right_arithmetic3A_343 = arith.shrsi %squeeze3A_336, %shift_right_arithmetic3A_342 : i32
      %mul3A_344 = arith.constant 128 : i32
      %mul3A_345 = arith.muli %shift_right_arithmetic3A_343, %mul3A_344 : i32
      %multiple_of3A_346 = tpu.assume_multiple %mul3A_345, 128 : i32
      %dma_start3A_347 = arith.constant 1 : i32
      %dma_start3A_348 = arith.constant 1 : i32
      %dma_start3A_349 = arith.constant 0 : i32
      %dma_start3A_350 = arith.constant 0 : i32
      %dma_start3A_351 = tpu.memref_slice %arg11[%dma_start3A_347, %dma_start3A_348, %dma_start3A_349, %dma_start3A_350] : memref<2x4x32x128xf32, #tpu.memory_space<vmem>> -> memref<1x1x32x128xf32, #tpu.memory_space<vmem>>
      %dma_start3A_352 = tpu.memref_squeeze %dma_start3A_351 : memref<1x1x32x128xf32, #tpu.memory_space<vmem>> -> memref<32x128xf32, #tpu.memory_space<vmem>>
      %dma_start3A_353 = arith.constant 0 : i32
      %dma_start3A_354 = tpu.memref_slice %arg4[%dma_start3A_353, %multiple_of3A_341] : memref<32x1000000xf32, #tpu.memory_space<hbm>> -> memref<32x128xf32, #tpu.memory_space<hbm>>
      %dma_start3A_355 = arith.constant 0 : i32
      %dma_start3A_356 = arith.constant 0 : i32
      %dma_start3A_357 = tpu.memref_slice %arg11[%dma_start3A_347, %dma_start3A_348, %dma_start3A_355, %dma_start3A_356] : memref<2x4x32x128xf32, #tpu.memory_space<vmem>> -> memref<1x1x32x128xf32, #tpu.memory_space<vmem>>
      %dma_start3A_358 = tpu.memref_squeeze %dma_start3A_357 : memref<1x1x32x128xf32, #tpu.memory_space<vmem>> -> memref<32x128xf32, #tpu.memory_space<vmem>>
      %dma_start3A_359 = arith.constant 0 : i32
      %dma_start3A_360 = tpu.memref_slice %arg4[%dma_start3A_359, %multiple_of3A_341] : memref<32x1000000xf32, #tpu.memory_space<hbm>> -> memref<32x128xf32, #tpu.memory_space<hbm>>
      tpu.enqueue_dma source(%dma_start3A_360 : memref<32x128xf32, #tpu.memory_space<hbm>>) target(%dma_start3A_358 : memref<32x128xf32, #tpu.memory_space<vmem>>) target_semaphore(%arg17 : memref<!tpu.dma_semaphore, #tpu.memory_space<semaphore_mem>>)
      %dma_start3A_361 = arith.constant 1 : i32
      %dma_start3A_362 = arith.constant 1 : i32
      %dma_start3A_363 = arith.constant 0 : i32
      %dma_start3A_364 = arith.constant 0 : i32
      %dma_start3A_365 = tpu.memref_slice %arg12[%dma_start3A_361, %dma_start3A_362, %dma_start3A_363, %dma_start3A_364] : memref<2x4x32x128xf32, #tpu.memory_space<vmem>> -> memref<1x1x32x128xf32, #tpu.memory_space<vmem>>
      %dma_start3A_366 = tpu.memref_squeeze %dma_start3A_365 : memref<1x1x32x128xf32, #tpu.memory_space<vmem>> -> memref<32x128xf32, #tpu.memory_space<vmem>>
      %dma_start3A_367 = arith.constant 0 : i32
      %dma_start3A_368 = tpu.memref_slice %arg5[%dma_start3A_367, %multiple_of3A_346] : memref<32x1000000xf32, #tpu.memory_space<hbm>> -> memref<32x128xf32, #tpu.memory_space<hbm>>
      %dma_start3A_369 = arith.constant 0 : i32
      %dma_start3A_370 = arith.constant 0 : i32
      %dma_start3A_371 = tpu.memref_slice %arg12[%dma_start3A_361, %dma_start3A_362, %dma_start3A_369, %dma_start3A_370] : memref<2x4x32x128xf32, #tpu.memory_space<vmem>> -> memref<1x1x32x128xf32, #tpu.memory_space<vmem>>
      %dma_start3A_372 = tpu.memref_squeeze %dma_start3A_371 : memref<1x1x32x128xf32, #tpu.memory_space<vmem>> -> memref<32x128xf32, #tpu.memory_space<vmem>>
      %dma_start3A_373 = arith.constant 0 : i32
      %dma_start3A_374 = tpu.memref_slice %arg5[%dma_start3A_373, %multiple_of3A_346] : memref<32x1000000xf32, #tpu.memory_space<hbm>> -> memref<32x128xf32, #tpu.memory_space<hbm>>
      tpu.enqueue_dma source(%dma_start3A_374 : memref<32x128xf32, #tpu.memory_space<hbm>>) target(%dma_start3A_372 : memref<32x128xf32, #tpu.memory_space<vmem>>) target_semaphore(%arg17 : memref<!tpu.dma_semaphore, #tpu.memory_space<semaphore_mem>>)
      %dma_start3A_375 = arith.constant 1 : i32
      %dma_start3A_376 = arith.constant 1 : i32
      %dma_start3A_377 = arith.constant 0 : i32
      %dma_start3A_378 = tpu.memref_slice %arg13[%dma_start3A_375, %dma_start3A_376, %dma_start3A_377] : memref<2x4x128xf32, #tpu.memory_space<vmem>> -> memref<1x1x128xf32, #tpu.memory_space<vmem>>
      %dma_start3A_379 = tpu.memref_squeeze %dma_start3A_378 : memref<1x1x128xf32, #tpu.memory_space<vmem>> -> memref<128xf32, #tpu.memory_space<vmem>>
      %dma_start3A_380 = tpu.memref_slice %arg6[%multiple_of3A_341] : memref<1000000xf32, #tpu.memory_space<hbm>> -> memref<128xf32, #tpu.memory_space<hbm>>
      %dma_start3A_381 = arith.constant 0 : i32
      %dma_start3A_382 = tpu.memref_slice %arg13[%dma_start3A_375, %dma_start3A_376, %dma_start3A_381] : memref<2x4x128xf32, #tpu.memory_space<vmem>> -> memref<1x1x128xf32, #tpu.memory_space<vmem>>
      %dma_start3A_383 = tpu.memref_squeeze %dma_start3A_382 : memref<1x1x128xf32, #tpu.memory_space<vmem>> -> memref<128xf32, #tpu.memory_space<vmem>>
      %dma_start3A_384 = tpu.memref_slice %arg6[%multiple_of3A_341] : memref<1000000xf32, #tpu.memory_space<hbm>> -> memref<128xf32, #tpu.memory_space<hbm>>
      tpu.enqueue_dma source(%dma_start3A_384 : memref<128xf32, #tpu.memory_space<hbm>>) target(%dma_start3A_383 : memref<128xf32, #tpu.memory_space<vmem>>) target_semaphore(%arg17 : memref<!tpu.dma_semaphore, #tpu.memory_space<semaphore_mem>>)
      %dma_start3A_385 = arith.constant 1 : i32
      %dma_start3A_386 = arith.constant 1 : i32
      %dma_start3A_387 = arith.constant 0 : i32
      %dma_start3A_388 = tpu.memref_slice %arg14[%dma_start3A_385, %dma_start3A_386, %dma_start3A_387] : memref<2x4x128xf32, #tpu.memory_space<vmem>> -> memref<1x1x128xf32, #tpu.memory_space<vmem>>
      %dma_start3A_389 = tpu.memref_squeeze %dma_start3A_388 : memref<1x1x128xf32, #tpu.memory_space<vmem>> -> memref<128xf32, #tpu.memory_space<vmem>>
      %dma_start3A_390 = tpu.memref_slice %arg7[%multiple_of3A_346] : memref<1000000xf32, #tpu.memory_space<hbm>> -> memref<128xf32, #tpu.memory_space<hbm>>
      %dma_start3A_391 = arith.constant 0 : i32
      %dma_start3A_392 = tpu.memref_slice %arg14[%dma_start3A_385, %dma_start3A_386, %dma_start3A_391] : memref<2x4x128xf32, #tpu.memory_space<vmem>> -> memref<1x1x128xf32, #tpu.memory_space<vmem>>
      %dma_start3A_393 = tpu.memref_squeeze %dma_start3A_392 : memref<1x1x128xf32, #tpu.memory_space<vmem>> -> memref<128xf32, #tpu.memory_space<vmem>>
      %dma_start3A_394 = tpu.memref_slice %arg7[%multiple_of3A_346] : memref<1000000xf32, #tpu.memory_space<hbm>> -> memref<128xf32, #tpu.memory_space<hbm>>
      tpu.enqueue_dma source(%dma_start3A_394 : memref<128xf32, #tpu.memory_space<hbm>>) target(%dma_start3A_393 : memref<128xf32, #tpu.memory_space<vmem>>) target_semaphore(%arg17 : memref<!tpu.dma_semaphore, #tpu.memory_space<semaphore_mem>>)
      %slice3A_395 = vector.extract_strided_slice %get3A_266 {offsets = [2], sizes = [1], strides = [1]} : vector<16xi32> to vector<1xi32>
      %squeeze3A_396 = vector.extract %slice3A_395[0] : i32 from vector<1xi32>
      %slice3A_397 = vector.extract_strided_slice %get3A_270 {offsets = [2], sizes = [1], strides = [1]} : vector<16xi32> to vector<1xi32>
      %squeeze3A_398 = vector.extract %slice3A_397[0] : i32 from vector<1xi32>
      %shift_right_arithmetic3A_399 = arith.constant 7 : i32
      %shift_right_arithmetic3A_400 = arith.shrsi %squeeze3A_396, %shift_right_arithmetic3A_399 : i32
      %mul3A_401 = arith.constant 128 : i32
      %mul3A_402 = arith.muli %shift_right_arithmetic3A_400, %mul3A_401 : i32
      %multiple_of3A_403 = tpu.assume_multiple %mul3A_402, 128 : i32
      %shift_right_arithmetic3A_404 = arith.constant 7 : i32
      %shift_right_arithmetic3A_405 = arith.shrsi %squeeze3A_398, %shift_right_arithmetic3A_404 : i32
      %mul3A_406 = arith.constant 128 : i32
      %mul3A_407 = arith.muli %shift_right_arithmetic3A_405, %mul3A_406 : i32
      %multiple_of3A_408 = tpu.assume_multiple %mul3A_407, 128 : i32
      %dma_start3A_409 = arith.constant 1 : i32
      %dma_start3A_410 = arith.constant 2 : i32
      %dma_start3A_411 = arith.constant 0 : i32
      %dma_start3A_412 = arith.constant 0 : i32
      %dma_start3A_413 = tpu.memref_slice %arg11[%dma_start3A_409, %dma_start3A_410, %dma_start3A_411, %dma_start3A_412] : memref<2x4x32x128xf32, #tpu.memory_space<vmem>> -> memref<1x1x32x128xf32, #tpu.memory_space<vmem>>
      %dma_start3A_414 = tpu.memref_squeeze %dma_start3A_413 : memref<1x1x32x128xf32, #tpu.memory_space<vmem>> -> memref<32x128xf32, #tpu.memory_space<vmem>>
      %dma_start3A_415 = arith.constant 0 : i32
      %dma_start3A_416 = tpu.memref_slice %arg4[%dma_start3A_415, %multiple_of3A_403] : memref<32x1000000xf32, #tpu.memory_space<hbm>> -> memref<32x128xf32, #tpu.memory_space<hbm>>
      %dma_start3A_417 = arith.constant 0 : i32
      %dma_start3A_418 = arith.constant 0 : i32
      %dma_start3A_419 = tpu.memref_slice %arg11[%dma_start3A_409, %dma_start3A_410, %dma_start3A_417, %dma_start3A_418] : memref<2x4x32x128xf32, #tpu.memory_space<vmem>> -> memref<1x1x32x128xf32, #tpu.memory_space<vmem>>
      %dma_start3A_420 = tpu.memref_squeeze %dma_start3A_419 : memref<1x1x32x128xf32, #tpu.memory_space<vmem>> -> memref<32x128xf32, #tpu.memory_space<vmem>>
      %dma_start3A_421 = arith.constant 0 : i32
      %dma_start3A_422 = tpu.memref_slice %arg4[%dma_start3A_421, %multiple_of3A_403] : memref<32x1000000xf32, #tpu.memory_space<hbm>> -> memref<32x128xf32, #tpu.memory_space<hbm>>
      tpu.enqueue_dma source(%dma_start3A_422 : memref<32x128xf32, #tpu.memory_space<hbm>>) target(%dma_start3A_420 : memref<32x128xf32, #tpu.memory_space<vmem>>) target_semaphore(%arg17 : memref<!tpu.dma_semaphore, #tpu.memory_space<semaphore_mem>>)
      %dma_start3A_423 = arith.constant 1 : i32
      %dma_start3A_424 = arith.constant 2 : i32
      %dma_start3A_425 = arith.constant 0 : i32
      %dma_start3A_426 = arith.constant 0 : i32
      %dma_start3A_427 = tpu.memref_slice %arg12[%dma_start3A_423, %dma_start3A_424, %dma_start3A_425, %dma_start3A_426] : memref<2x4x32x128xf32, #tpu.memory_space<vmem>> -> memref<1x1x32x128xf32, #tpu.memory_space<vmem>>
      %dma_start3A_428 = tpu.memref_squeeze %dma_start3A_427 : memref<1x1x32x128xf32, #tpu.memory_space<vmem>> -> memref<32x128xf32, #tpu.memory_space<vmem>>
      %dma_start3A_429 = arith.constant 0 : i32
      %dma_start3A_430 = tpu.memref_slice %arg5[%dma_start3A_429, %multiple_of3A_408] : memref<32x1000000xf32, #tpu.memory_space<hbm>> -> memref<32x128xf32, #tpu.memory_space<hbm>>
      %dma_start3A_431 = arith.constant 0 : i32
      %dma_start3A_432 = arith.constant 0 : i32
      %dma_start3A_433 = tpu.memref_slice %arg12[%dma_start3A_423, %dma_start3A_424, %dma_start3A_431, %dma_start3A_432] : memref<2x4x32x128xf32, #tpu.memory_space<vmem>> -> memref<1x1x32x128xf32, #tpu.memory_space<vmem>>
      %dma_start3A_434 = tpu.memref_squeeze %dma_start3A_433 : memref<1x1x32x128xf32, #tpu.memory_space<vmem>> -> memref<32x128xf32, #tpu.memory_space<vmem>>
      %dma_start3A_435 = arith.constant 0 : i32
      %dma_start3A_436 = tpu.memref_slice %arg5[%dma_start3A_435, %multiple_of3A_408] : memref<32x1000000xf32, #tpu.memory_space<hbm>> -> memref<32x128xf32, #tpu.memory_space<hbm>>
      tpu.enqueue_dma source(%dma_start3A_436 : memref<32x128xf32, #tpu.memory_space<hbm>>) target(%dma_start3A_434 : memref<32x128xf32, #tpu.memory_space<vmem>>) target_semaphore(%arg17 : memref<!tpu.dma_semaphore, #tpu.memory_space<semaphore_mem>>)
      %dma_start3A_437 = arith.constant 1 : i32
      %dma_start3A_438 = arith.constant 2 : i32
      %dma_start3A_439 = arith.constant 0 : i32
      %dma_start3A_440 = tpu.memref_slice %arg13[%dma_start3A_437, %dma_start3A_438, %dma_start3A_439] : memref<2x4x128xf32, #tpu.memory_space<vmem>> -> memref<1x1x128xf32, #tpu.memory_space<vmem>>
      %dma_start3A_441 = tpu.memref_squeeze %dma_start3A_440 : memref<1x1x128xf32, #tpu.memory_space<vmem>> -> memref<128xf32, #tpu.memory_space<vmem>>
      %dma_start3A_442 = tpu.memref_slice %arg6[%multiple_of3A_403] : memref<1000000xf32, #tpu.memory_space<hbm>> -> memref<128xf32, #tpu.memory_space<hbm>>
      %dma_start3A_443 = arith.constant 0 : i32
      %dma_start3A_444 = tpu.memref_slice %arg13[%dma_start3A_437, %dma_start3A_438, %dma_start3A_443] : memref<2x4x128xf32, #tpu.memory_space<vmem>> -> memref<1x1x128xf32, #tpu.memory_space<vmem>>
      %dma_start3A_445 = tpu.memref_squeeze %dma_start3A_444 : memref<1x1x128xf32, #tpu.memory_space<vmem>> -> memref<128xf32, #tpu.memory_space<vmem>>
      %dma_start3A_446 = tpu.memref_slice %arg6[%multiple_of3A_403] : memref<1000000xf32, #tpu.memory_space<hbm>> -> memref<128xf32, #tpu.memory_space<hbm>>
      tpu.enqueue_dma source(%dma_start3A_446 : memref<128xf32, #tpu.memory_space<hbm>>) target(%dma_start3A_445 : memref<128xf32, #tpu.memory_space<vmem>>) target_semaphore(%arg17 : memref<!tpu.dma_semaphore, #tpu.memory_space<semaphore_mem>>)
      %dma_start3A_447 = arith.constant 1 : i32
      %dma_start3A_448 = arith.constant 2 : i32
      %dma_start3A_449 = arith.constant 0 : i32
      %dma_start3A_450 = tpu.memref_slice %arg14[%dma_start3A_447, %dma_start3A_448, %dma_start3A_449] : memref<2x4x128xf32, #tpu.memory_space<vmem>> -> memref<1x1x128xf32, #tpu.memory_space<vmem>>
      %dma_start3A_451 = tpu.memref_squeeze %dma_start3A_450 : memref<1x1x128xf32, #tpu.memory_space<vmem>> -> memref<128xf32, #tpu.memory_space<vmem>>
      %dma_start3A_452 = tpu.memref_slice %arg7[%multiple_of3A_408] : memref<1000000xf32, #tpu.memory_space<hbm>> -> memref<128xf32, #tpu.memory_space<hbm>>
      %dma_start3A_453 = arith.constant 0 : i32
      %dma_start3A_454 = tpu.memref_slice %arg14[%dma_start3A_447, %dma_start3A_448, %dma_start3A_453] : memref<2x4x128xf32, #tpu.memory_space<vmem>> -> memref<1x1x128xf32, #tpu.memory_space<vmem>>
      %dma_start3A_455 = tpu.memref_squeeze %dma_start3A_454 : memref<1x1x128xf32, #tpu.memory_space<vmem>> -> memref<128xf32, #tpu.memory_space<vmem>>
      %dma_start3A_456 = tpu.memref_slice %arg7[%multiple_of3A_408] : memref<1000000xf32, #tpu.memory_space<hbm>> -> memref<128xf32, #tpu.memory_space<hbm>>
      tpu.enqueue_dma source(%dma_start3A_456 : memref<128xf32, #tpu.memory_space<hbm>>) target(%dma_start3A_455 : memref<128xf32, #tpu.memory_space<vmem>>) target_semaphore(%arg17 : memref<!tpu.dma_semaphore, #tpu.memory_space<semaphore_mem>>)
      %slice3A_457 = vector.extract_strided_slice %get3A_266 {offsets = [3], sizes = [1], strides = [1]} : vector<16xi32> to vector<1xi32>
      %squeeze3A_458 = vector.extract %slice3A_457[0] : i32 from vector<1xi32>
      %slice3A_459 = vector.extract_strided_slice %get3A_270 {offsets = [3], sizes = [1], strides = [1]} : vector<16xi32> to vector<1xi32>
      %squeeze3A_460 = vector.extract %slice3A_459[0] : i32 from vector<1xi32>
      %shift_right_arithmetic3A_461 = arith.constant 7 : i32
      %shift_right_arithmetic3A_462 = arith.shrsi %squeeze3A_458, %shift_right_arithmetic3A_461 : i32
      %mul3A_463 = arith.constant 128 : i32
      %mul3A_464 = arith.muli %shift_right_arithmetic3A_462, %mul3A_463 : i32
      %multiple_of3A_465 = tpu.assume_multiple %mul3A_464, 128 : i32
      %shift_right_arithmetic3A_466 = arith.constant 7 : i32
      %shift_right_arithmetic3A_467 = arith.shrsi %squeeze3A_460, %shift_right_arithmetic3A_466 : i32
      %mul3A_468 = arith.constant 128 : i32
      %mul3A_469 = arith.muli %shift_right_arithmetic3A_467, %mul3A_468 : i32
      %multiple_of3A_470 = tpu.assume_multiple %mul3A_469, 128 : i32
      %dma_start3A_471 = arith.constant 1 : i32
      %dma_start3A_472 = arith.constant 3 : i32
      %dma_start3A_473 = arith.constant 0 : i32
      %dma_start3A_474 = arith.constant 0 : i32
      %dma_start3A_475 = tpu.memref_slice %arg11[%dma_start3A_471, %dma_start3A_472, %dma_start3A_473, %dma_start3A_474] : memref<2x4x32x128xf32, #tpu.memory_space<vmem>> -> memref<1x1x32x128xf32, #tpu.memory_space<vmem>>
      %dma_start3A_476 = tpu.memref_squeeze %dma_start3A_475 : memref<1x1x32x128xf32, #tpu.memory_space<vmem>> -> memref<32x128xf32, #tpu.memory_space<vmem>>
      %dma_start3A_477 = arith.constant 0 : i32
      %dma_start3A_478 = tpu.memref_slice %arg4[%dma_start3A_477, %multiple_of3A_465] : memref<32x1000000xf32, #tpu.memory_space<hbm>> -> memref<32x128xf32, #tpu.memory_space<hbm>>
      %dma_start3A_479 = arith.constant 0 : i32
      %dma_start3A_480 = arith.constant 0 : i32
      %dma_start3A_481 = tpu.memref_slice %arg11[%dma_start3A_471, %dma_start3A_472, %dma_start3A_479, %dma_start3A_480] : memref<2x4x32x128xf32, #tpu.memory_space<vmem>> -> memref<1x1x32x128xf32, #tpu.memory_space<vmem>>
      %dma_start3A_482 = tpu.memref_squeeze %dma_start3A_481 : memref<1x1x32x128xf32, #tpu.memory_space<vmem>> -> memref<32x128xf32, #tpu.memory_space<vmem>>
      %dma_start3A_483 = arith.constant 0 : i32
      %dma_start3A_484 = tpu.memref_slice %arg4[%dma_start3A_483, %multiple_of3A_465] : memref<32x1000000xf32, #tpu.memory_space<hbm>> -> memref<32x128xf32, #tpu.memory_space<hbm>>
      tpu.enqueue_dma source(%dma_start3A_484 : memref<32x128xf32, #tpu.memory_space<hbm>>) target(%dma_start3A_482 : memref<32x128xf32, #tpu.memory_space<vmem>>) target_semaphore(%arg17 : memref<!tpu.dma_semaphore, #tpu.memory_space<semaphore_mem>>)
      %dma_start3A_485 = arith.constant 1 : i32
      %dma_start3A_486 = arith.constant 3 : i32
      %dma_start3A_487 = arith.constant 0 : i32
      %dma_start3A_488 = arith.constant 0 : i32
      %dma_start3A_489 = tpu.memref_slice %arg12[%dma_start3A_485, %dma_start3A_486, %dma_start3A_487, %dma_start3A_488] : memref<2x4x32x128xf32, #tpu.memory_space<vmem>> -> memref<1x1x32x128xf32, #tpu.memory_space<vmem>>
      %dma_start3A_490 = tpu.memref_squeeze %dma_start3A_489 : memref<1x1x32x128xf32, #tpu.memory_space<vmem>> -> memref<32x128xf32, #tpu.memory_space<vmem>>
      %dma_start3A_491 = arith.constant 0 : i32
      %dma_start3A_492 = tpu.memref_slice %arg5[%dma_start3A_491, %multiple_of3A_470] : memref<32x1000000xf32, #tpu.memory_space<hbm>> -> memref<32x128xf32, #tpu.memory_space<hbm>>
      %dma_start3A_493 = arith.constant 0 : i32
      %dma_start3A_494 = arith.constant 0 : i32
      %dma_start3A_495 = tpu.memref_slice %arg12[%dma_start3A_485, %dma_start3A_486, %dma_start3A_493, %dma_start3A_494] : memref<2x4x32x128xf32, #tpu.memory_space<vmem>> -> memref<1x1x32x128xf32, #tpu.memory_space<vmem>>
      %dma_start3A_496 = tpu.memref_squeeze %dma_start3A_495 : memref<1x1x32x128xf32, #tpu.memory_space<vmem>> -> memref<32x128xf32, #tpu.memory_space<vmem>>
      %dma_start3A_497 = arith.constant 0 : i32
      %dma_start3A_498 = tpu.memref_slice %arg5[%dma_start3A_497, %multiple_of3A_470] : memref<32x1000000xf32, #tpu.memory_space<hbm>> -> memref<32x128xf32, #tpu.memory_space<hbm>>
      tpu.enqueue_dma source(%dma_start3A_498 : memref<32x128xf32, #tpu.memory_space<hbm>>) target(%dma_start3A_496 : memref<32x128xf32, #tpu.memory_space<vmem>>) target_semaphore(%arg17 : memref<!tpu.dma_semaphore, #tpu.memory_space<semaphore_mem>>)
      %dma_start3A_499 = arith.constant 1 : i32
      %dma_start3A_500 = arith.constant 3 : i32
      %dma_start3A_501 = arith.constant 0 : i32
      %dma_start3A_502 = tpu.memref_slice %arg13[%dma_start3A_499, %dma_start3A_500, %dma_start3A_501] : memref<2x4x128xf32, #tpu.memory_space<vmem>> -> memref<1x1x128xf32, #tpu.memory_space<vmem>>
      %dma_start3A_503 = tpu.memref_squeeze %dma_start3A_502 : memref<1x1x128xf32, #tpu.memory_space<vmem>> -> memref<128xf32, #tpu.memory_space<vmem>>
      %dma_start3A_504 = tpu.memref_slice %arg6[%multiple_of3A_465] : memref<1000000xf32, #tpu.memory_space<hbm>> -> memref<128xf32, #tpu.memory_space<hbm>>
      %dma_start3A_505 = arith.constant 0 : i32
      %dma_start3A_506 = tpu.memref_slice %arg13[%dma_start3A_499, %dma_start3A_500, %dma_start3A_505] : memref<2x4x128xf32, #tpu.memory_space<vmem>> -> memref<1x1x128xf32, #tpu.memory_space<vmem>>
      %dma_start3A_507 = tpu.memref_squeeze %dma_start3A_506 : memref<1x1x128xf32, #tpu.memory_space<vmem>> -> memref<128xf32, #tpu.memory_space<vmem>>
      %dma_start3A_508 = tpu.memref_slice %arg6[%multiple_of3A_465] : memref<1000000xf32, #tpu.memory_space<hbm>> -> memref<128xf32, #tpu.memory_space<hbm>>
      tpu.enqueue_dma source(%dma_start3A_508 : memref<128xf32, #tpu.memory_space<hbm>>) target(%dma_start3A_507 : memref<128xf32, #tpu.memory_space<vmem>>) target_semaphore(%arg17 : memref<!tpu.dma_semaphore, #tpu.memory_space<semaphore_mem>>)
      %dma_start3A_509 = arith.constant 1 : i32
      %dma_start3A_510 = arith.constant 3 : i32
      %dma_start3A_511 = arith.constant 0 : i32
      %dma_start3A_512 = tpu.memref_slice %arg14[%dma_start3A_509, %dma_start3A_510, %dma_start3A_511] : memref<2x4x128xf32, #tpu.memory_space<vmem>> -> memref<1x1x128xf32, #tpu.memory_space<vmem>>
      %dma_start3A_513 = tpu.memref_squeeze %dma_start3A_512 : memref<1x1x128xf32, #tpu.memory_space<vmem>> -> memref<128xf32, #tpu.memory_space<vmem>>
      %dma_start3A_514 = tpu.memref_slice %arg7[%multiple_of3A_470] : memref<1000000xf32, #tpu.memory_space<hbm>> -> memref<128xf32, #tpu.memory_space<hbm>>
      %dma_start3A_515 = arith.constant 0 : i32
      %dma_start3A_516 = tpu.memref_slice %arg14[%dma_start3A_509, %dma_start3A_510, %dma_start3A_515] : memref<2x4x128xf32, #tpu.memory_space<vmem>> -> memref<1x1x128xf32, #tpu.memory_space<vmem>>
      %dma_start3A_517 = tpu.memref_squeeze %dma_start3A_516 : memref<1x1x128xf32, #tpu.memory_space<vmem>> -> memref<128xf32, #tpu.memory_space<vmem>>
      %dma_start3A_518 = tpu.memref_slice %arg7[%multiple_of3A_470] : memref<1000000xf32, #tpu.memory_space<hbm>> -> memref<128xf32, #tpu.memory_space<hbm>>
      tpu.enqueue_dma source(%dma_start3A_518 : memref<128xf32, #tpu.memory_space<hbm>>) target(%dma_start3A_517 : memref<128xf32, #tpu.memory_space<vmem>>) target_semaphore(%arg17 : memref<!tpu.dma_semaphore, #tpu.memory_space<semaphore_mem>>)
      %dma_wait3A = arith.constant 0 : i32
      %dma_wait3A_519 = arith.constant 0 : i32
      %dma_wait3A_520 = arith.constant 0 : i32
      %dma_wait3A_521 = arith.constant 0 : i32
      %dma_wait3A_522 = tpu.memref_slice %arg11[%dma_wait3A, %dma_wait3A_519, %dma_wait3A_520, %dma_wait3A_521] : memref<2x4x32x128xf32, #tpu.memory_space<vmem>> -> memref<1x1x32x128xf32, #tpu.memory_space<vmem>>
      %dma_wait3A_523 = tpu.memref_squeeze %dma_wait3A_522 : memref<1x1x32x128xf32, #tpu.memory_space<vmem>> -> memref<32x128xf32, #tpu.memory_space<vmem>>
      %dma_wait3A_524 = arith.constant 0 : i32
      %dma_wait3A_525 = arith.constant 0 : i32
      %dma_wait3A_526 = tpu.memref_slice %arg4[%dma_wait3A_524, %dma_wait3A_525] : memref<32x1000000xf32, #tpu.memory_space<hbm>> -> memref<32x128xf32, #tpu.memory_space<hbm>>
      %dma_wait3A_527 = arith.constant 0 : i32
      %dma_wait3A_528 = arith.constant 0 : i32
      %dma_wait3A_529 = tpu.memref_slice %arg11[%dma_wait3A, %dma_wait3A_519, %dma_wait3A_527, %dma_wait3A_528] : memref<2x4x32x128xf32, #tpu.memory_space<vmem>> -> memref<1x1x32x128xf32, #tpu.memory_space<vmem>>
      %dma_wait3A_530 = tpu.memref_squeeze %dma_wait3A_529 : memref<1x1x32x128xf32, #tpu.memory_space<vmem>> -> memref<32x128xf32, #tpu.memory_space<vmem>>
      %dma_wait3A_531 = arith.constant 0 : i32
      %dma_wait3A_532 = arith.constant 0 : i32
      %dma_wait3A_533 = tpu.memref_slice %arg4[%dma_wait3A_531, %dma_wait3A_532] : memref<32x1000000xf32, #tpu.memory_space<hbm>> -> memref<32x128xf32, #tpu.memory_space<hbm>>
      tpu.wait_dma2 semaphore(%arg16 : memref<!tpu.dma_semaphore, #tpu.memory_space<semaphore_mem>>) src(%dma_wait3A_533 : memref<32x128xf32, #tpu.memory_space<hbm>>) dst(%dma_wait3A_530 : memref<32x128xf32, #tpu.memory_space<vmem>>)
      %dma_wait3A_534 = arith.constant 0 : i32
      %dma_wait3A_535 = arith.constant 0 : i32
      %dma_wait3A_536 = arith.constant 0 : i32
      %dma_wait3A_537 = arith.constant 0 : i32
      %dma_wait3A_538 = tpu.memref_slice %arg12[%dma_wait3A_534, %dma_wait3A_535, %dma_wait3A_536, %dma_wait3A_537] : memref<2x4x32x128xf32, #tpu.memory_space<vmem>> -> memref<1x1x32x128xf32, #tpu.memory_space<vmem>>
      %dma_wait3A_539 = tpu.memref_squeeze %dma_wait3A_538 : memref<1x1x32x128xf32, #tpu.memory_space<vmem>> -> memref<32x128xf32, #tpu.memory_space<vmem>>
      %dma_wait3A_540 = arith.constant 0 : i32
      %dma_wait3A_541 = arith.constant 0 : i32
      %dma_wait3A_542 = tpu.memref_slice %arg5[%dma_wait3A_540, %dma_wait3A_541] : memref<32x1000000xf32, #tpu.memory_space<hbm>> -> memref<32x128xf32, #tpu.memory_space<hbm>>
      %dma_wait3A_543 = arith.constant 0 : i32
      %dma_wait3A_544 = arith.constant 0 : i32
      %dma_wait3A_545 = tpu.memref_slice %arg12[%dma_wait3A_534, %dma_wait3A_535, %dma_wait3A_543, %dma_wait3A_544] : memref<2x4x32x128xf32, #tpu.memory_space<vmem>> -> memref<1x1x32x128xf32, #tpu.memory_space<vmem>>
      %dma_wait3A_546 = tpu.memref_squeeze %dma_wait3A_545 : memref<1x1x32x128xf32, #tpu.memory_space<vmem>> -> memref<32x128xf32, #tpu.memory_space<vmem>>
      %dma_wait3A_547 = arith.constant 0 : i32
      %dma_wait3A_548 = arith.constant 0 : i32
      %dma_wait3A_549 = tpu.memref_slice %arg5[%dma_wait3A_547, %dma_wait3A_548] : memref<32x1000000xf32, #tpu.memory_space<hbm>> -> memref<32x128xf32, #tpu.memory_space<hbm>>
      tpu.wait_dma2 semaphore(%arg16 : memref<!tpu.dma_semaphore, #tpu.memory_space<semaphore_mem>>) src(%dma_wait3A_549 : memref<32x128xf32, #tpu.memory_space<hbm>>) dst(%dma_wait3A_546 : memref<32x128xf32, #tpu.memory_space<vmem>>)
      %dma_wait3A_550 = arith.constant 0 : i32
      %dma_wait3A_551 = arith.constant 0 : i32
      %dma_wait3A_552 = arith.constant 0 : i32
      %dma_wait3A_553 = tpu.memref_slice %arg13[%dma_wait3A_550, %dma_wait3A_551, %dma_wait3A_552] : memref<2x4x128xf32, #tpu.memory_space<vmem>> -> memref<1x1x128xf32, #tpu.memory_space<vmem>>
      %dma_wait3A_554 = tpu.memref_squeeze %dma_wait3A_553 : memref<1x1x128xf32, #tpu.memory_space<vmem>> -> memref<128xf32, #tpu.memory_space<vmem>>
      %dma_wait3A_555 = arith.constant 0 : i32
      %dma_wait3A_556 = tpu.memref_slice %arg6[%dma_wait3A_555] : memref<1000000xf32, #tpu.memory_space<hbm>> -> memref<128xf32, #tpu.memory_space<hbm>>
      %dma_wait3A_557 = arith.constant 0 : i32
      %dma_wait3A_558 = tpu.memref_slice %arg13[%dma_wait3A_550, %dma_wait3A_551, %dma_wait3A_557] : memref<2x4x128xf32, #tpu.memory_space<vmem>> -> memref<1x1x128xf32, #tpu.memory_space<vmem>>
      %dma_wait3A_559 = tpu.memref_squeeze %dma_wait3A_558 : memref<1x1x128xf32, #tpu.memory_space<vmem>> -> memref<128xf32, #tpu.memory_space<vmem>>
      %dma_wait3A_560 = arith.constant 0 : i32
      %dma_wait3A_561 = tpu.memref_slice %arg6[%dma_wait3A_560] : memref<1000000xf32, #tpu.memory_space<hbm>> -> memref<128xf32, #tpu.memory_space<hbm>>
      tpu.wait_dma2 semaphore(%arg16 : memref<!tpu.dma_semaphore, #tpu.memory_space<semaphore_mem>>) src(%dma_wait3A_561 : memref<128xf32, #tpu.memory_space<hbm>>) dst(%dma_wait3A_559 : memref<128xf32, #tpu.memory_space<vmem>>)
      %dma_wait3A_562 = arith.constant 0 : i32
      %dma_wait3A_563 = arith.constant 0 : i32
      %dma_wait3A_564 = arith.constant 0 : i32
      %dma_wait3A_565 = tpu.memref_slice %arg14[%dma_wait3A_562, %dma_wait3A_563, %dma_wait3A_564] : memref<2x4x128xf32, #tpu.memory_space<vmem>> -> memref<1x1x128xf32, #tpu.memory_space<vmem>>
      %dma_wait3A_566 = tpu.memref_squeeze %dma_wait3A_565 : memref<1x1x128xf32, #tpu.memory_space<vmem>> -> memref<128xf32, #tpu.memory_space<vmem>>
      %dma_wait3A_567 = arith.constant 0 : i32
      %dma_wait3A_568 = tpu.memref_slice %arg7[%dma_wait3A_567] : memref<1000000xf32, #tpu.memory_space<hbm>> -> memref<128xf32, #tpu.memory_space<hbm>>
      %dma_wait3A_569 = arith.constant 0 : i32
      %dma_wait3A_570 = tpu.memref_slice %arg14[%dma_wait3A_562, %dma_wait3A_563, %dma_wait3A_569] : memref<2x4x128xf32, #tpu.memory_space<vmem>> -> memref<1x1x128xf32, #tpu.memory_space<vmem>>
      %dma_wait3A_571 = tpu.memref_squeeze %dma_wait3A_570 : memref<1x1x128xf32, #tpu.memory_space<vmem>> -> memref<128xf32, #tpu.memory_space<vmem>>
      %dma_wait3A_572 = arith.constant 0 : i32
      %dma_wait3A_573 = tpu.memref_slice %arg7[%dma_wait3A_572] : memref<1000000xf32, #tpu.memory_space<hbm>> -> memref<128xf32, #tpu.memory_space<hbm>>
      tpu.wait_dma2 semaphore(%arg16 : memref<!tpu.dma_semaphore, #tpu.memory_space<semaphore_mem>>) src(%dma_wait3A_573 : memref<128xf32, #tpu.memory_space<hbm>>) dst(%dma_wait3A_571 : memref<128xf32, #tpu.memory_space<vmem>>)
      %dma_wait3A_574 = arith.constant 0 : i32
      %dma_wait3A_575 = arith.constant 1 : i32
      %dma_wait3A_576 = arith.constant 0 : i32
      %dma_wait3A_577 = arith.constant 0 : i32
      %dma_wait3A_578 = tpu.memref_slice %arg11[%dma_wait3A_574, %dma_wait3A_575, %dma_wait3A_576, %dma_wait3A_577] : memref<2x4x32x128xf32, #tpu.memory_space<vmem>> -> memref<1x1x32x128xf32, #tpu.memory_space<vmem>>
      %dma_wait3A_579 = tpu.memref_squeeze %dma_wait3A_578 : memref<1x1x32x128xf32, #tpu.memory_space<vmem>> -> memref<32x128xf32, #tpu.memory_space<vmem>>
      %dma_wait3A_580 = arith.constant 0 : i32
      %dma_wait3A_581 = arith.constant 0 : i32
      %dma_wait3A_582 = tpu.memref_slice %arg4[%dma_wait3A_580, %dma_wait3A_581] : memref<32x1000000xf32, #tpu.memory_space<hbm>> -> memref<32x128xf32, #tpu.memory_space<hbm>>
      %dma_wait3A_583 = arith.constant 0 : i32
      %dma_wait3A_584 = arith.constant 0 : i32
      %dma_wait3A_585 = tpu.memref_slice %arg11[%dma_wait3A_574, %dma_wait3A_575, %dma_wait3A_583, %dma_wait3A_584] : memref<2x4x32x128xf32, #tpu.memory_space<vmem>> -> memref<1x1x32x128xf32, #tpu.memory_space<vmem>>
      %dma_wait3A_586 = tpu.memref_squeeze %dma_wait3A_585 : memref<1x1x32x128xf32, #tpu.memory_space<vmem>> -> memref<32x128xf32, #tpu.memory_space<vmem>>
      %dma_wait3A_587 = arith.constant 0 : i32
      %dma_wait3A_588 = arith.constant 0 : i32
      %dma_wait3A_589 = tpu.memref_slice %arg4[%dma_wait3A_587, %dma_wait3A_588] : memref<32x1000000xf32, #tpu.memory_space<hbm>> -> memref<32x128xf32, #tpu.memory_space<hbm>>
      tpu.wait_dma2 semaphore(%arg16 : memref<!tpu.dma_semaphore, #tpu.memory_space<semaphore_mem>>) src(%dma_wait3A_589 : memref<32x128xf32, #tpu.memory_space<hbm>>) dst(%dma_wait3A_586 : memref<32x128xf32, #tpu.memory_space<vmem>>)
      %dma_wait3A_590 = arith.constant 0 : i32
      %dma_wait3A_591 = arith.constant 1 : i32
      %dma_wait3A_592 = arith.constant 0 : i32
      %dma_wait3A_593 = arith.constant 0 : i32
      %dma_wait3A_594 = tpu.memref_slice %arg12[%dma_wait3A_590, %dma_wait3A_591, %dma_wait3A_592, %dma_wait3A_593] : memref<2x4x32x128xf32, #tpu.memory_space<vmem>> -> memref<1x1x32x128xf32, #tpu.memory_space<vmem>>
      %dma_wait3A_595 = tpu.memref_squeeze %dma_wait3A_594 : memref<1x1x32x128xf32, #tpu.memory_space<vmem>> -> memref<32x128xf32, #tpu.memory_space<vmem>>
      %dma_wait3A_596 = arith.constant 0 : i32
      %dma_wait3A_597 = arith.constant 0 : i32
      %dma_wait3A_598 = tpu.memref_slice %arg5[%dma_wait3A_596, %dma_wait3A_597] : memref<32x1000000xf32, #tpu.memory_space<hbm>> -> memref<32x128xf32, #tpu.memory_space<hbm>>
      %dma_wait3A_599 = arith.constant 0 : i32
      %dma_wait3A_600 = arith.constant 0 : i32
      %dma_wait3A_601 = tpu.memref_slice %arg12[%dma_wait3A_590, %dma_wait3A_591, %dma_wait3A_599, %dma_wait3A_600] : memref<2x4x32x128xf32, #tpu.memory_space<vmem>> -> memref<1x1x32x128xf32, #tpu.memory_space<vmem>>
      %dma_wait3A_602 = tpu.memref_squeeze %dma_wait3A_601 : memref<1x1x32x128xf32, #tpu.memory_space<vmem>> -> memref<32x128xf32, #tpu.memory_space<vmem>>
      %dma_wait3A_603 = arith.constant 0 : i32
      %dma_wait3A_604 = arith.constant 0 : i32
      %dma_wait3A_605 = tpu.memref_slice %arg5[%dma_wait3A_603, %dma_wait3A_604] : memref<32x1000000xf32, #tpu.memory_space<hbm>> -> memref<32x128xf32, #tpu.memory_space<hbm>>
      tpu.wait_dma2 semaphore(%arg16 : memref<!tpu.dma_semaphore, #tpu.memory_space<semaphore_mem>>) src(%dma_wait3A_605 : memref<32x128xf32, #tpu.memory_space<hbm>>) dst(%dma_wait3A_602 : memref<32x128xf32, #tpu.memory_space<vmem>>)
      %dma_wait3A_606 = arith.constant 0 : i32
      %dma_wait3A_607 = arith.constant 1 : i32
      %dma_wait3A_608 = arith.constant 0 : i32
      %dma_wait3A_609 = tpu.memref_slice %arg13[%dma_wait3A_606, %dma_wait3A_607, %dma_wait3A_608] : memref<2x4x128xf32, #tpu.memory_space<vmem>> -> memref<1x1x128xf32, #tpu.memory_space<vmem>>
      %dma_wait3A_610 = tpu.memref_squeeze %dma_wait3A_609 : memref<1x1x128xf32, #tpu.memory_space<vmem>> -> memref<128xf32, #tpu.memory_space<vmem>>
      %dma_wait3A_611 = arith.constant 0 : i32
      %dma_wait3A_612 = tpu.memref_slice %arg6[%dma_wait3A_611] : memref<1000000xf32, #tpu.memory_space<hbm>> -> memref<128xf32, #tpu.memory_space<hbm>>
      %dma_wait3A_613 = arith.constant 0 : i32
      %dma_wait3A_614 = tpu.memref_slice %arg13[%dma_wait3A_606, %dma_wait3A_607, %dma_wait3A_613] : memref<2x4x128xf32, #tpu.memory_space<vmem>> -> memref<1x1x128xf32, #tpu.memory_space<vmem>>
      %dma_wait3A_615 = tpu.memref_squeeze %dma_wait3A_614 : memref<1x1x128xf32, #tpu.memory_space<vmem>> -> memref<128xf32, #tpu.memory_space<vmem>>
      %dma_wait3A_616 = arith.constant 0 : i32
      %dma_wait3A_617 = tpu.memref_slice %arg6[%dma_wait3A_616] : memref<1000000xf32, #tpu.memory_space<hbm>> -> memref<128xf32, #tpu.memory_space<hbm>>
      tpu.wait_dma2 semaphore(%arg16 : memref<!tpu.dma_semaphore, #tpu.memory_space<semaphore_mem>>) src(%dma_wait3A_617 : memref<128xf32, #tpu.memory_space<hbm>>) dst(%dma_wait3A_615 : memref<128xf32, #tpu.memory_space<vmem>>)
      %dma_wait3A_618 = arith.constant 0 : i32
      %dma_wait3A_619 = arith.constant 1 : i32
      %dma_wait3A_620 = arith.constant 0 : i32
      %dma_wait3A_621 = tpu.memref_slice %arg14[%dma_wait3A_618, %dma_wait3A_619, %dma_wait3A_620] : memref<2x4x128xf32, #tpu.memory_space<vmem>> -> memref<1x1x128xf32, #tpu.memory_space<vmem>>
      %dma_wait3A_622 = tpu.memref_squeeze %dma_wait3A_621 : memref<1x1x128xf32, #tpu.memory_space<vmem>> -> memref<128xf32, #tpu.memory_space<vmem>>
      %dma_wait3A_623 = arith.constant 0 : i32
      %dma_wait3A_624 = tpu.memref_slice %arg7[%dma_wait3A_623] : memref<1000000xf32, #tpu.memory_space<hbm>> -> memref<128xf32, #tpu.memory_space<hbm>>
      %dma_wait3A_625 = arith.constant 0 : i32
      %dma_wait3A_626 = tpu.memref_slice %arg14[%dma_wait3A_618, %dma_wait3A_619, %dma_wait3A_625] : memref<2x4x128xf32, #tpu.memory_space<vmem>> -> memref<1x1x128xf32, #tpu.memory_space<vmem>>
      %dma_wait3A_627 = tpu.memref_squeeze %dma_wait3A_626 : memref<1x1x128xf32, #tpu.memory_space<vmem>> -> memref<128xf32, #tpu.memory_space<vmem>>
      %dma_wait3A_628 = arith.constant 0 : i32
      %dma_wait3A_629 = tpu.memref_slice %arg7[%dma_wait3A_628] : memref<1000000xf32, #tpu.memory_space<hbm>> -> memref<128xf32, #tpu.memory_space<hbm>>
      tpu.wait_dma2 semaphore(%arg16 : memref<!tpu.dma_semaphore, #tpu.memory_space<semaphore_mem>>) src(%dma_wait3A_629 : memref<128xf32, #tpu.memory_space<hbm>>) dst(%dma_wait3A_627 : memref<128xf32, #tpu.memory_space<vmem>>)
      %dma_wait3A_630 = arith.constant 0 : i32
      %dma_wait3A_631 = arith.constant 2 : i32
      %dma_wait3A_632 = arith.constant 0 : i32
      %dma_wait3A_633 = arith.constant 0 : i32
      %dma_wait3A_634 = tpu.memref_slice %arg11[%dma_wait3A_630, %dma_wait3A_631, %dma_wait3A_632, %dma_wait3A_633] : memref<2x4x32x128xf32, #tpu.memory_space<vmem>> -> memref<1x1x32x128xf32, #tpu.memory_space<vmem>>
      %dma_wait3A_635 = tpu.memref_squeeze %dma_wait3A_634 : memref<1x1x32x128xf32, #tpu.memory_space<vmem>> -> memref<32x128xf32, #tpu.memory_space<vmem>>
      %dma_wait3A_636 = arith.constant 0 : i32
      %dma_wait3A_637 = arith.constant 0 : i32
      %dma_wait3A_638 = tpu.memref_slice %arg4[%dma_wait3A_636, %dma_wait3A_637] : memref<32x1000000xf32, #tpu.memory_space<hbm>> -> memref<32x128xf32, #tpu.memory_space<hbm>>
      %dma_wait3A_639 = arith.constant 0 : i32
      %dma_wait3A_640 = arith.constant 0 : i32
      %dma_wait3A_641 = tpu.memref_slice %arg11[%dma_wait3A_630, %dma_wait3A_631, %dma_wait3A_639, %dma_wait3A_640] : memref<2x4x32x128xf32, #tpu.memory_space<vmem>> -> memref<1x1x32x128xf32, #tpu.memory_space<vmem>>
      %dma_wait3A_642 = tpu.memref_squeeze %dma_wait3A_641 : memref<1x1x32x128xf32, #tpu.memory_space<vmem>> -> memref<32x128xf32, #tpu.memory_space<vmem>>
      %dma_wait3A_643 = arith.constant 0 : i32
      %dma_wait3A_644 = arith.constant 0 : i32
      %dma_wait3A_645 = tpu.memref_slice %arg4[%dma_wait3A_643, %dma_wait3A_644] : memref<32x1000000xf32, #tpu.memory_space<hbm>> -> memref<32x128xf32, #tpu.memory_space<hbm>>
      tpu.wait_dma2 semaphore(%arg16 : memref<!tpu.dma_semaphore, #tpu.memory_space<semaphore_mem>>) src(%dma_wait3A_645 : memref<32x128xf32, #tpu.memory_space<hbm>>) dst(%dma_wait3A_642 : memref<32x128xf32, #tpu.memory_space<vmem>>)
      %dma_wait3A_646 = arith.constant 0 : i32
      %dma_wait3A_647 = arith.constant 2 : i32
      %dma_wait3A_648 = arith.constant 0 : i32
      %dma_wait3A_649 = arith.constant 0 : i32
      %dma_wait3A_650 = tpu.memref_slice %arg12[%dma_wait3A_646, %dma_wait3A_647, %dma_wait3A_648, %dma_wait3A_649] : memref<2x4x32x128xf32, #tpu.memory_space<vmem>> -> memref<1x1x32x128xf32, #tpu.memory_space<vmem>>
      %dma_wait3A_651 = tpu.memref_squeeze %dma_wait3A_650 : memref<1x1x32x128xf32, #tpu.memory_space<vmem>> -> memref<32x128xf32, #tpu.memory_space<vmem>>
      %dma_wait3A_652 = arith.constant 0 : i32
      %dma_wait3A_653 = arith.constant 0 : i32
      %dma_wait3A_654 = tpu.memref_slice %arg5[%dma_wait3A_652, %dma_wait3A_653] : memref<32x1000000xf32, #tpu.memory_space<hbm>> -> memref<32x128xf32, #tpu.memory_space<hbm>>
      %dma_wait3A_655 = arith.constant 0 : i32
      %dma_wait3A_656 = arith.constant 0 : i32
      %dma_wait3A_657 = tpu.memref_slice %arg12[%dma_wait3A_646, %dma_wait3A_647, %dma_wait3A_655, %dma_wait3A_656] : memref<2x4x32x128xf32, #tpu.memory_space<vmem>> -> memref<1x1x32x128xf32, #tpu.memory_space<vmem>>
      %dma_wait3A_658 = tpu.memref_squeeze %dma_wait3A_657 : memref<1x1x32x128xf32, #tpu.memory_space<vmem>> -> memref<32x128xf32, #tpu.memory_space<vmem>>
      %dma_wait3A_659 = arith.constant 0 : i32
      %dma_wait3A_660 = arith.constant 0 : i32
      %dma_wait3A_661 = tpu.memref_slice %arg5[%dma_wait3A_659, %dma_wait3A_660] : memref<32x1000000xf32, #tpu.memory_space<hbm>> -> memref<32x128xf32, #tpu.memory_space<hbm>>
      tpu.wait_dma2 semaphore(%arg16 : memref<!tpu.dma_semaphore, #tpu.memory_space<semaphore_mem>>) src(%dma_wait3A_661 : memref<32x128xf32, #tpu.memory_space<hbm>>) dst(%dma_wait3A_658 : memref<32x128xf32, #tpu.memory_space<vmem>>)
      %dma_wait3A_662 = arith.constant 0 : i32
      %dma_wait3A_663 = arith.constant 2 : i32
      %dma_wait3A_664 = arith.constant 0 : i32
      %dma_wait3A_665 = tpu.memref_slice %arg13[%dma_wait3A_662, %dma_wait3A_663, %dma_wait3A_664] : memref<2x4x128xf32, #tpu.memory_space<vmem>> -> memref<1x1x128xf32, #tpu.memory_space<vmem>>
      %dma_wait3A_666 = tpu.memref_squeeze %dma_wait3A_665 : memref<1x1x128xf32, #tpu.memory_space<vmem>> -> memref<128xf32, #tpu.memory_space<vmem>>
      %dma_wait3A_667 = arith.constant 0 : i32
      %dma_wait3A_668 = tpu.memref_slice %arg6[%dma_wait3A_667] : memref<1000000xf32, #tpu.memory_space<hbm>> -> memref<128xf32, #tpu.memory_space<hbm>>
      %dma_wait3A_669 = arith.constant 0 : i32
      %dma_wait3A_670 = tpu.memref_slice %arg13[%dma_wait3A_662, %dma_wait3A_663, %dma_wait3A_669] : memref<2x4x128xf32, #tpu.memory_space<vmem>> -> memref<1x1x128xf32, #tpu.memory_space<vmem>>
      %dma_wait3A_671 = tpu.memref_squeeze %dma_wait3A_670 : memref<1x1x128xf32, #tpu.memory_space<vmem>> -> memref<128xf32, #tpu.memory_space<vmem>>
      %dma_wait3A_672 = arith.constant 0 : i32
      %dma_wait3A_673 = tpu.memref_slice %arg6[%dma_wait3A_672] : memref<1000000xf32, #tpu.memory_space<hbm>> -> memref<128xf32, #tpu.memory_space<hbm>>
      tpu.wait_dma2 semaphore(%arg16 : memref<!tpu.dma_semaphore, #tpu.memory_space<semaphore_mem>>) src(%dma_wait3A_673 : memref<128xf32, #tpu.memory_space<hbm>>) dst(%dma_wait3A_671 : memref<128xf32, #tpu.memory_space<vmem>>)
      %dma_wait3A_674 = arith.constant 0 : i32
      %dma_wait3A_675 = arith.constant 2 : i32
      %dma_wait3A_676 = arith.constant 0 : i32
      %dma_wait3A_677 = tpu.memref_slice %arg14[%dma_wait3A_674, %dma_wait3A_675, %dma_wait3A_676] : memref<2x4x128xf32, #tpu.memory_space<vmem>> -> memref<1x1x128xf32, #tpu.memory_space<vmem>>
      %dma_wait3A_678 = tpu.memref_squeeze %dma_wait3A_677 : memref<1x1x128xf32, #tpu.memory_space<vmem>> -> memref<128xf32, #tpu.memory_space<vmem>>
      %dma_wait3A_679 = arith.constant 0 : i32
      %dma_wait3A_680 = tpu.memref_slice %arg7[%dma_wait3A_679] : memref<1000000xf32, #tpu.memory_space<hbm>> -> memref<128xf32, #tpu.memory_space<hbm>>
      %dma_wait3A_681 = arith.constant 0 : i32
      %dma_wait3A_682 = tpu.memref_slice %arg14[%dma_wait3A_674, %dma_wait3A_675, %dma_wait3A_681] : memref<2x4x128xf32, #tpu.memory_space<vmem>> -> memref<1x1x128xf32, #tpu.memory_space<vmem>>
      %dma_wait3A_683 = tpu.memref_squeeze %dma_wait3A_682 : memref<1x1x128xf32, #tpu.memory_space<vmem>> -> memref<128xf32, #tpu.memory_space<vmem>>
      %dma_wait3A_684 = arith.constant 0 : i32
      %dma_wait3A_685 = tpu.memref_slice %arg7[%dma_wait3A_684] : memref<1000000xf32, #tpu.memory_space<hbm>> -> memref<128xf32, #tpu.memory_space<hbm>>
      tpu.wait_dma2 semaphore(%arg16 : memref<!tpu.dma_semaphore, #tpu.memory_space<semaphore_mem>>) src(%dma_wait3A_685 : memref<128xf32, #tpu.memory_space<hbm>>) dst(%dma_wait3A_683 : memref<128xf32, #tpu.memory_space<vmem>>)
      %dma_wait3A_686 = arith.constant 0 : i32
      %dma_wait3A_687 = arith.constant 3 : i32
      %dma_wait3A_688 = arith.constant 0 : i32
      %dma_wait3A_689 = arith.constant 0 : i32
      %dma_wait3A_690 = tpu.memref_slice %arg11[%dma_wait3A_686, %dma_wait3A_687, %dma_wait3A_688, %dma_wait3A_689] : memref<2x4x32x128xf32, #tpu.memory_space<vmem>> -> memref<1x1x32x128xf32, #tpu.memory_space<vmem>>
      %dma_wait3A_691 = tpu.memref_squeeze %dma_wait3A_690 : memref<1x1x32x128xf32, #tpu.memory_space<vmem>> -> memref<32x128xf32, #tpu.memory_space<vmem>>
      %dma_wait3A_692 = arith.constant 0 : i32
      %dma_wait3A_693 = arith.constant 0 : i32
      %dma_wait3A_694 = tpu.memref_slice %arg4[%dma_wait3A_692, %dma_wait3A_693] : memref<32x1000000xf32, #tpu.memory_space<hbm>> -> memref<32x128xf32, #tpu.memory_space<hbm>>
      %dma_wait3A_695 = arith.constant 0 : i32
      %dma_wait3A_696 = arith.constant 0 : i32
      %dma_wait3A_697 = tpu.memref_slice %arg11[%dma_wait3A_686, %dma_wait3A_687, %dma_wait3A_695, %dma_wait3A_696] : memref<2x4x32x128xf32, #tpu.memory_space<vmem>> -> memref<1x1x32x128xf32, #tpu.memory_space<vmem>>
      %dma_wait3A_698 = tpu.memref_squeeze %dma_wait3A_697 : memref<1x1x32x128xf32, #tpu.memory_space<vmem>> -> memref<32x128xf32, #tpu.memory_space<vmem>>
      %dma_wait3A_699 = arith.constant 0 : i32
      %dma_wait3A_700 = arith.constant 0 : i32
      %dma_wait3A_701 = tpu.memref_slice %arg4[%dma_wait3A_699, %dma_wait3A_700] : memref<32x1000000xf32, #tpu.memory_space<hbm>> -> memref<32x128xf32, #tpu.memory_space<hbm>>
      tpu.wait_dma2 semaphore(%arg16 : memref<!tpu.dma_semaphore, #tpu.memory_space<semaphore_mem>>) src(%dma_wait3A_701 : memref<32x128xf32, #tpu.memory_space<hbm>>) dst(%dma_wait3A_698 : memref<32x128xf32, #tpu.memory_space<vmem>>)
      %dma_wait3A_702 = arith.constant 0 : i32
      %dma_wait3A_703 = arith.constant 3 : i32
      %dma_wait3A_704 = arith.constant 0 : i32
      %dma_wait3A_705 = arith.constant 0 : i32
      %dma_wait3A_706 = tpu.memref_slice %arg12[%dma_wait3A_702, %dma_wait3A_703, %dma_wait3A_704, %dma_wait3A_705] : memref<2x4x32x128xf32, #tpu.memory_space<vmem>> -> memref<1x1x32x128xf32, #tpu.memory_space<vmem>>
      %dma_wait3A_707 = tpu.memref_squeeze %dma_wait3A_706 : memref<1x1x32x128xf32, #tpu.memory_space<vmem>> -> memref<32x128xf32, #tpu.memory_space<vmem>>
      %dma_wait3A_708 = arith.constant 0 : i32
      %dma_wait3A_709 = arith.constant 0 : i32
      %dma_wait3A_710 = tpu.memref_slice %arg5[%dma_wait3A_708, %dma_wait3A_709] : memref<32x1000000xf32, #tpu.memory_space<hbm>> -> memref<32x128xf32, #tpu.memory_space<hbm>>
      %dma_wait3A_711 = arith.constant 0 : i32
      %dma_wait3A_712 = arith.constant 0 : i32
      %dma_wait3A_713 = tpu.memref_slice %arg12[%dma_wait3A_702, %dma_wait3A_703, %dma_wait3A_711, %dma_wait3A_712] : memref<2x4x32x128xf32, #tpu.memory_space<vmem>> -> memref<1x1x32x128xf32, #tpu.memory_space<vmem>>
      %dma_wait3A_714 = tpu.memref_squeeze %dma_wait3A_713 : memref<1x1x32x128xf32, #tpu.memory_space<vmem>> -> memref<32x128xf32, #tpu.memory_space<vmem>>
      %dma_wait3A_715 = arith.constant 0 : i32
      %dma_wait3A_716 = arith.constant 0 : i32
      %dma_wait3A_717 = tpu.memref_slice %arg5[%dma_wait3A_715, %dma_wait3A_716] : memref<32x1000000xf32, #tpu.memory_space<hbm>> -> memref<32x128xf32, #tpu.memory_space<hbm>>
      tpu.wait_dma2 semaphore(%arg16 : memref<!tpu.dma_semaphore, #tpu.memory_space<semaphore_mem>>) src(%dma_wait3A_717 : memref<32x128xf32, #tpu.memory_space<hbm>>) dst(%dma_wait3A_714 : memref<32x128xf32, #tpu.memory_space<vmem>>)
      %dma_wait3A_718 = arith.constant 0 : i32
      %dma_wait3A_719 = arith.constant 3 : i32
      %dma_wait3A_720 = arith.constant 0 : i32
      %dma_wait3A_721 = tpu.memref_slice %arg13[%dma_wait3A_718, %dma_wait3A_719, %dma_wait3A_720] : memref<2x4x128xf32, #tpu.memory_space<vmem>> -> memref<1x1x128xf32, #tpu.memory_space<vmem>>
      %dma_wait3A_722 = tpu.memref_squeeze %dma_wait3A_721 : memref<1x1x128xf32, #tpu.memory_space<vmem>> -> memref<128xf32, #tpu.memory_space<vmem>>
      %dma_wait3A_723 = arith.constant 0 : i32
      %dma_wait3A_724 = tpu.memref_slice %arg6[%dma_wait3A_723] : memref<1000000xf32, #tpu.memory_space<hbm>> -> memref<128xf32, #tpu.memory_space<hbm>>
      %dma_wait3A_725 = arith.constant 0 : i32
      %dma_wait3A_726 = tpu.memref_slice %arg13[%dma_wait3A_718, %dma_wait3A_719, %dma_wait3A_725] : memref<2x4x128xf32, #tpu.memory_space<vmem>> -> memref<1x1x128xf32, #tpu.memory_space<vmem>>
      %dma_wait3A_727 = tpu.memref_squeeze %dma_wait3A_726 : memref<1x1x128xf32, #tpu.memory_space<vmem>> -> memref<128xf32, #tpu.memory_space<vmem>>
      %dma_wait3A_728 = arith.constant 0 : i32
      %dma_wait3A_729 = tpu.memref_slice %arg6[%dma_wait3A_728] : memref<1000000xf32, #tpu.memory_space<hbm>> -> memref<128xf32, #tpu.memory_space<hbm>>
      tpu.wait_dma2 semaphore(%arg16 : memref<!tpu.dma_semaphore, #tpu.memory_space<semaphore_mem>>) src(%dma_wait3A_729 : memref<128xf32, #tpu.memory_space<hbm>>) dst(%dma_wait3A_727 : memref<128xf32, #tpu.memory_space<vmem>>)
      %dma_wait3A_730 = arith.constant 0 : i32
      %dma_wait3A_731 = arith.constant 3 : i32
      %dma_wait3A_732 = arith.constant 0 : i32
      %dma_wait3A_733 = tpu.memref_slice %arg14[%dma_wait3A_730, %dma_wait3A_731, %dma_wait3A_732] : memref<2x4x128xf32, #tpu.memory_space<vmem>> -> memref<1x1x128xf32, #tpu.memory_space<vmem>>
      %dma_wait3A_734 = tpu.memref_squeeze %dma_wait3A_733 : memref<1x1x128xf32, #tpu.memory_space<vmem>> -> memref<128xf32, #tpu.memory_space<vmem>>
      %dma_wait3A_735 = arith.constant 0 : i32
      %dma_wait3A_736 = tpu.memref_slice %arg7[%dma_wait3A_735] : memref<1000000xf32, #tpu.memory_space<hbm>> -> memref<128xf32, #tpu.memory_space<hbm>>
      %dma_wait3A_737 = arith.constant 0 : i32
      %dma_wait3A_738 = tpu.memref_slice %arg14[%dma_wait3A_730, %dma_wait3A_731, %dma_wait3A_737] : memref<2x4x128xf32, #tpu.memory_space<vmem>> -> memref<1x1x128xf32, #tpu.memory_space<vmem>>
      %dma_wait3A_739 = tpu.memref_squeeze %dma_wait3A_738 : memref<1x1x128xf32, #tpu.memory_space<vmem>> -> memref<128xf32, #tpu.memory_space<vmem>>
      %dma_wait3A_740 = arith.constant 0 : i32
      %dma_wait3A_741 = tpu.memref_slice %arg7[%dma_wait3A_740] : memref<1000000xf32, #tpu.memory_space<hbm>> -> memref<128xf32, #tpu.memory_space<hbm>>
      tpu.wait_dma2 semaphore(%arg16 : memref<!tpu.dma_semaphore, #tpu.memory_space<semaphore_mem>>) src(%dma_wait3A_741 : memref<128xf32, #tpu.memory_space<hbm>>) dst(%dma_wait3A_739 : memref<128xf32, #tpu.memory_space<vmem>>)
      %mul3A_742 = arith.constant 4 : i32
      %mul3A_743 = arith.muli %mul3A_258, %mul3A_742 : i32
      %get3A_744 = arith.index_cast %mul3A_743 : i32 to index
      %get3A_745 = tpu.vector_load %arg9[%get3A_744] {strides = array<i32>} : memref<528xi32, #tpu.memory_space<vmem>>, vector<16xi32>,
      %mul3A_746 = arith.constant 4 : i32
      %mul3A_747 = arith.muli %mul3A_258, %mul3A_746 : i32
      %get3A_748 = arith.index_cast %mul3A_747 : i32 to index
      %get3A_749 = tpu.vector_load %arg10[%get3A_748] {strides = array<i32>} : memref<528xi32, #tpu.memory_space<vmem>>, vector<16xi32>,
      %broadcast_in_dim3A_750 = arith.constant 0 : i32
      %broadcast_in_dim3A_751 = vector.broadcast %broadcast_in_dim3A_750 : i32 to vector<16xi32>
      %slice3A_752 = vector.extract_strided_slice %get3A_745 {offsets = [0], sizes = [1], strides = [1]} : vector<16xi32> to vector<1xi32>
      %squeeze3A_753 = vector.extract %slice3A_752[0] : i32 from vector<1xi32>
      %and3A = arith.constant 127 : i32
      %and3A_754 = arith.andi %squeeze3A_753, %and3A : i32
      %broadcast_in_dim3A_755 = vector.broadcast %and3A_754 : i32 to vector<16xi32>
      %slice3A_756 = vector.extract_strided_slice %get3A_749 {offsets = [0], sizes = [1], strides = [1]} : vector<16xi32> to vector<1xi32>
      %squeeze3A_757 = vector.extract %slice3A_756[0] : i32 from vector<1xi32>
      %and3A_758 = arith.constant 127 : i32
      %and3A_759 = arith.andi %squeeze3A_757, %and3A_758 : i32
      %broadcast_in_dim3A_760 = vector.broadcast %and3A_759 : i32 to vector<16xi32>
      %broadcast_in_dim3A_761 = arith.constant 0 : i32
      %broadcast_in_dim3A_762 = vector.broadcast %broadcast_in_dim3A_761 : i32 to vector<16xi32>
      %gather3A = tpu.vector_load_idx %arg11[%broadcast_in_dim3A_751, %broadcast_in_dim3A_762, %iota3A, %broadcast_in_dim3A_755] : memref<2x4x32x128xf32, #tpu.memory_space<vmem>>[vector<16xi32>, vector<16xi32>, vector<16xi32>, vector<16xi32>], vector<16xf32>,
      %add3A_763 = arith.constant 16 : i32
      %add3A_764 = vector.broadcast %add3A_763 : i32 to vector<16xi32>
      %add3A_765 = arith.addi %iota3A, %add3A_764 : vector<16xi32>
      %gather3A_766 = tpu.vector_load_idx %arg11[%broadcast_in_dim3A_751, %broadcast_in_dim3A_762, %add3A_765, %broadcast_in_dim3A_755] : memref<2x4x32x128xf32, #tpu.memory_space<vmem>>[vector<16xi32>, vector<16xi32>, vector<16xi32>, vector<16xi32>], vector<16xf32>,
      %gather3A_767 = tpu.vector_load_idx %arg12[%broadcast_in_dim3A_751, %broadcast_in_dim3A_762, %iota3A, %broadcast_in_dim3A_760] : memref<2x4x32x128xf32, #tpu.memory_space<vmem>>[vector<16xi32>, vector<16xi32>, vector<16xi32>, vector<16xi32>], vector<16xf32>,
      %add3A_768 = arith.constant 16 : i32
      %add3A_769 = vector.broadcast %add3A_768 : i32 to vector<16xi32>
      %add3A_770 = arith.addi %iota3A, %add3A_769 : vector<16xi32>
      %gather3A_771 = tpu.vector_load_idx %arg12[%broadcast_in_dim3A_751, %broadcast_in_dim3A_762, %add3A_770, %broadcast_in_dim3A_760] : memref<2x4x32x128xf32, #tpu.memory_space<vmem>>[vector<16xi32>, vector<16xi32>, vector<16xi32>, vector<16xi32>], vector<16xf32>,
      %mul3A_772 = arith.mulf %gather3A, %gather3A_767 : vector<16xf32>
      %mul3A_773 = arith.mulf %gather3A_766, %gather3A_771 : vector<16xf32>
      %add3A_774 = arith.addf %mul3A_772, %mul3A_773 : vector<16xf32>
      %reduce_sum3A = arith.constant true
      %reduce_sum3A_775 = vector.broadcast %reduce_sum3A : i1 to vector<16xi1>
      %reduce_sum3A_776 = tpu.scan <sum>, %add3A_774 masked %reduce_sum3A_775 : vector<16xf32>, vector<16xi1> -> vector<16xf32>
      %reduce_sum3A_777 = vector.extract %reduce_sum3A_776[15] : f32 from vector<16xf32>
      %gather3A_778 = tpu.vector_load_idx %arg13[%broadcast_in_dim3A_751, %broadcast_in_dim3A_762, %broadcast_in_dim3A_755] : memref<2x4x128xf32, #tpu.memory_space<vmem>>[vector<16xi32>, vector<16xi32>, vector<16xi32>], vector<16xf32>,
      %gather3A_779 = tpu.vector_load_idx %arg14[%broadcast_in_dim3A_751, %broadcast_in_dim3A_762, %broadcast_in_dim3A_760] : memref<2x4x128xf32, #tpu.memory_space<vmem>>[vector<16xi32>, vector<16xi32>, vector<16xi32>], vector<16xf32>,
      %broadcast_in_dim3A_780 = vector.broadcast %reduce_sum3A_777 : f32 to vector<16xf32>
      %add3A_781 = arith.addf %broadcast_in_dim3A_780, %gather3A_778 : vector<16xf32>
      %add3A_782 = arith.addf %add3A_781, %gather3A_779 : vector<16xf32>
      %and3A_783 = arith.constant 3 : i32
      %and3A_784 = arith.andi %mul3A_258, %and3A_783 : i32
      %mul3A_785 = arith.constant 4 : i32
      %mul3A_786 = arith.muli %and3A_784, %mul3A_785 : i32
      %add3A_787 = arith.constant 0 : i32
      %add3A_788 = arith.addi %mul3A_786, %add3A_787 : i32
      %eq3A = vector.broadcast %add3A_788 : i32 to vector<16xi32>
      %eq3A_789 = arith.cmpi eq, %iota3A, %eq3A : vector<16xi32>
      %select_n3A = arith.select %eq3A_789, %add3A_782, %scan3A_256 : vector<16xi1>, vector<16xf32>
      %slice3A_790 = vector.extract_strided_slice %get3A_745 {offsets = [1], sizes = [1], strides = [1]} : vector<16xi32> to vector<1xi32>
      %squeeze3A_791 = vector.extract %slice3A_790[0] : i32 from vector<1xi32>
      %and3A_792 = arith.constant 127 : i32
      %and3A_793 = arith.andi %squeeze3A_791, %and3A_792 : i32
      %broadcast_in_dim3A_794 = vector.broadcast %and3A_793 : i32 to vector<16xi32>
      %slice3A_795 = vector.extract_strided_slice %get3A_749 {offsets = [1], sizes = [1], strides = [1]} : vector<16xi32> to vector<1xi32>
      %squeeze3A_796 = vector.extract %slice3A_795[0] : i32 from vector<1xi32>
      %and3A_797 = arith.constant 127 : i32
      %and3A_798 = arith.andi %squeeze3A_796, %and3A_797 : i32
      %broadcast_in_dim3A_799 = vector.broadcast %and3A_798 : i32 to vector<16xi32>
      %broadcast_in_dim3A_800 = arith.constant 1 : i32
      %broadcast_in_dim3A_801 = vector.broadcast %broadcast_in_dim3A_800 : i32 to vector<16xi32>
      %gather3A_802 = tpu.vector_load_idx %arg11[%broadcast_in_dim3A_751, %broadcast_in_dim3A_801, %iota3A, %broadcast_in_dim3A_794] : memref<2x4x32x128xf32, #tpu.memory_space<vmem>>[vector<16xi32>, vector<16xi32>, vector<16xi32>, vector<16xi32>], vector<16xf32>,
      %add3A_803 = arith.constant 16 : i32
      %add3A_804 = vector.broadcast %add3A_803 : i32 to vector<16xi32>
      %add3A_805 = arith.addi %iota3A, %add3A_804 : vector<16xi32>
      %gather3A_806 = tpu.vector_load_idx %arg11[%broadcast_in_dim3A_751, %broadcast_in_dim3A_801, %add3A_805, %broadcast_in_dim3A_794] : memref<2x4x32x128xf32, #tpu.memory_space<vmem>>[vector<16xi32>, vector<16xi32>, vector<16xi32>, vector<16xi32>], vector<16xf32>,
      %gather3A_807 = tpu.vector_load_idx %arg12[%broadcast_in_dim3A_751, %broadcast_in_dim3A_801, %iota3A, %broadcast_in_dim3A_799] : memref<2x4x32x128xf32, #tpu.memory_space<vmem>>[vector<16xi32>, vector<16xi32>, vector<16xi32>, vector<16xi32>], vector<16xf32>,
      %add3A_808 = arith.constant 16 : i32
      %add3A_809 = vector.broadcast %add3A_808 : i32 to vector<16xi32>
      %add3A_810 = arith.addi %iota3A, %add3A_809 : vector<16xi32>
      %gather3A_811 = tpu.vector_load_idx %arg12[%broadcast_in_dim3A_751, %broadcast_in_dim3A_801, %add3A_810, %broadcast_in_dim3A_799] : memref<2x4x32x128xf32, #tpu.memory_space<vmem>>[vector<16xi32>, vector<16xi32>, vector<16xi32>, vector<16xi32>], vector<16xf32>,
      %mul3A_812 = arith.mulf %gather3A_802, %gather3A_807 : vector<16xf32>
      %mul3A_813 = arith.mulf %gather3A_806, %gather3A_811 : vector<16xf32>
      %add3A_814 = arith.addf %mul3A_812, %mul3A_813 : vector<16xf32>
      %reduce_sum3A_815 = arith.constant true
      %reduce_sum3A_816 = vector.broadcast %reduce_sum3A_815 : i1 to vector<16xi1>
      %reduce_sum3A_817 = tpu.scan <sum>, %add3A_814 masked %reduce_sum3A_816 : vector<16xf32>, vector<16xi1> -> vector<16xf32>
      %reduce_sum3A_818 = vector.extract %reduce_sum3A_817[15] : f32 from vector<16xf32>
      %gather3A_819 = tpu.vector_load_idx %arg13[%broadcast_in_dim3A_751, %broadcast_in_dim3A_801, %broadcast_in_dim3A_794] : memref<2x4x128xf32, #tpu.memory_space<vmem>>[vector<16xi32>, vector<16xi32>, vector<16xi32>], vector<16xf32>,
      %gather3A_820 = tpu.vector_load_idx %arg14[%broadcast_in_dim3A_751, %broadcast_in_dim3A_801, %broadcast_in_dim3A_799] : memref<2x4x128xf32, #tpu.memory_space<vmem>>[vector<16xi32>, vector<16xi32>, vector<16xi32>], vector<16xf32>,
      %broadcast_in_dim3A_821 = vector.broadcast %reduce_sum3A_818 : f32 to vector<16xf32>
      %add3A_822 = arith.addf %broadcast_in_dim3A_821, %gather3A_819 : vector<16xf32>
      %add3A_823 = arith.addf %add3A_822, %gather3A_820 : vector<16xf32>
      %and3A_824 = arith.constant 3 : i32
      %and3A_825 = arith.andi %mul3A_258, %and3A_824 : i32
      %mul3A_826 = arith.constant 4 : i32
      %mul3A_827 = arith.muli %and3A_825, %mul3A_826 : i32
      %add3A_828 = arith.constant 1 : i32
      %add3A_829 = arith.addi %mul3A_827, %add3A_828 : i32
      %eq3A_830 = vector.broadcast %add3A_829 : i32 to vector<16xi32>
      %eq3A_831 = arith.cmpi eq, %iota3A, %eq3A_830 : vector<16xi32>
      %select_n3A_832 = arith.select %eq3A_831, %add3A_823, %select_n3A : vector<16xi1>, vector<16xf32>
      %slice3A_833 = vector.extract_strided_slice %get3A_745 {offsets = [2], sizes = [1], strides = [1]} : vector<16xi32> to vector<1xi32>
      %squeeze3A_834 = vector.extract %slice3A_833[0] : i32 from vector<1xi32>
      %and3A_835 = arith.constant 127 : i32
      %and3A_836 = arith.andi %squeeze3A_834, %and3A_835 : i32
      %broadcast_in_dim3A_837 = vector.broadcast %and3A_836 : i32 to vector<16xi32>
      %slice3A_838 = vector.extract_strided_slice %get3A_749 {offsets = [2], sizes = [1], strides = [1]} : vector<16xi32> to vector<1xi32>
      %squeeze3A_839 = vector.extract %slice3A_838[0] : i32 from vector<1xi32>
      %and3A_840 = arith.constant 127 : i32
      %and3A_841 = arith.andi %squeeze3A_839, %and3A_840 : i32
      %broadcast_in_dim3A_842 = vector.broadcast %and3A_841 : i32 to vector<16xi32>
      %broadcast_in_dim3A_843 = arith.constant 2 : i32
      %broadcast_in_dim3A_844 = vector.broadcast %broadcast_in_dim3A_843 : i32 to vector<16xi32>
      %gather3A_845 = tpu.vector_load_idx %arg11[%broadcast_in_dim3A_751, %broadcast_in_dim3A_844, %iota3A, %broadcast_in_dim3A_837] : memref<2x4x32x128xf32, #tpu.memory_space<vmem>>[vector<16xi32>, vector<16xi32>, vector<16xi32>, vector<16xi32>], vector<16xf32>,
      %add3A_846 = arith.constant 16 : i32
      %add3A_847 = vector.broadcast %add3A_846 : i32 to vector<16xi32>
      %add3A_848 = arith.addi %iota3A, %add3A_847 : vector<16xi32>
      %gather3A_849 = tpu.vector_load_idx %arg11[%broadcast_in_dim3A_751, %broadcast_in_dim3A_844, %add3A_848, %broadcast_in_dim3A_837] : memref<2x4x32x128xf32, #tpu.memory_space<vmem>>[vector<16xi32>, vector<16xi32>, vector<16xi32>, vector<16xi32>], vector<16xf32>,
      %gather3A_850 = tpu.vector_load_idx %arg12[%broadcast_in_dim3A_751, %broadcast_in_dim3A_844, %iota3A, %broadcast_in_dim3A_842] : memref<2x4x32x128xf32, #tpu.memory_space<vmem>>[vector<16xi32>, vector<16xi32>, vector<16xi32>, vector<16xi32>], vector<16xf32>,
      %add3A_851 = arith.constant 16 : i32
      %add3A_852 = vector.broadcast %add3A_851 : i32 to vector<16xi32>
      %add3A_853 = arith.addi %iota3A, %add3A_852 : vector<16xi32>
      %gather3A_854 = tpu.vector_load_idx %arg12[%broadcast_in_dim3A_751, %broadcast_in_dim3A_844, %add3A_853, %broadcast_in_dim3A_842] : memref<2x4x32x128xf32, #tpu.memory_space<vmem>>[vector<16xi32>, vector<16xi32>, vector<16xi32>, vector<16xi32>], vector<16xf32>,
      %mul3A_855 = arith.mulf %gather3A_845, %gather3A_850 : vector<16xf32>
      %mul3A_856 = arith.mulf %gather3A_849, %gather3A_854 : vector<16xf32>
      %add3A_857 = arith.addf %mul3A_855, %mul3A_856 : vector<16xf32>
      %reduce_sum3A_858 = arith.constant true
      %reduce_sum3A_859 = vector.broadcast %reduce_sum3A_858 : i1 to vector<16xi1>
      %reduce_sum3A_860 = tpu.scan <sum>, %add3A_857 masked %reduce_sum3A_859 : vector<16xf32>, vector<16xi1> -> vector<16xf32>
      %reduce_sum3A_861 = vector.extract %reduce_sum3A_860[15] : f32 from vector<16xf32>
      %gather3A_862 = tpu.vector_load_idx %arg13[%broadcast_in_dim3A_751, %broadcast_in_dim3A_844, %broadcast_in_dim3A_837] : memref<2x4x128xf32, #tpu.memory_space<vmem>>[vector<16xi32>, vector<16xi32>, vector<16xi32>], vector<16xf32>,
      %gather3A_863 = tpu.vector_load_idx %arg14[%broadcast_in_dim3A_751, %broadcast_in_dim3A_844, %broadcast_in_dim3A_842] : memref<2x4x128xf32, #tpu.memory_space<vmem>>[vector<16xi32>, vector<16xi32>, vector<16xi32>], vector<16xf32>,
      %broadcast_in_dim3A_864 = vector.broadcast %reduce_sum3A_861 : f32 to vector<16xf32>
      %add3A_865 = arith.addf %broadcast_in_dim3A_864, %gather3A_862 : vector<16xf32>
      %add3A_866 = arith.addf %add3A_865, %gather3A_863 : vector<16xf32>
      %and3A_867 = arith.constant 3 : i32
      %and3A_868 = arith.andi %mul3A_258, %and3A_867 : i32
      %mul3A_869 = arith.constant 4 : i32
      %mul3A_870 = arith.muli %and3A_868, %mul3A_869 : i32
      %add3A_871 = arith.constant 2 : i32
      %add3A_872 = arith.addi %mul3A_870, %add3A_871 : i32
      %eq3A_873 = vector.broadcast %add3A_872 : i32 to vector<16xi32>
      %eq3A_874 = arith.cmpi eq, %iota3A, %eq3A_873 : vector<16xi32>
      %select_n3A_875 = arith.select %eq3A_874, %add3A_866, %select_n3A_832 : vector<16xi1>, vector<16xf32>
      %slice3A_876 = vector.extract_strided_slice %get3A_745 {offsets = [3], sizes = [1], strides = [1]} : vector<16xi32> to vector<1xi32>
      %squeeze3A_877 = vector.extract %slice3A_876[0] : i32 from vector<1xi32>
      %and3A_878 = arith.constant 127 : i32
      %and3A_879 = arith.andi %squeeze3A_877, %and3A_878 : i32
      %broadcast_in_dim3A_880 = vector.broadcast %and3A_879 : i32 to vector<16xi32>
      %slice3A_881 = vector.extract_strided_slice %get3A_749 {offsets = [3], sizes = [1], strides = [1]} : vector<16xi32> to vector<1xi32>
      %squeeze3A_882 = vector.extract %slice3A_881[0] : i32 from vector<1xi32>
      %and3A_883 = arith.constant 127 : i32
      %and3A_884 = arith.andi %squeeze3A_882, %and3A_883 : i32
      %broadcast_in_dim3A_885 = vector.broadcast %and3A_884 : i32 to vector<16xi32>
      %broadcast_in_dim3A_886 = arith.constant 3 : i32
      %broadcast_in_dim3A_887 = vector.broadcast %broadcast_in_dim3A_886 : i32 to vector<16xi32>
      %gather3A_888 = tpu.vector_load_idx %arg11[%broadcast_in_dim3A_751, %broadcast_in_dim3A_887, %iota3A, %broadcast_in_dim3A_880] : memref<2x4x32x128xf32, #tpu.memory_space<vmem>>[vector<16xi32>, vector<16xi32>, vector<16xi32>, vector<16xi32>], vector<16xf32>,
      %add3A_889 = arith.constant 16 : i32
      %add3A_890 = vector.broadcast %add3A_889 : i32 to vector<16xi32>
      %add3A_891 = arith.addi %iota3A, %add3A_890 : vector<16xi32>
      %gather3A_892 = tpu.vector_load_idx %arg11[%broadcast_in_dim3A_751, %broadcast_in_dim3A_887, %add3A_891, %broadcast_in_dim3A_880] : memref<2x4x32x128xf32, #tpu.memory_space<vmem>>[vector<16xi32>, vector<16xi32>, vector<16xi32>, vector<16xi32>], vector<16xf32>,
      %gather3A_893 = tpu.vector_load_idx %arg12[%broadcast_in_dim3A_751, %broadcast_in_dim3A_887, %iota3A, %broadcast_in_dim3A_885] : memref<2x4x32x128xf32, #tpu.memory_space<vmem>>[vector<16xi32>, vector<16xi32>, vector<16xi32>, vector<16xi32>], vector<16xf32>,
      %add3A_894 = arith.constant 16 : i32
      %add3A_895 = vector.broadcast %add3A_894 : i32 to vector<16xi32>
      %add3A_896 = arith.addi %iota3A, %add3A_895 : vector<16xi32>
      %gather3A_897 = tpu.vector_load_idx %arg12[%broadcast_in_dim3A_751, %broadcast_in_dim3A_887, %add3A_896, %broadcast_in_dim3A_885] : memref<2x4x32x128xf32, #tpu.memory_space<vmem>>[vector<16xi32>, vector<16xi32>, vector<16xi32>, vector<16xi32>], vector<16xf32>,
      %mul3A_898 = arith.mulf %gather3A_888, %gather3A_893 : vector<16xf32>
      %mul3A_899 = arith.mulf %gather3A_892, %gather3A_897 : vector<16xf32>
      %add3A_900 = arith.addf %mul3A_898, %mul3A_899 : vector<16xf32>
      %reduce_sum3A_901 = arith.constant true
      %reduce_sum3A_902 = vector.broadcast %reduce_sum3A_901 : i1 to vector<16xi1>
      %reduce_sum3A_903 = tpu.scan <sum>, %add3A_900 masked %reduce_sum3A_902 : vector<16xf32>, vector<16xi1> -> vector<16xf32>
      %reduce_sum3A_904 = vector.extract %reduce_sum3A_903[15] : f32 from vector<16xf32>
      %gather3A_905 = tpu.vector_load_idx %arg13[%broadcast_in_dim3A_751, %broadcast_in_dim3A_887, %broadcast_in_dim3A_880] : memref<2x4x128xf32, #tpu.memory_space<vmem>>[vector<16xi32>, vector<16xi32>, vector<16xi32>], vector<16xf32>,
      %gather3A_906 = tpu.vector_load_idx %arg14[%broadcast_in_dim3A_751, %broadcast_in_dim3A_887, %broadcast_in_dim3A_885] : memref<2x4x128xf32, #tpu.memory_space<vmem>>[vector<16xi32>, vector<16xi32>, vector<16xi32>], vector<16xf32>,
      %broadcast_in_dim3A_907 = vector.broadcast %reduce_sum3A_904 : f32 to vector<16xf32>
      %add3A_908 = arith.addf %broadcast_in_dim3A_907, %gather3A_905 : vector<16xf32>
      %add3A_909 = arith.addf %add3A_908, %gather3A_906 : vector<16xf32>
      %and3A_910 = arith.constant 3 : i32
      %and3A_911 = arith.andi %mul3A_258, %and3A_910 : i32
      %mul3A_912 = arith.constant 4 : i32
      %mul3A_913 = arith.muli %and3A_911, %mul3A_912 : i32
      %add3A_914 = arith.constant 3 : i32
      %add3A_915 = arith.addi %mul3A_913, %add3A_914 : i32
      %eq3A_916 = vector.broadcast %add3A_915 : i32 to vector<16xi32>
      %eq3A_917 = arith.cmpi eq, %iota3A, %eq3A_916 : vector<16xi32>
      %select_n3A_918 = arith.select %eq3A_917, %add3A_909, %select_n3A_875 : vector<16xi1>, vector<16xf32>
      %and3A_919 = arith.constant 3 : i32
      %and3A_920 = arith.andi %mul3A_258, %and3A_919 : i32
      %eq3A_921 = arith.constant 3 : i32
      %eq3A_922 = arith.cmpi eq, %and3A_920, %eq3A_921 : i32
      %convert_element_type3A = arith.extui %eq3A_922 : i1 to i32
      %cond3A = arith.constant 0 : i32
      %cond3A_923 = arith.cmpi ne, %convert_element_type3A, %cond3A : i32
      scf.if %cond3A_923 {
        %shift_right_arithmetic3A_1355 = arith.constant 2 : i32
        %shift_right_arithmetic3A_1356 = arith.shrsi %mul3A_258, %shift_right_arithmetic3A_1355 : i32
        %mul3A_1357 = arith.constant 16 : i32
        %mul3A_1358 = arith.muli %shift_right_arithmetic3A_1356, %mul3A_1357 : i32
        %swap3A = arith.index_cast %mul3A_1358 : i32 to index
        %swap3A_1359 = tpu.vector_load %arg15[%swap3A] {strides = array<i32>} : memref<512xf32, #tpu.memory_space<vmem>>, vector<16xf32>,
        tpu.vector_store %arg15[%swap3A], %select_n3A_918 {strides = array<i32>} : memref<512xf32, #tpu.memory_space<vmem>>, vector<16xf32>,
      } else {
      }
      %and3A_924 = arith.constant 3 : i32
      %and3A_925 = arith.andi %mul3A_258, %and3A_924 : i32
      %eq3A_926 = arith.constant 3 : i32
      %eq3A_927 = arith.cmpi eq, %and3A_925, %eq3A_926 : i32
      %broadcast_in_dim3A_928 = arith.constant 0.000000e+00 : f32
      %broadcast_in_dim3A_929 = vector.broadcast %broadcast_in_dim3A_928 : f32 to vector<16xf32>
      %select_n3A_930 = arith.select %eq3A_927, %broadcast_in_dim3A_929, %select_n3A_918 : vector<16xf32>
      %lt3A = arith.constant 63 : i32
      %lt3A_931 = arith.cmpi slt, %scan3A_255, %lt3A : i32
      %convert_element_type3A_932 = arith.extui %lt3A_931 : i1 to i32
      %cond3A_933 = arith.constant 0 : i32
      %cond3A_934 = arith.cmpi ne, %convert_element_type3A_932, %cond3A_933 : i32
      scf.if %cond3A_934 {
        %add3A_1355 = arith.constant 2 : i32
        %add3A_1356 = arith.addi %mul3A_258, %add3A_1355 : i32
        %mul3A_1357 = arith.constant 4 : i32
        %mul3A_1358 = arith.muli %add3A_1356, %mul3A_1357 : i32
        %get3A_1359 = arith.index_cast %mul3A_1358 : i32 to index
        %get3A_1360 = tpu.vector_load %arg9[%get3A_1359] {strides = array<i32>} : memref<528xi32, #tpu.memory_space<vmem>>, vector<16xi32>,
        %mul3A_1361 = arith.constant 4 : i32
        %mul3A_1362 = arith.muli %add3A_1356, %mul3A_1361 : i32
        %get3A_1363 = arith.index_cast %mul3A_1362 : i32 to index
        %get3A_1364 = tpu.vector_load %arg10[%get3A_1363] {strides = array<i32>} : memref<528xi32, #tpu.memory_space<vmem>>, vector<16xi32>,
        %slice3A_1365 = vector.extract_strided_slice %get3A_1360 {offsets = [0], sizes = [1], strides = [1]} : vector<16xi32> to vector<1xi32>
        %squeeze3A_1366 = vector.extract %slice3A_1365[0] : i32 from vector<1xi32>
        %slice3A_1367 = vector.extract_strided_slice %get3A_1364 {offsets = [0], sizes = [1], strides = [1]} : vector<16xi32> to vector<1xi32>
        %squeeze3A_1368 = vector.extract %slice3A_1367[0] : i32 from vector<1xi32>
        %shift_right_arithmetic3A_1369 = arith.constant 7 : i32
        %shift_right_arithmetic3A_1370 = arith.shrsi %squeeze3A_1366, %shift_right_arithmetic3A_1369 : i32
        %mul3A_1371 = arith.constant 128 : i32
        %mul3A_1372 = arith.muli %shift_right_arithmetic3A_1370, %mul3A_1371 : i32
        %multiple_of3A_1373 = tpu.assume_multiple %mul3A_1372, 128 : i32
        %shift_right_arithmetic3A_1374 = arith.constant 7 : i32
        %shift_right_arithmetic3A_1375 = arith.shrsi %squeeze3A_1368, %shift_right_arithmetic3A_1374 : i32
        %mul3A_1376 = arith.constant 128 : i32
        %mul3A_1377 = arith.muli %shift_right_arithmetic3A_1375, %mul3A_1376 : i32
        %multiple_of3A_1378 = tpu.assume_multiple %mul3A_1377, 128 : i32
        %dma_start3A_1379 = arith.constant 0 : i32
        %dma_start3A_1380 = arith.constant 0 : i32
        %dma_start3A_1381 = arith.constant 0 : i32
        %dma_start3A_1382 = arith.constant 0 : i32
        %dma_start3A_1383 = tpu.memref_slice %arg11[%dma_start3A_1379, %dma_start3A_1380, %dma_start3A_1381, %dma_start3A_1382] : memref<2x4x32x128xf32, #tpu.memory_space<vmem>> -> memref<1x1x32x128xf32, #tpu.memory_space<vmem>>
        %dma_start3A_1384 = tpu.memref_squeeze %dma_start3A_1383 : memref<1x1x32x128xf32, #tpu.memory_space<vmem>> -> memref<32x128xf32, #tpu.memory_space<vmem>>
        %dma_start3A_1385 = arith.constant 0 : i32
        %dma_start3A_1386 = tpu.memref_slice %arg4[%dma_start3A_1385, %multiple_of3A_1373] : memref<32x1000000xf32, #tpu.memory_space<hbm>> -> memref<32x128xf32, #tpu.memory_space<hbm>>
        %dma_start3A_1387 = arith.constant 0 : i32
        %dma_start3A_1388 = arith.constant 0 : i32
        %dma_start3A_1389 = tpu.memref_slice %arg11[%dma_start3A_1379, %dma_start3A_1380, %dma_start3A_1387, %dma_start3A_1388] : memref<2x4x32x128xf32, #tpu.memory_space<vmem>> -> memref<1x1x32x128xf32, #tpu.memory_space<vmem>>
        %dma_start3A_1390 = tpu.memref_squeeze %dma_start3A_1389 : memref<1x1x32x128xf32, #tpu.memory_space<vmem>> -> memref<32x128xf32, #tpu.memory_space<vmem>>
        %dma_start3A_1391 = arith.constant 0 : i32
        %dma_start3A_1392 = tpu.memref_slice %arg4[%dma_start3A_1391, %multiple_of3A_1373] : memref<32x1000000xf32, #tpu.memory_space<hbm>> -> memref<32x128xf32, #tpu.memory_space<hbm>>
        tpu.enqueue_dma source(%dma_start3A_1392 : memref<32x128xf32, #tpu.memory_space<hbm>>) target(%dma_start3A_1390 : memref<32x128xf32, #tpu.memory_space<vmem>>) target_semaphore(%arg16 : memref<!tpu.dma_semaphore, #tpu.memory_space<semaphore_mem>>)
        %dma_start3A_1393 = arith.constant 0 : i32
        %dma_start3A_1394 = arith.constant 0 : i32
        %dma_start3A_1395 = arith.constant 0 : i32
        %dma_start3A_1396 = arith.constant 0 : i32
        %dma_start3A_1397 = tpu.memref_slice %arg12[%dma_start3A_1393, %dma_start3A_1394, %dma_start3A_1395, %dma_start3A_1396] : memref<2x4x32x128xf32, #tpu.memory_space<vmem>> -> memref<1x1x32x128xf32, #tpu.memory_space<vmem>>
        %dma_start3A_1398 = tpu.memref_squeeze %dma_start3A_1397 : memref<1x1x32x128xf32, #tpu.memory_space<vmem>> -> memref<32x128xf32, #tpu.memory_space<vmem>>
        %dma_start3A_1399 = arith.constant 0 : i32
        %dma_start3A_1400 = tpu.memref_slice %arg5[%dma_start3A_1399, %multiple_of3A_1378] : memref<32x1000000xf32, #tpu.memory_space<hbm>> -> memref<32x128xf32, #tpu.memory_space<hbm>>
        %dma_start3A_1401 = arith.constant 0 : i32
        %dma_start3A_1402 = arith.constant 0 : i32
        %dma_start3A_1403 = tpu.memref_slice %arg12[%dma_start3A_1393, %dma_start3A_1394, %dma_start3A_1401, %dma_start3A_1402] : memref<2x4x32x128xf32, #tpu.memory_space<vmem>> -> memref<1x1x32x128xf32, #tpu.memory_space<vmem>>
        %dma_start3A_1404 = tpu.memref_squeeze %dma_start3A_1403 : memref<1x1x32x128xf32, #tpu.memory_space<vmem>> -> memref<32x128xf32, #tpu.memory_space<vmem>>
        %dma_start3A_1405 = arith.constant 0 : i32
        %dma_start3A_1406 = tpu.memref_slice %arg5[%dma_start3A_1405, %multiple_of3A_1378] : memref<32x1000000xf32, #tpu.memory_space<hbm>> -> memref<32x128xf32, #tpu.memory_space<hbm>>
        tpu.enqueue_dma source(%dma_start3A_1406 : memref<32x128xf32, #tpu.memory_space<hbm>>) target(%dma_start3A_1404 : memref<32x128xf32, #tpu.memory_space<vmem>>) target_semaphore(%arg16 : memref<!tpu.dma_semaphore, #tpu.memory_space<semaphore_mem>>)
        %dma_start3A_1407 = arith.constant 0 : i32
        %dma_start3A_1408 = arith.constant 0 : i32
        %dma_start3A_1409 = arith.constant 0 : i32
        %dma_start3A_1410 = tpu.memref_slice %arg13[%dma_start3A_1407, %dma_start3A_1408, %dma_start3A_1409] : memref<2x4x128xf32, #tpu.memory_space<vmem>> -> memref<1x1x128xf32, #tpu.memory_space<vmem>>
        %dma_start3A_1411 = tpu.memref_squeeze %dma_start3A_1410 : memref<1x1x128xf32, #tpu.memory_space<vmem>> -> memref<128xf32, #tpu.memory_space<vmem>>
        %dma_start3A_1412 = tpu.memref_slice %arg6[%multiple_of3A_1373] : memref<1000000xf32, #tpu.memory_space<hbm>> -> memref<128xf32, #tpu.memory_space<hbm>>
        %dma_start3A_1413 = arith.constant 0 : i32
        %dma_start3A_1414 = tpu.memref_slice %arg13[%dma_start3A_1407, %dma_start3A_1408, %dma_start3A_1413] : memref<2x4x128xf32, #tpu.memory_space<vmem>> -> memref<1x1x128xf32, #tpu.memory_space<vmem>>
        %dma_start3A_1415 = tpu.memref_squeeze %dma_start3A_1414 : memref<1x1x128xf32, #tpu.memory_space<vmem>> -> memref<128xf32, #tpu.memory_space<vmem>>
        %dma_start3A_1416 = tpu.memref_slice %arg6[%multiple_of3A_1373] : memref<1000000xf32, #tpu.memory_space<hbm>> -> memref<128xf32, #tpu.memory_space<hbm>>
        tpu.enqueue_dma source(%dma_start3A_1416 : memref<128xf32, #tpu.memory_space<hbm>>) target(%dma_start3A_1415 : memref<128xf32, #tpu.memory_space<vmem>>) target_semaphore(%arg16 : memref<!tpu.dma_semaphore, #tpu.memory_space<semaphore_mem>>)
        %dma_start3A_1417 = arith.constant 0 : i32
        %dma_start3A_1418 = arith.constant 0 : i32
        %dma_start3A_1419 = arith.constant 0 : i32
        %dma_start3A_1420 = tpu.memref_slice %arg14[%dma_start3A_1417, %dma_start3A_1418, %dma_start3A_1419] : memref<2x4x128xf32, #tpu.memory_space<vmem>> -> memref<1x1x128xf32, #tpu.memory_space<vmem>>
        %dma_start3A_1421 = tpu.memref_squeeze %dma_start3A_1420 : memref<1x1x128xf32, #tpu.memory_space<vmem>> -> memref<128xf32, #tpu.memory_space<vmem>>
        %dma_start3A_1422 = tpu.memref_slice %arg7[%multiple_of3A_1378] : memref<1000000xf32, #tpu.memory_space<hbm>> -> memref<128xf32, #tpu.memory_space<hbm>>
        %dma_start3A_1423 = arith.constant 0 : i32
        %dma_start3A_1424 = tpu.memref_slice %arg14[%dma_start3A_1417, %dma_start3A_1418, %dma_start3A_1423] : memref<2x4x128xf32, #tpu.memory_space<vmem>> -> memref<1x1x128xf32, #tpu.memory_space<vmem>>
        %dma_start3A_1425 = tpu.memref_squeeze %dma_start3A_1424 : memref<1x1x128xf32, #tpu.memory_space<vmem>> -> memref<128xf32, #tpu.memory_space<vmem>>
        %dma_start3A_1426 = tpu.memref_slice %arg7[%multiple_of3A_1378] : memref<1000000xf32, #tpu.memory_space<hbm>> -> memref<128xf32, #tpu.memory_space<hbm>>
        tpu.enqueue_dma source(%dma_start3A_1426 : memref<128xf32, #tpu.memory_space<hbm>>) target(%dma_start3A_1425 : memref<128xf32, #tpu.memory_space<vmem>>) target_semaphore(%arg16 : memref<!tpu.dma_semaphore, #tpu.memory_space<semaphore_mem>>)
        %slice3A_1427 = vector.extract_strided_slice %get3A_1360 {offsets = [1], sizes = [1], strides = [1]} : vector<16xi32> to vector<1xi32>
        %squeeze3A_1428 = vector.extract %slice3A_1427[0] : i32 from vector<1xi32>
        %slice3A_1429 = vector.extract_strided_slice %get3A_1364 {offsets = [1], sizes = [1], strides = [1]} : vector<16xi32> to vector<1xi32>
        %squeeze3A_1430 = vector.extract %slice3A_1429[0] : i32 from vector<1xi32>
        %shift_right_arithmetic3A_1431 = arith.constant 7 : i32
        %shift_right_arithmetic3A_1432 = arith.shrsi %squeeze3A_1428, %shift_right_arithmetic3A_1431 : i32
        %mul3A_1433 = arith.constant 128 : i32
        %mul3A_1434 = arith.muli %shift_right_arithmetic3A_1432, %mul3A_1433 : i32
        %multiple_of3A_1435 = tpu.assume_multiple %mul3A_1434, 128 : i32
        %shift_right_arithmetic3A_1436 = arith.constant 7 : i32
        %shift_right_arithmetic3A_1437 = arith.shrsi %squeeze3A_1430, %shift_right_arithmetic3A_1436 : i32
        %mul3A_1438 = arith.constant 128 : i32
        %mul3A_1439 = arith.muli %shift_right_arithmetic3A_1437, %mul3A_1438 : i32
        %multiple_of3A_1440 = tpu.assume_multiple %mul3A_1439, 128 : i32
        %dma_start3A_1441 = arith.constant 0 : i32
        %dma_start3A_1442 = arith.constant 1 : i32
        %dma_start3A_1443 = arith.constant 0 : i32
        %dma_start3A_1444 = arith.constant 0 : i32
        %dma_start3A_1445 = tpu.memref_slice %arg11[%dma_start3A_1441, %dma_start3A_1442, %dma_start3A_1443, %dma_start3A_1444] : memref<2x4x32x128xf32, #tpu.memory_space<vmem>> -> memref<1x1x32x128xf32, #tpu.memory_space<vmem>>
        %dma_start3A_1446 = tpu.memref_squeeze %dma_start3A_1445 : memref<1x1x32x128xf32, #tpu.memory_space<vmem>> -> memref<32x128xf32, #tpu.memory_space<vmem>>
        %dma_start3A_1447 = arith.constant 0 : i32
        %dma_start3A_1448 = tpu.memref_slice %arg4[%dma_start3A_1447, %multiple_of3A_1435] : memref<32x1000000xf32, #tpu.memory_space<hbm>> -> memref<32x128xf32, #tpu.memory_space<hbm>>
        %dma_start3A_1449 = arith.constant 0 : i32
        %dma_start3A_1450 = arith.constant 0 : i32
        %dma_start3A_1451 = tpu.memref_slice %arg11[%dma_start3A_1441, %dma_start3A_1442, %dma_start3A_1449, %dma_start3A_1450] : memref<2x4x32x128xf32, #tpu.memory_space<vmem>> -> memref<1x1x32x128xf32, #tpu.memory_space<vmem>>
        %dma_start3A_1452 = tpu.memref_squeeze %dma_start3A_1451 : memref<1x1x32x128xf32, #tpu.memory_space<vmem>> -> memref<32x128xf32, #tpu.memory_space<vmem>>
        %dma_start3A_1453 = arith.constant 0 : i32
        %dma_start3A_1454 = tpu.memref_slice %arg4[%dma_start3A_1453, %multiple_of3A_1435] : memref<32x1000000xf32, #tpu.memory_space<hbm>> -> memref<32x128xf32, #tpu.memory_space<hbm>>
        tpu.enqueue_dma source(%dma_start3A_1454 : memref<32x128xf32, #tpu.memory_space<hbm>>) target(%dma_start3A_1452 : memref<32x128xf32, #tpu.memory_space<vmem>>) target_semaphore(%arg16 : memref<!tpu.dma_semaphore, #tpu.memory_space<semaphore_mem>>)
        %dma_start3A_1455 = arith.constant 0 : i32
        %dma_start3A_1456 = arith.constant 1 : i32
        %dma_start3A_1457 = arith.constant 0 : i32
        %dma_start3A_1458 = arith.constant 0 : i32
        %dma_start3A_1459 = tpu.memref_slice %arg12[%dma_start3A_1455, %dma_start3A_1456, %dma_start3A_1457, %dma_start3A_1458] : memref<2x4x32x128xf32, #tpu.memory_space<vmem>> -> memref<1x1x32x128xf32, #tpu.memory_space<vmem>>
        %dma_start3A_1460 = tpu.memref_squeeze %dma_start3A_1459 : memref<1x1x32x128xf32, #tpu.memory_space<vmem>> -> memref<32x128xf32, #tpu.memory_space<vmem>>
        %dma_start3A_1461 = arith.constant 0 : i32
        %dma_start3A_1462 = tpu.memref_slice %arg5[%dma_start3A_1461, %multiple_of3A_1440] : memref<32x1000000xf32, #tpu.memory_space<hbm>> -> memref<32x128xf32, #tpu.memory_space<hbm>>
        %dma_start3A_1463 = arith.constant 0 : i32
        %dma_start3A_1464 = arith.constant 0 : i32
        %dma_start3A_1465 = tpu.memref_slice %arg12[%dma_start3A_1455, %dma_start3A_1456, %dma_start3A_1463, %dma_start3A_1464] : memref<2x4x32x128xf32, #tpu.memory_space<vmem>> -> memref<1x1x32x128xf32, #tpu.memory_space<vmem>>
        %dma_start3A_1466 = tpu.memref_squeeze %dma_start3A_1465 : memref<1x1x32x128xf32, #tpu.memory_space<vmem>> -> memref<32x128xf32, #tpu.memory_space<vmem>>
        %dma_start3A_1467 = arith.constant 0 : i32
        %dma_start3A_1468 = tpu.memref_slice %arg5[%dma_start3A_1467, %multiple_of3A_1440] : memref<32x1000000xf32, #tpu.memory_space<hbm>> -> memref<32x128xf32, #tpu.memory_space<hbm>>
        tpu.enqueue_dma source(%dma_start3A_1468 : memref<32x128xf32, #tpu.memory_space<hbm>>) target(%dma_start3A_1466 : memref<32x128xf32, #tpu.memory_space<vmem>>) target_semaphore(%arg16 : memref<!tpu.dma_semaphore, #tpu.memory_space<semaphore_mem>>)
        %dma_start3A_1469 = arith.constant 0 : i32
        %dma_start3A_1470 = arith.constant 1 : i32
        %dma_start3A_1471 = arith.constant 0 : i32
        %dma_start3A_1472 = tpu.memref_slice %arg13[%dma_start3A_1469, %dma_start3A_1470, %dma_start3A_1471] : memref<2x4x128xf32, #tpu.memory_space<vmem>> -> memref<1x1x128xf32, #tpu.memory_space<vmem>>
        %dma_start3A_1473 = tpu.memref_squeeze %dma_start3A_1472 : memref<1x1x128xf32, #tpu.memory_space<vmem>> -> memref<128xf32, #tpu.memory_space<vmem>>
        %dma_start3A_1474 = tpu.memref_slice %arg6[%multiple_of3A_1435] : memref<1000000xf32, #tpu.memory_space<hbm>> -> memref<128xf32, #tpu.memory_space<hbm>>
        %dma_start3A_1475 = arith.constant 0 : i32
        %dma_start3A_1476 = tpu.memref_slice %arg13[%dma_start3A_1469, %dma_start3A_1470, %dma_start3A_1475] : memref<2x4x128xf32, #tpu.memory_space<vmem>> -> memref<1x1x128xf32, #tpu.memory_space<vmem>>
        %dma_start3A_1477 = tpu.memref_squeeze %dma_start3A_1476 : memref<1x1x128xf32, #tpu.memory_space<vmem>> -> memref<128xf32, #tpu.memory_space<vmem>>
        %dma_start3A_1478 = tpu.memref_slice %arg6[%multiple_of3A_1435] : memref<1000000xf32, #tpu.memory_space<hbm>> -> memref<128xf32, #tpu.memory_space<hbm>>
        tpu.enqueue_dma source(%dma_start3A_1478 : memref<128xf32, #tpu.memory_space<hbm>>) target(%dma_start3A_1477 : memref<128xf32, #tpu.memory_space<vmem>>) target_semaphore(%arg16 : memref<!tpu.dma_semaphore, #tpu.memory_space<semaphore_mem>>)
        %dma_start3A_1479 = arith.constant 0 : i32
        %dma_start3A_1480 = arith.constant 1 : i32
        %dma_start3A_1481 = arith.constant 0 : i32
        %dma_start3A_1482 = tpu.memref_slice %arg14[%dma_start3A_1479, %dma_start3A_1480, %dma_start3A_1481] : memref<2x4x128xf32, #tpu.memory_space<vmem>> -> memref<1x1x128xf32, #tpu.memory_space<vmem>>
        %dma_start3A_1483 = tpu.memref_squeeze %dma_start3A_1482 : memref<1x1x128xf32, #tpu.memory_space<vmem>> -> memref<128xf32, #tpu.memory_space<vmem>>
        %dma_start3A_1484 = tpu.memref_slice %arg7[%multiple_of3A_1440] : memref<1000000xf32, #tpu.memory_space<hbm>> -> memref<128xf32, #tpu.memory_space<hbm>>
        %dma_start3A_1485 = arith.constant 0 : i32
        %dma_start3A_1486 = tpu.memref_slice %arg14[%dma_start3A_1479, %dma_start3A_1480, %dma_start3A_1485] : memref<2x4x128xf32, #tpu.memory_space<vmem>> -> memref<1x1x128xf32, #tpu.memory_space<vmem>>
        %dma_start3A_1487 = tpu.memref_squeeze %dma_start3A_1486 : memref<1x1x128xf32, #tpu.memory_space<vmem>> -> memref<128xf32, #tpu.memory_space<vmem>>
        %dma_start3A_1488 = tpu.memref_slice %arg7[%multiple_of3A_1440] : memref<1000000xf32, #tpu.memory_space<hbm>> -> memref<128xf32, #tpu.memory_space<hbm>>
        tpu.enqueue_dma source(%dma_start3A_1488 : memref<128xf32, #tpu.memory_space<hbm>>) target(%dma_start3A_1487 : memref<128xf32, #tpu.memory_space<vmem>>) target_semaphore(%arg16 : memref<!tpu.dma_semaphore, #tpu.memory_space<semaphore_mem>>)
        %slice3A_1489 = vector.extract_strided_slice %get3A_1360 {offsets = [2], sizes = [1], strides = [1]} : vector<16xi32> to vector<1xi32>
        %squeeze3A_1490 = vector.extract %slice3A_1489[0] : i32 from vector<1xi32>
        %slice3A_1491 = vector.extract_strided_slice %get3A_1364 {offsets = [2], sizes = [1], strides = [1]} : vector<16xi32> to vector<1xi32>
        %squeeze3A_1492 = vector.extract %slice3A_1491[0] : i32 from vector<1xi32>
        %shift_right_arithmetic3A_1493 = arith.constant 7 : i32
        %shift_right_arithmetic3A_1494 = arith.shrsi %squeeze3A_1490, %shift_right_arithmetic3A_1493 : i32
        %mul3A_1495 = arith.constant 128 : i32
        %mul3A_1496 = arith.muli %shift_right_arithmetic3A_1494, %mul3A_1495 : i32
        %multiple_of3A_1497 = tpu.assume_multiple %mul3A_1496, 128 : i32
        %shift_right_arithmetic3A_1498 = arith.constant 7 : i32
        %shift_right_arithmetic3A_1499 = arith.shrsi %squeeze3A_1492, %shift_right_arithmetic3A_1498 : i32
        %mul3A_1500 = arith.constant 128 : i32
        %mul3A_1501 = arith.muli %shift_right_arithmetic3A_1499, %mul3A_1500 : i32
        %multiple_of3A_1502 = tpu.assume_multiple %mul3A_1501, 128 : i32
        %dma_start3A_1503 = arith.constant 0 : i32
        %dma_start3A_1504 = arith.constant 2 : i32
        %dma_start3A_1505 = arith.constant 0 : i32
        %dma_start3A_1506 = arith.constant 0 : i32
        %dma_start3A_1507 = tpu.memref_slice %arg11[%dma_start3A_1503, %dma_start3A_1504, %dma_start3A_1505, %dma_start3A_1506] : memref<2x4x32x128xf32, #tpu.memory_space<vmem>> -> memref<1x1x32x128xf32, #tpu.memory_space<vmem>>
        %dma_start3A_1508 = tpu.memref_squeeze %dma_start3A_1507 : memref<1x1x32x128xf32, #tpu.memory_space<vmem>> -> memref<32x128xf32, #tpu.memory_space<vmem>>
        %dma_start3A_1509 = arith.constant 0 : i32
        %dma_start3A_1510 = tpu.memref_slice %arg4[%dma_start3A_1509, %multiple_of3A_1497] : memref<32x1000000xf32, #tpu.memory_space<hbm>> -> memref<32x128xf32, #tpu.memory_space<hbm>>
        %dma_start3A_1511 = arith.constant 0 : i32
        %dma_start3A_1512 = arith.constant 0 : i32
        %dma_start3A_1513 = tpu.memref_slice %arg11[%dma_start3A_1503, %dma_start3A_1504, %dma_start3A_1511, %dma_start3A_1512] : memref<2x4x32x128xf32, #tpu.memory_space<vmem>> -> memref<1x1x32x128xf32, #tpu.memory_space<vmem>>
        %dma_start3A_1514 = tpu.memref_squeeze %dma_start3A_1513 : memref<1x1x32x128xf32, #tpu.memory_space<vmem>> -> memref<32x128xf32, #tpu.memory_space<vmem>>
        %dma_start3A_1515 = arith.constant 0 : i32
        %dma_start3A_1516 = tpu.memref_slice %arg4[%dma_start3A_1515, %multiple_of3A_1497] : memref<32x1000000xf32, #tpu.memory_space<hbm>> -> memref<32x128xf32, #tpu.memory_space<hbm>>
        tpu.enqueue_dma source(%dma_start3A_1516 : memref<32x128xf32, #tpu.memory_space<hbm>>) target(%dma_start3A_1514 : memref<32x128xf32, #tpu.memory_space<vmem>>) target_semaphore(%arg16 : memref<!tpu.dma_semaphore, #tpu.memory_space<semaphore_mem>>)
        %dma_start3A_1517 = arith.constant 0 : i32
        %dma_start3A_1518 = arith.constant 2 : i32
        %dma_start3A_1519 = arith.constant 0 : i32
        %dma_start3A_1520 = arith.constant 0 : i32
        %dma_start3A_1521 = tpu.memref_slice %arg12[%dma_start3A_1517, %dma_start3A_1518, %dma_start3A_1519, %dma_start3A_1520] : memref<2x4x32x128xf32, #tpu.memory_space<vmem>> -> memref<1x1x32x128xf32, #tpu.memory_space<vmem>>
        %dma_start3A_1522 = tpu.memref_squeeze %dma_start3A_1521 : memref<1x1x32x128xf32, #tpu.memory_space<vmem>> -> memref<32x128xf32, #tpu.memory_space<vmem>>
        %dma_start3A_1523 = arith.constant 0 : i32
        %dma_start3A_1524 = tpu.memref_slice %arg5[%dma_start3A_1523, %multiple_of3A_1502] : memref<32x1000000xf32, #tpu.memory_space<hbm>> -> memref<32x128xf32, #tpu.memory_space<hbm>>
        %dma_start3A_1525 = arith.constant 0 : i32
        %dma_start3A_1526 = arith.constant 0 : i32
        %dma_start3A_1527 = tpu.memref_slice %arg12[%dma_start3A_1517, %dma_start3A_1518, %dma_start3A_1525, %dma_start3A_1526] : memref<2x4x32x128xf32, #tpu.memory_space<vmem>> -> memref<1x1x32x128xf32, #tpu.memory_space<vmem>>
        %dma_start3A_1528 = tpu.memref_squeeze %dma_start3A_1527 : memref<1x1x32x128xf32, #tpu.memory_space<vmem>> -> memref<32x128xf32, #tpu.memory_space<vmem>>
        %dma_start3A_1529 = arith.constant 0 : i32
        %dma_start3A_1530 = tpu.memref_slice %arg5[%dma_start3A_1529, %multiple_of3A_1502] : memref<32x1000000xf32, #tpu.memory_space<hbm>> -> memref<32x128xf32, #tpu.memory_space<hbm>>
        tpu.enqueue_dma source(%dma_start3A_1530 : memref<32x128xf32, #tpu.memory_space<hbm>>) target(%dma_start3A_1528 : memref<32x128xf32, #tpu.memory_space<vmem>>) target_semaphore(%arg16 : memref<!tpu.dma_semaphore, #tpu.memory_space<semaphore_mem>>)
        %dma_start3A_1531 = arith.constant 0 : i32
        %dma_start3A_1532 = arith.constant 2 : i32
        %dma_start3A_1533 = arith.constant 0 : i32
        %dma_start3A_1534 = tpu.memref_slice %arg13[%dma_start3A_1531, %dma_start3A_1532, %dma_start3A_1533] : memref<2x4x128xf32, #tpu.memory_space<vmem>> -> memref<1x1x128xf32, #tpu.memory_space<vmem>>
        %dma_start3A_1535 = tpu.memref_squeeze %dma_start3A_1534 : memref<1x1x128xf32, #tpu.memory_space<vmem>> -> memref<128xf32, #tpu.memory_space<vmem>>
        %dma_start3A_1536 = tpu.memref_slice %arg6[%multiple_of3A_1497] : memref<1000000xf32, #tpu.memory_space<hbm>> -> memref<128xf32, #tpu.memory_space<hbm>>
        %dma_start3A_1537 = arith.constant 0 : i32
        %dma_start3A_1538 = tpu.memref_slice %arg13[%dma_start3A_1531, %dma_start3A_1532, %dma_start3A_1537] : memref<2x4x128xf32, #tpu.memory_space<vmem>> -> memref<1x1x128xf32, #tpu.memory_space<vmem>>
        %dma_start3A_1539 = tpu.memref_squeeze %dma_start3A_1538 : memref<1x1x128xf32, #tpu.memory_space<vmem>> -> memref<128xf32, #tpu.memory_space<vmem>>
        %dma_start3A_1540 = tpu.memref_slice %arg6[%multiple_of3A_1497] : memref<1000000xf32, #tpu.memory_space<hbm>> -> memref<128xf32, #tpu.memory_space<hbm>>
        tpu.enqueue_dma source(%dma_start3A_1540 : memref<128xf32, #tpu.memory_space<hbm>>) target(%dma_start3A_1539 : memref<128xf32, #tpu.memory_space<vmem>>) target_semaphore(%arg16 : memref<!tpu.dma_semaphore, #tpu.memory_space<semaphore_mem>>)
        %dma_start3A_1541 = arith.constant 0 : i32
        %dma_start3A_1542 = arith.constant 2 : i32
        %dma_start3A_1543 = arith.constant 0 : i32
        %dma_start3A_1544 = tpu.memref_slice %arg14[%dma_start3A_1541, %dma_start3A_1542, %dma_start3A_1543] : memref<2x4x128xf32, #tpu.memory_space<vmem>> -> memref<1x1x128xf32, #tpu.memory_space<vmem>>
        %dma_start3A_1545 = tpu.memref_squeeze %dma_start3A_1544 : memref<1x1x128xf32, #tpu.memory_space<vmem>> -> memref<128xf32, #tpu.memory_space<vmem>>
        %dma_start3A_1546 = tpu.memref_slice %arg7[%multiple_of3A_1502] : memref<1000000xf32, #tpu.memory_space<hbm>> -> memref<128xf32, #tpu.memory_space<hbm>>
        %dma_start3A_1547 = arith.constant 0 : i32
        %dma_start3A_1548 = tpu.memref_slice %arg14[%dma_start3A_1541, %dma_start3A_1542, %dma_start3A_1547] : memref<2x4x128xf32, #tpu.memory_space<vmem>> -> memref<1x1x128xf32, #tpu.memory_space<vmem>>
        %dma_start3A_1549 = tpu.memref_squeeze %dma_start3A_1548 : memref<1x1x128xf32, #tpu.memory_space<vmem>> -> memref<128xf32, #tpu.memory_space<vmem>>
        %dma_start3A_1550 = tpu.memref_slice %arg7[%multiple_of3A_1502] : memref<1000000xf32, #tpu.memory_space<hbm>> -> memref<128xf32, #tpu.memory_space<hbm>>
        tpu.enqueue_dma source(%dma_start3A_1550 : memref<128xf32, #tpu.memory_space<hbm>>) target(%dma_start3A_1549 : memref<128xf32, #tpu.memory_space<vmem>>) target_semaphore(%arg16 : memref<!tpu.dma_semaphore, #tpu.memory_space<semaphore_mem>>)
        %slice3A_1551 = vector.extract_strided_slice %get3A_1360 {offsets = [3], sizes = [1], strides = [1]} : vector<16xi32> to vector<1xi32>
        %squeeze3A_1552 = vector.extract %slice3A_1551[0] : i32 from vector<1xi32>
        %slice3A_1553 = vector.extract_strided_slice %get3A_1364 {offsets = [3], sizes = [1], strides = [1]} : vector<16xi32> to vector<1xi32>
        %squeeze3A_1554 = vector.extract %slice3A_1553[0] : i32 from vector<1xi32>
        %shift_right_arithmetic3A_1555 = arith.constant 7 : i32
        %shift_right_arithmetic3A_1556 = arith.shrsi %squeeze3A_1552, %shift_right_arithmetic3A_1555 : i32
        %mul3A_1557 = arith.constant 128 : i32
        %mul3A_1558 = arith.muli %shift_right_arithmetic3A_1556, %mul3A_1557 : i32
        %multiple_of3A_1559 = tpu.assume_multiple %mul3A_1558, 128 : i32
        %shift_right_arithmetic3A_1560 = arith.constant 7 : i32
        %shift_right_arithmetic3A_1561 = arith.shrsi %squeeze3A_1554, %shift_right_arithmetic3A_1560 : i32
        %mul3A_1562 = arith.constant 128 : i32
        %mul3A_1563 = arith.muli %shift_right_arithmetic3A_1561, %mul3A_1562 : i32
        %multiple_of3A_1564 = tpu.assume_multiple %mul3A_1563, 128 : i32
        %dma_start3A_1565 = arith.constant 0 : i32
        %dma_start3A_1566 = arith.constant 3 : i32
        %dma_start3A_1567 = arith.constant 0 : i32
        %dma_start3A_1568 = arith.constant 0 : i32
        %dma_start3A_1569 = tpu.memref_slice %arg11[%dma_start3A_1565, %dma_start3A_1566, %dma_start3A_1567, %dma_start3A_1568] : memref<2x4x32x128xf32, #tpu.memory_space<vmem>> -> memref<1x1x32x128xf32, #tpu.memory_space<vmem>>
        %dma_start3A_1570 = tpu.memref_squeeze %dma_start3A_1569 : memref<1x1x32x128xf32, #tpu.memory_space<vmem>> -> memref<32x128xf32, #tpu.memory_space<vmem>>
        %dma_start3A_1571 = arith.constant 0 : i32
        %dma_start3A_1572 = tpu.memref_slice %arg4[%dma_start3A_1571, %multiple_of3A_1559] : memref<32x1000000xf32, #tpu.memory_space<hbm>> -> memref<32x128xf32, #tpu.memory_space<hbm>>
        %dma_start3A_1573 = arith.constant 0 : i32
        %dma_start3A_1574 = arith.constant 0 : i32
        %dma_start3A_1575 = tpu.memref_slice %arg11[%dma_start3A_1565, %dma_start3A_1566, %dma_start3A_1573, %dma_start3A_1574] : memref<2x4x32x128xf32, #tpu.memory_space<vmem>> -> memref<1x1x32x128xf32, #tpu.memory_space<vmem>>
        %dma_start3A_1576 = tpu.memref_squeeze %dma_start3A_1575 : memref<1x1x32x128xf32, #tpu.memory_space<vmem>> -> memref<32x128xf32, #tpu.memory_space<vmem>>
        %dma_start3A_1577 = arith.constant 0 : i32
        %dma_start3A_1578 = tpu.memref_slice %arg4[%dma_start3A_1577, %multiple_of3A_1559] : memref<32x1000000xf32, #tpu.memory_space<hbm>> -> memref<32x128xf32, #tpu.memory_space<hbm>>
        tpu.enqueue_dma source(%dma_start3A_1578 : memref<32x128xf32, #tpu.memory_space<hbm>>) target(%dma_start3A_1576 : memref<32x128xf32, #tpu.memory_space<vmem>>) target_semaphore(%arg16 : memref<!tpu.dma_semaphore, #tpu.memory_space<semaphore_mem>>)
        %dma_start3A_1579 = arith.constant 0 : i32
        %dma_start3A_1580 = arith.constant 3 : i32
        %dma_start3A_1581 = arith.constant 0 : i32
        %dma_start3A_1582 = arith.constant 0 : i32
        %dma_start3A_1583 = tpu.memref_slice %arg12[%dma_start3A_1579, %dma_start3A_1580, %dma_start3A_1581, %dma_start3A_1582] : memref<2x4x32x128xf32, #tpu.memory_space<vmem>> -> memref<1x1x32x128xf32, #tpu.memory_space<vmem>>
        %dma_start3A_1584 = tpu.memref_squeeze %dma_start3A_1583 : memref<1x1x32x128xf32, #tpu.memory_space<vmem>> -> memref<32x128xf32, #tpu.memory_space<vmem>>
        %dma_start3A_1585 = arith.constant 0 : i32
        %dma_start3A_1586 = tpu.memref_slice %arg5[%dma_start3A_1585, %multiple_of3A_1564] : memref<32x1000000xf32, #tpu.memory_space<hbm>> -> memref<32x128xf32, #tpu.memory_space<hbm>>
        %dma_start3A_1587 = arith.constant 0 : i32
        %dma_start3A_1588 = arith.constant 0 : i32
        %dma_start3A_1589 = tpu.memref_slice %arg12[%dma_start3A_1579, %dma_start3A_1580, %dma_start3A_1587, %dma_start3A_1588] : memref<2x4x32x128xf32, #tpu.memory_space<vmem>> -> memref<1x1x32x128xf32, #tpu.memory_space<vmem>>
        %dma_start3A_1590 = tpu.memref_squeeze %dma_start3A_1589 : memref<1x1x32x128xf32, #tpu.memory_space<vmem>> -> memref<32x128xf32, #tpu.memory_space<vmem>>
        %dma_start3A_1591 = arith.constant 0 : i32
        %dma_start3A_1592 = tpu.memref_slice %arg5[%dma_start3A_1591, %multiple_of3A_1564] : memref<32x1000000xf32, #tpu.memory_space<hbm>> -> memref<32x128xf32, #tpu.memory_space<hbm>>
        tpu.enqueue_dma source(%dma_start3A_1592 : memref<32x128xf32, #tpu.memory_space<hbm>>) target(%dma_start3A_1590 : memref<32x128xf32, #tpu.memory_space<vmem>>) target_semaphore(%arg16 : memref<!tpu.dma_semaphore, #tpu.memory_space<semaphore_mem>>)
        %dma_start3A_1593 = arith.constant 0 : i32
        %dma_start3A_1594 = arith.constant 3 : i32
        %dma_start3A_1595 = arith.constant 0 : i32
        %dma_start3A_1596 = tpu.memref_slice %arg13[%dma_start3A_1593, %dma_start3A_1594, %dma_start3A_1595] : memref<2x4x128xf32, #tpu.memory_space<vmem>> -> memref<1x1x128xf32, #tpu.memory_space<vmem>>
        %dma_start3A_1597 = tpu.memref_squeeze %dma_start3A_1596 : memref<1x1x128xf32, #tpu.memory_space<vmem>> -> memref<128xf32, #tpu.memory_space<vmem>>
        %dma_start3A_1598 = tpu.memref_slice %arg6[%multiple_of3A_1559] : memref<1000000xf32, #tpu.memory_space<hbm>> -> memref<128xf32, #tpu.memory_space<hbm>>
        %dma_start3A_1599 = arith.constant 0 : i32
        %dma_start3A_1600 = tpu.memref_slice %arg13[%dma_start3A_1593, %dma_start3A_1594, %dma_start3A_1599] : memref<2x4x128xf32, #tpu.memory_space<vmem>> -> memref<1x1x128xf32, #tpu.memory_space<vmem>>
        %dma_start3A_1601 = tpu.memref_squeeze %dma_start3A_1600 : memref<1x1x128xf32, #tpu.memory_space<vmem>> -> memref<128xf32, #tpu.memory_space<vmem>>
        %dma_start3A_1602 = tpu.memref_slice %arg6[%multiple_of3A_1559] : memref<1000000xf32, #tpu.memory_space<hbm>> -> memref<128xf32, #tpu.memory_space<hbm>>
        tpu.enqueue_dma source(%dma_start3A_1602 : memref<128xf32, #tpu.memory_space<hbm>>) target(%dma_start3A_1601 : memref<128xf32, #tpu.memory_space<vmem>>) target_semaphore(%arg16 : memref<!tpu.dma_semaphore, #tpu.memory_space<semaphore_mem>>)
        %dma_start3A_1603 = arith.constant 0 : i32
        %dma_start3A_1604 = arith.constant 3 : i32
        %dma_start3A_1605 = arith.constant 0 : i32
        %dma_start3A_1606 = tpu.memref_slice %arg14[%dma_start3A_1603, %dma_start3A_1604, %dma_start3A_1605] : memref<2x4x128xf32, #tpu.memory_space<vmem>> -> memref<1x1x128xf32, #tpu.memory_space<vmem>>
        %dma_start3A_1607 = tpu.memref_squeeze %dma_start3A_1606 : memref<1x1x128xf32, #tpu.memory_space<vmem>> -> memref<128xf32, #tpu.memory_space<vmem>>
        %dma_start3A_1608 = tpu.memref_slice %arg7[%multiple_of3A_1564] : memref<1000000xf32, #tpu.memory_space<hbm>> -> memref<128xf32, #tpu.memory_space<hbm>>
        %dma_start3A_1609 = arith.constant 0 : i32
        %dma_start3A_1610 = tpu.memref_slice %arg14[%dma_start3A_1603, %dma_start3A_1604, %dma_start3A_1609] : memref<2x4x128xf32, #tpu.memory_space<vmem>> -> memref<1x1x128xf32, #tpu.memory_space<vmem>>
        %dma_start3A_1611 = tpu.memref_squeeze %dma_start3A_1610 : memref<1x1x128xf32, #tpu.memory_space<vmem>> -> memref<128xf32, #tpu.memory_space<vmem>>
        %dma_start3A_1612 = tpu.memref_slice %arg7[%multiple_of3A_1564] : memref<1000000xf32, #tpu.memory_space<hbm>> -> memref<128xf32, #tpu.memory_space<hbm>>
        tpu.enqueue_dma source(%dma_start3A_1612 : memref<128xf32, #tpu.memory_space<hbm>>) target(%dma_start3A_1611 : memref<128xf32, #tpu.memory_space<vmem>>) target_semaphore(%arg16 : memref<!tpu.dma_semaphore, #tpu.memory_space<semaphore_mem>>)
      } else {
      }
      %dma_wait3A_935 = arith.constant 1 : i32
      %dma_wait3A_936 = arith.constant 0 : i32
      %dma_wait3A_937 = arith.constant 0 : i32
      %dma_wait3A_938 = arith.constant 0 : i32
      %dma_wait3A_939 = tpu.memref_slice %arg11[%dma_wait3A_935, %dma_wait3A_936, %dma_wait3A_937, %dma_wait3A_938] : memref<2x4x32x128xf32, #tpu.memory_space<vmem>> -> memref<1x1x32x128xf32, #tpu.memory_space<vmem>>
      %dma_wait3A_940 = tpu.memref_squeeze %dma_wait3A_939 : memref<1x1x32x128xf32, #tpu.memory_space<vmem>> -> memref<32x128xf32, #tpu.memory_space<vmem>>
      %dma_wait3A_941 = arith.constant 0 : i32
      %dma_wait3A_942 = arith.constant 0 : i32
      %dma_wait3A_943 = tpu.memref_slice %arg4[%dma_wait3A_941, %dma_wait3A_942] : memref<32x1000000xf32, #tpu.memory_space<hbm>> -> memref<32x128xf32, #tpu.memory_space<hbm>>
      %dma_wait3A_944 = arith.constant 0 : i32
      %dma_wait3A_945 = arith.constant 0 : i32
      %dma_wait3A_946 = tpu.memref_slice %arg11[%dma_wait3A_935, %dma_wait3A_936, %dma_wait3A_944, %dma_wait3A_945] : memref<2x4x32x128xf32, #tpu.memory_space<vmem>> -> memref<1x1x32x128xf32, #tpu.memory_space<vmem>>
      %dma_wait3A_947 = tpu.memref_squeeze %dma_wait3A_946 : memref<1x1x32x128xf32, #tpu.memory_space<vmem>> -> memref<32x128xf32, #tpu.memory_space<vmem>>
      %dma_wait3A_948 = arith.constant 0 : i32
      %dma_wait3A_949 = arith.constant 0 : i32
      %dma_wait3A_950 = tpu.memref_slice %arg4[%dma_wait3A_948, %dma_wait3A_949] : memref<32x1000000xf32, #tpu.memory_space<hbm>> -> memref<32x128xf32, #tpu.memory_space<hbm>>
      tpu.wait_dma2 semaphore(%arg17 : memref<!tpu.dma_semaphore, #tpu.memory_space<semaphore_mem>>) src(%dma_wait3A_950 : memref<32x128xf32, #tpu.memory_space<hbm>>) dst(%dma_wait3A_947 : memref<32x128xf32, #tpu.memory_space<vmem>>)
      %dma_wait3A_951 = arith.constant 1 : i32
      %dma_wait3A_952 = arith.constant 0 : i32
      %dma_wait3A_953 = arith.constant 0 : i32
      %dma_wait3A_954 = arith.constant 0 : i32
      %dma_wait3A_955 = tpu.memref_slice %arg12[%dma_wait3A_951, %dma_wait3A_952, %dma_wait3A_953, %dma_wait3A_954] : memref<2x4x32x128xf32, #tpu.memory_space<vmem>> -> memref<1x1x32x128xf32, #tpu.memory_space<vmem>>
      %dma_wait3A_956 = tpu.memref_squeeze %dma_wait3A_955 : memref<1x1x32x128xf32, #tpu.memory_space<vmem>> -> memref<32x128xf32, #tpu.memory_space<vmem>>
      %dma_wait3A_957 = arith.constant 0 : i32
      %dma_wait3A_958 = arith.constant 0 : i32
      %dma_wait3A_959 = tpu.memref_slice %arg5[%dma_wait3A_957, %dma_wait3A_958] : memref<32x1000000xf32, #tpu.memory_space<hbm>> -> memref<32x128xf32, #tpu.memory_space<hbm>>
      %dma_wait3A_960 = arith.constant 0 : i32
      %dma_wait3A_961 = arith.constant 0 : i32
      %dma_wait3A_962 = tpu.memref_slice %arg12[%dma_wait3A_951, %dma_wait3A_952, %dma_wait3A_960, %dma_wait3A_961] : memref<2x4x32x128xf32, #tpu.memory_space<vmem>> -> memref<1x1x32x128xf32, #tpu.memory_space<vmem>>
      %dma_wait3A_963 = tpu.memref_squeeze %dma_wait3A_962 : memref<1x1x32x128xf32, #tpu.memory_space<vmem>> -> memref<32x128xf32, #tpu.memory_space<vmem>>
      %dma_wait3A_964 = arith.constant 0 : i32
      %dma_wait3A_965 = arith.constant 0 : i32
      %dma_wait3A_966 = tpu.memref_slice %arg5[%dma_wait3A_964, %dma_wait3A_965] : memref<32x1000000xf32, #tpu.memory_space<hbm>> -> memref<32x128xf32, #tpu.memory_space<hbm>>
      tpu.wait_dma2 semaphore(%arg17 : memref<!tpu.dma_semaphore, #tpu.memory_space<semaphore_mem>>) src(%dma_wait3A_966 : memref<32x128xf32, #tpu.memory_space<hbm>>) dst(%dma_wait3A_963 : memref<32x128xf32, #tpu.memory_space<vmem>>)
      %dma_wait3A_967 = arith.constant 1 : i32
      %dma_wait3A_968 = arith.constant 0 : i32
      %dma_wait3A_969 = arith.constant 0 : i32
      %dma_wait3A_970 = tpu.memref_slice %arg13[%dma_wait3A_967, %dma_wait3A_968, %dma_wait3A_969] : memref<2x4x128xf32, #tpu.memory_space<vmem>> -> memref<1x1x128xf32, #tpu.memory_space<vmem>>
      %dma_wait3A_971 = tpu.memref_squeeze %dma_wait3A_970 : memref<1x1x128xf32, #tpu.memory_space<vmem>> -> memref<128xf32, #tpu.memory_space<vmem>>
      %dma_wait3A_972 = arith.constant 0 : i32
      %dma_wait3A_973 = tpu.memref_slice %arg6[%dma_wait3A_972] : memref<1000000xf32, #tpu.memory_space<hbm>> -> memref<128xf32, #tpu.memory_space<hbm>>
      %dma_wait3A_974 = arith.constant 0 : i32
      %dma_wait3A_975 = tpu.memref_slice %arg13[%dma_wait3A_967, %dma_wait3A_968, %dma_wait3A_974] : memref<2x4x128xf32, #tpu.memory_space<vmem>> -> memref<1x1x128xf32, #tpu.memory_space<vmem>>
      %dma_wait3A_976 = tpu.memref_squeeze %dma_wait3A_975 : memref<1x1x128xf32, #tpu.memory_space<vmem>> -> memref<128xf32, #tpu.memory_space<vmem>>
      %dma_wait3A_977 = arith.constant 0 : i32
      %dma_wait3A_978 = tpu.memref_slice %arg6[%dma_wait3A_977] : memref<1000000xf32, #tpu.memory_space<hbm>> -> memref<128xf32, #tpu.memory_space<hbm>>
      tpu.wait_dma2 semaphore(%arg17 : memref<!tpu.dma_semaphore, #tpu.memory_space<semaphore_mem>>) src(%dma_wait3A_978 : memref<128xf32, #tpu.memory_space<hbm>>) dst(%dma_wait3A_976 : memref<128xf32, #tpu.memory_space<vmem>>)
      %dma_wait3A_979 = arith.constant 1 : i32
      %dma_wait3A_980 = arith.constant 0 : i32
      %dma_wait3A_981 = arith.constant 0 : i32
      %dma_wait3A_982 = tpu.memref_slice %arg14[%dma_wait3A_979, %dma_wait3A_980, %dma_wait3A_981] : memref<2x4x128xf32, #tpu.memory_space<vmem>> -> memref<1x1x128xf32, #tpu.memory_space<vmem>>
      %dma_wait3A_983 = tpu.memref_squeeze %dma_wait3A_982 : memref<1x1x128xf32, #tpu.memory_space<vmem>> -> memref<128xf32, #tpu.memory_space<vmem>>
      %dma_wait3A_984 = arith.constant 0 : i32
      %dma_wait3A_985 = tpu.memref_slice %arg7[%dma_wait3A_984] : memref<1000000xf32, #tpu.memory_space<hbm>> -> memref<128xf32, #tpu.memory_space<hbm>>
      %dma_wait3A_986 = arith.constant 0 : i32
      %dma_wait3A_987 = tpu.memref_slice %arg14[%dma_wait3A_979, %dma_wait3A_980, %dma_wait3A_986] : memref<2x4x128xf32, #tpu.memory_space<vmem>> -> memref<1x1x128xf32, #tpu.memory_space<vmem>>
      %dma_wait3A_988 = tpu.memref_squeeze %dma_wait3A_987 : memref<1x1x128xf32, #tpu.memory_space<vmem>> -> memref<128xf32, #tpu.memory_space<vmem>>
      %dma_wait3A_989 = arith.constant 0 : i32
      %dma_wait3A_990 = tpu.memref_slice %arg7[%dma_wait3A_989] : memref<1000000xf32, #tpu.memory_space<hbm>> -> memref<128xf32, #tpu.memory_space<hbm>>
      tpu.wait_dma2 semaphore(%arg17 : memref<!tpu.dma_semaphore, #tpu.memory_space<semaphore_mem>>) src(%dma_wait3A_990 : memref<128xf32, #tpu.memory_space<hbm>>) dst(%dma_wait3A_988 : memref<128xf32, #tpu.memory_space<vmem>>)
      %dma_wait3A_991 = arith.constant 1 : i32
      %dma_wait3A_992 = arith.constant 1 : i32
      %dma_wait3A_993 = arith.constant 0 : i32
      %dma_wait3A_994 = arith.constant 0 : i32
      %dma_wait3A_995 = tpu.memref_slice %arg11[%dma_wait3A_991, %dma_wait3A_992, %dma_wait3A_993, %dma_wait3A_994] : memref<2x4x32x128xf32, #tpu.memory_space<vmem>> -> memref<1x1x32x128xf32, #tpu.memory_space<vmem>>
      %dma_wait3A_996 = tpu.memref_squeeze %dma_wait3A_995 : memref<1x1x32x128xf32, #tpu.memory_space<vmem>> -> memref<32x128xf32, #tpu.memory_space<vmem>>
      %dma_wait3A_997 = arith.constant 0 : i32
      %dma_wait3A_998 = arith.constant 0 : i32
      %dma_wait3A_999 = tpu.memref_slice %arg4[%dma_wait3A_997, %dma_wait3A_998] : memref<32x1000000xf32, #tpu.memory_space<hbm>> -> memref<32x128xf32, #tpu.memory_space<hbm>>
      %dma_wait3A_1000 = arith.constant 0 : i32
      %dma_wait3A_1001 = arith.constant 0 : i32
      %dma_wait3A_1002 = tpu.memref_slice %arg11[%dma_wait3A_991, %dma_wait3A_992, %dma_wait3A_1000, %dma_wait3A_1001] : memref<2x4x32x128xf32, #tpu.memory_space<vmem>> -> memref<1x1x32x128xf32, #tpu.memory_space<vmem>>
      %dma_wait3A_1003 = tpu.memref_squeeze %dma_wait3A_1002 : memref<1x1x32x128xf32, #tpu.memory_space<vmem>> -> memref<32x128xf32, #tpu.memory_space<vmem>>
      %dma_wait3A_1004 = arith.constant 0 : i32
      %dma_wait3A_1005 = arith.constant 0 : i32
      %dma_wait3A_1006 = tpu.memref_slice %arg4[%dma_wait3A_1004, %dma_wait3A_1005] : memref<32x1000000xf32, #tpu.memory_space<hbm>> -> memref<32x128xf32, #tpu.memory_space<hbm>>
      tpu.wait_dma2 semaphore(%arg17 : memref<!tpu.dma_semaphore, #tpu.memory_space<semaphore_mem>>) src(%dma_wait3A_1006 : memref<32x128xf32, #tpu.memory_space<hbm>>) dst(%dma_wait3A_1003 : memref<32x128xf32, #tpu.memory_space<vmem>>)
      %dma_wait3A_1007 = arith.constant 1 : i32
      %dma_wait3A_1008 = arith.constant 1 : i32
      %dma_wait3A_1009 = arith.constant 0 : i32
      %dma_wait3A_1010 = arith.constant 0 : i32
      %dma_wait3A_1011 = tpu.memref_slice %arg12[%dma_wait3A_1007, %dma_wait3A_1008, %dma_wait3A_1009, %dma_wait3A_1010] : memref<2x4x32x128xf32, #tpu.memory_space<vmem>> -> memref<1x1x32x128xf32, #tpu.memory_space<vmem>>
      %dma_wait3A_1012 = tpu.memref_squeeze %dma_wait3A_1011 : memref<1x1x32x128xf32, #tpu.memory_space<vmem>> -> memref<32x128xf32, #tpu.memory_space<vmem>>
      %dma_wait3A_1013 = arith.constant 0 : i32
      %dma_wait3A_1014 = arith.constant 0 : i32
      %dma_wait3A_1015 = tpu.memref_slice %arg5[%dma_wait3A_1013, %dma_wait3A_1014] : memref<32x1000000xf32, #tpu.memory_space<hbm>> -> memref<32x128xf32, #tpu.memory_space<hbm>>
      %dma_wait3A_1016 = arith.constant 0 : i32
      %dma_wait3A_1017 = arith.constant 0 : i32
      %dma_wait3A_1018 = tpu.memref_slice %arg12[%dma_wait3A_1007, %dma_wait3A_1008, %dma_wait3A_1016, %dma_wait3A_1017] : memref<2x4x32x128xf32, #tpu.memory_space<vmem>> -> memref<1x1x32x128xf32, #tpu.memory_space<vmem>>
      %dma_wait3A_1019 = tpu.memref_squeeze %dma_wait3A_1018 : memref<1x1x32x128xf32, #tpu.memory_space<vmem>> -> memref<32x128xf32, #tpu.memory_space<vmem>>
      %dma_wait3A_1020 = arith.constant 0 : i32
      %dma_wait3A_1021 = arith.constant 0 : i32
      %dma_wait3A_1022 = tpu.memref_slice %arg5[%dma_wait3A_1020, %dma_wait3A_1021] : memref<32x1000000xf32, #tpu.memory_space<hbm>> -> memref<32x128xf32, #tpu.memory_space<hbm>>
      tpu.wait_dma2 semaphore(%arg17 : memref<!tpu.dma_semaphore, #tpu.memory_space<semaphore_mem>>) src(%dma_wait3A_1022 : memref<32x128xf32, #tpu.memory_space<hbm>>) dst(%dma_wait3A_1019 : memref<32x128xf32, #tpu.memory_space<vmem>>)
      %dma_wait3A_1023 = arith.constant 1 : i32
      %dma_wait3A_1024 = arith.constant 1 : i32
      %dma_wait3A_1025 = arith.constant 0 : i32
      %dma_wait3A_1026 = tpu.memref_slice %arg13[%dma_wait3A_1023, %dma_wait3A_1024, %dma_wait3A_1025] : memref<2x4x128xf32, #tpu.memory_space<vmem>> -> memref<1x1x128xf32, #tpu.memory_space<vmem>>
      %dma_wait3A_1027 = tpu.memref_squeeze %dma_wait3A_1026 : memref<1x1x128xf32, #tpu.memory_space<vmem>> -> memref<128xf32, #tpu.memory_space<vmem>>
      %dma_wait3A_1028 = arith.constant 0 : i32
      %dma_wait3A_1029 = tpu.memref_slice %arg6[%dma_wait3A_1028] : memref<1000000xf32, #tpu.memory_space<hbm>> -> memref<128xf32, #tpu.memory_space<hbm>>
      %dma_wait3A_1030 = arith.constant 0 : i32
      %dma_wait3A_1031 = tpu.memref_slice %arg13[%dma_wait3A_1023, %dma_wait3A_1024, %dma_wait3A_1030] : memref<2x4x128xf32, #tpu.memory_space<vmem>> -> memref<1x1x128xf32, #tpu.memory_space<vmem>>
      %dma_wait3A_1032 = tpu.memref_squeeze %dma_wait3A_1031 : memref<1x1x128xf32, #tpu.memory_space<vmem>> -> memref<128xf32, #tpu.memory_space<vmem>>
      %dma_wait3A_1033 = arith.constant 0 : i32
      %dma_wait3A_1034 = tpu.memref_slice %arg6[%dma_wait3A_1033] : memref<1000000xf32, #tpu.memory_space<hbm>> -> memref<128xf32, #tpu.memory_space<hbm>>
      tpu.wait_dma2 semaphore(%arg17 : memref<!tpu.dma_semaphore, #tpu.memory_space<semaphore_mem>>) src(%dma_wait3A_1034 : memref<128xf32, #tpu.memory_space<hbm>>) dst(%dma_wait3A_1032 : memref<128xf32, #tpu.memory_space<vmem>>)
      %dma_wait3A_1035 = arith.constant 1 : i32
      %dma_wait3A_1036 = arith.constant 1 : i32
      %dma_wait3A_1037 = arith.constant 0 : i32
      %dma_wait3A_1038 = tpu.memref_slice %arg14[%dma_wait3A_1035, %dma_wait3A_1036, %dma_wait3A_1037] : memref<2x4x128xf32, #tpu.memory_space<vmem>> -> memref<1x1x128xf32, #tpu.memory_space<vmem>>
      %dma_wait3A_1039 = tpu.memref_squeeze %dma_wait3A_1038 : memref<1x1x128xf32, #tpu.memory_space<vmem>> -> memref<128xf32, #tpu.memory_space<vmem>>
      %dma_wait3A_1040 = arith.constant 0 : i32
      %dma_wait3A_1041 = tpu.memref_slice %arg7[%dma_wait3A_1040] : memref<1000000xf32, #tpu.memory_space<hbm>> -> memref<128xf32, #tpu.memory_space<hbm>>
      %dma_wait3A_1042 = arith.constant 0 : i32
      %dma_wait3A_1043 = tpu.memref_slice %arg14[%dma_wait3A_1035, %dma_wait3A_1036, %dma_wait3A_1042] : memref<2x4x128xf32, #tpu.memory_space<vmem>> -> memref<1x1x128xf32, #tpu.memory_space<vmem>>
      %dma_wait3A_1044 = tpu.memref_squeeze %dma_wait3A_1043 : memref<1x1x128xf32, #tpu.memory_space<vmem>> -> memref<128xf32, #tpu.memory_space<vmem>>
      %dma_wait3A_1045 = arith.constant 0 : i32
      %dma_wait3A_1046 = tpu.memref_slice %arg7[%dma_wait3A_1045] : memref<1000000xf32, #tpu.memory_space<hbm>> -> memref<128xf32, #tpu.memory_space<hbm>>
      tpu.wait_dma2 semaphore(%arg17 : memref<!tpu.dma_semaphore, #tpu.memory_space<semaphore_mem>>) src(%dma_wait3A_1046 : memref<128xf32, #tpu.memory_space<hbm>>) dst(%dma_wait3A_1044 : memref<128xf32, #tpu.memory_space<vmem>>)
      %dma_wait3A_1047 = arith.constant 1 : i32
      %dma_wait3A_1048 = arith.constant 2 : i32
      %dma_wait3A_1049 = arith.constant 0 : i32
      %dma_wait3A_1050 = arith.constant 0 : i32
      %dma_wait3A_1051 = tpu.memref_slice %arg11[%dma_wait3A_1047, %dma_wait3A_1048, %dma_wait3A_1049, %dma_wait3A_1050] : memref<2x4x32x128xf32, #tpu.memory_space<vmem>> -> memref<1x1x32x128xf32, #tpu.memory_space<vmem>>
      %dma_wait3A_1052 = tpu.memref_squeeze %dma_wait3A_1051 : memref<1x1x32x128xf32, #tpu.memory_space<vmem>> -> memref<32x128xf32, #tpu.memory_space<vmem>>
      %dma_wait3A_1053 = arith.constant 0 : i32
      %dma_wait3A_1054 = arith.constant 0 : i32
      %dma_wait3A_1055 = tpu.memref_slice %arg4[%dma_wait3A_1053, %dma_wait3A_1054] : memref<32x1000000xf32, #tpu.memory_space<hbm>> -> memref<32x128xf32, #tpu.memory_space<hbm>>
      %dma_wait3A_1056 = arith.constant 0 : i32
      %dma_wait3A_1057 = arith.constant 0 : i32
      %dma_wait3A_1058 = tpu.memref_slice %arg11[%dma_wait3A_1047, %dma_wait3A_1048, %dma_wait3A_1056, %dma_wait3A_1057] : memref<2x4x32x128xf32, #tpu.memory_space<vmem>> -> memref<1x1x32x128xf32, #tpu.memory_space<vmem>>
      %dma_wait3A_1059 = tpu.memref_squeeze %dma_wait3A_1058 : memref<1x1x32x128xf32, #tpu.memory_space<vmem>> -> memref<32x128xf32, #tpu.memory_space<vmem>>
      %dma_wait3A_1060 = arith.constant 0 : i32
      %dma_wait3A_1061 = arith.constant 0 : i32
      %dma_wait3A_1062 = tpu.memref_slice %arg4[%dma_wait3A_1060, %dma_wait3A_1061] : memref<32x1000000xf32, #tpu.memory_space<hbm>> -> memref<32x128xf32, #tpu.memory_space<hbm>>
      tpu.wait_dma2 semaphore(%arg17 : memref<!tpu.dma_semaphore, #tpu.memory_space<semaphore_mem>>) src(%dma_wait3A_1062 : memref<32x128xf32, #tpu.memory_space<hbm>>) dst(%dma_wait3A_1059 : memref<32x128xf32, #tpu.memory_space<vmem>>)
      %dma_wait3A_1063 = arith.constant 1 : i32
      %dma_wait3A_1064 = arith.constant 2 : i32
      %dma_wait3A_1065 = arith.constant 0 : i32
      %dma_wait3A_1066 = arith.constant 0 : i32
      %dma_wait3A_1067 = tpu.memref_slice %arg12[%dma_wait3A_1063, %dma_wait3A_1064, %dma_wait3A_1065, %dma_wait3A_1066] : memref<2x4x32x128xf32, #tpu.memory_space<vmem>> -> memref<1x1x32x128xf32, #tpu.memory_space<vmem>>
      %dma_wait3A_1068 = tpu.memref_squeeze %dma_wait3A_1067 : memref<1x1x32x128xf32, #tpu.memory_space<vmem>> -> memref<32x128xf32, #tpu.memory_space<vmem>>
      %dma_wait3A_1069 = arith.constant 0 : i32
      %dma_wait3A_1070 = arith.constant 0 : i32
      %dma_wait3A_1071 = tpu.memref_slice %arg5[%dma_wait3A_1069, %dma_wait3A_1070] : memref<32x1000000xf32, #tpu.memory_space<hbm>> -> memref<32x128xf32, #tpu.memory_space<hbm>>
      %dma_wait3A_1072 = arith.constant 0 : i32
      %dma_wait3A_1073 = arith.constant 0 : i32
      %dma_wait3A_1074 = tpu.memref_slice %arg12[%dma_wait3A_1063, %dma_wait3A_1064, %dma_wait3A_1072, %dma_wait3A_1073] : memref<2x4x32x128xf32, #tpu.memory_space<vmem>> -> memref<1x1x32x128xf32, #tpu.memory_space<vmem>>
      %dma_wait3A_1075 = tpu.memref_squeeze %dma_wait3A_1074 : memref<1x1x32x128xf32, #tpu.memory_space<vmem>> -> memref<32x128xf32, #tpu.memory_space<vmem>>
      %dma_wait3A_1076 = arith.constant 0 : i32
      %dma_wait3A_1077 = arith.constant 0 : i32
      %dma_wait3A_1078 = tpu.memref_slice %arg5[%dma_wait3A_1076, %dma_wait3A_1077] : memref<32x1000000xf32, #tpu.memory_space<hbm>> -> memref<32x128xf32, #tpu.memory_space<hbm>>
      tpu.wait_dma2 semaphore(%arg17 : memref<!tpu.dma_semaphore, #tpu.memory_space<semaphore_mem>>) src(%dma_wait3A_1078 : memref<32x128xf32, #tpu.memory_space<hbm>>) dst(%dma_wait3A_1075 : memref<32x128xf32, #tpu.memory_space<vmem>>)
      %dma_wait3A_1079 = arith.constant 1 : i32
      %dma_wait3A_1080 = arith.constant 2 : i32
      %dma_wait3A_1081 = arith.constant 0 : i32
      %dma_wait3A_1082 = tpu.memref_slice %arg13[%dma_wait3A_1079, %dma_wait3A_1080, %dma_wait3A_1081] : memref<2x4x128xf32, #tpu.memory_space<vmem>> -> memref<1x1x128xf32, #tpu.memory_space<vmem>>
      %dma_wait3A_1083 = tpu.memref_squeeze %dma_wait3A_1082 : memref<1x1x128xf32, #tpu.memory_space<vmem>> -> memref<128xf32, #tpu.memory_space<vmem>>
      %dma_wait3A_1084 = arith.constant 0 : i32
      %dma_wait3A_1085 = tpu.memref_slice %arg6[%dma_wait3A_1084] : memref<1000000xf32, #tpu.memory_space<hbm>> -> memref<128xf32, #tpu.memory_space<hbm>>
      %dma_wait3A_1086 = arith.constant 0 : i32
      %dma_wait3A_1087 = tpu.memref_slice %arg13[%dma_wait3A_1079, %dma_wait3A_1080, %dma_wait3A_1086] : memref<2x4x128xf32, #tpu.memory_space<vmem>> -> memref<1x1x128xf32, #tpu.memory_space<vmem>>
      %dma_wait3A_1088 = tpu.memref_squeeze %dma_wait3A_1087 : memref<1x1x128xf32, #tpu.memory_space<vmem>> -> memref<128xf32, #tpu.memory_space<vmem>>
      %dma_wait3A_1089 = arith.constant 0 : i32
      %dma_wait3A_1090 = tpu.memref_slice %arg6[%dma_wait3A_1089] : memref<1000000xf32, #tpu.memory_space<hbm>> -> memref<128xf32, #tpu.memory_space<hbm>>
      tpu.wait_dma2 semaphore(%arg17 : memref<!tpu.dma_semaphore, #tpu.memory_space<semaphore_mem>>) src(%dma_wait3A_1090 : memref<128xf32, #tpu.memory_space<hbm>>) dst(%dma_wait3A_1088 : memref<128xf32, #tpu.memory_space<vmem>>)
      %dma_wait3A_1091 = arith.constant 1 : i32
      %dma_wait3A_1092 = arith.constant 2 : i32
      %dma_wait3A_1093 = arith.constant 0 : i32
      %dma_wait3A_1094 = tpu.memref_slice %arg14[%dma_wait3A_1091, %dma_wait3A_1092, %dma_wait3A_1093] : memref<2x4x128xf32, #tpu.memory_space<vmem>> -> memref<1x1x128xf32, #tpu.memory_space<vmem>>
      %dma_wait3A_1095 = tpu.memref_squeeze %dma_wait3A_1094 : memref<1x1x128xf32, #tpu.memory_space<vmem>> -> memref<128xf32, #tpu.memory_space<vmem>>
      %dma_wait3A_1096 = arith.constant 0 : i32
      %dma_wait3A_1097 = tpu.memref_slice %arg7[%dma_wait3A_1096] : memref<1000000xf32, #tpu.memory_space<hbm>> -> memref<128xf32, #tpu.memory_space<hbm>>
      %dma_wait3A_1098 = arith.constant 0 : i32
      %dma_wait3A_1099 = tpu.memref_slice %arg14[%dma_wait3A_1091, %dma_wait3A_1092, %dma_wait3A_1098] : memref<2x4x128xf32, #tpu.memory_space<vmem>> -> memref<1x1x128xf32, #tpu.memory_space<vmem>>
      %dma_wait3A_1100 = tpu.memref_squeeze %dma_wait3A_1099 : memref<1x1x128xf32, #tpu.memory_space<vmem>> -> memref<128xf32, #tpu.memory_space<vmem>>
      %dma_wait3A_1101 = arith.constant 0 : i32
      %dma_wait3A_1102 = tpu.memref_slice %arg7[%dma_wait3A_1101] : memref<1000000xf32, #tpu.memory_space<hbm>> -> memref<128xf32, #tpu.memory_space<hbm>>
      tpu.wait_dma2 semaphore(%arg17 : memref<!tpu.dma_semaphore, #tpu.memory_space<semaphore_mem>>) src(%dma_wait3A_1102 : memref<128xf32, #tpu.memory_space<hbm>>) dst(%dma_wait3A_1100 : memref<128xf32, #tpu.memory_space<vmem>>)
      %dma_wait3A_1103 = arith.constant 1 : i32
      %dma_wait3A_1104 = arith.constant 3 : i32
      %dma_wait3A_1105 = arith.constant 0 : i32
      %dma_wait3A_1106 = arith.constant 0 : i32
      %dma_wait3A_1107 = tpu.memref_slice %arg11[%dma_wait3A_1103, %dma_wait3A_1104, %dma_wait3A_1105, %dma_wait3A_1106] : memref<2x4x32x128xf32, #tpu.memory_space<vmem>> -> memref<1x1x32x128xf32, #tpu.memory_space<vmem>>
      %dma_wait3A_1108 = tpu.memref_squeeze %dma_wait3A_1107 : memref<1x1x32x128xf32, #tpu.memory_space<vmem>> -> memref<32x128xf32, #tpu.memory_space<vmem>>
      %dma_wait3A_1109 = arith.constant 0 : i32
      %dma_wait3A_1110 = arith.constant 0 : i32
      %dma_wait3A_1111 = tpu.memref_slice %arg4[%dma_wait3A_1109, %dma_wait3A_1110] : memref<32x1000000xf32, #tpu.memory_space<hbm>> -> memref<32x128xf32, #tpu.memory_space<hbm>>
      %dma_wait3A_1112 = arith.constant 0 : i32
      %dma_wait3A_1113 = arith.constant 0 : i32
      %dma_wait3A_1114 = tpu.memref_slice %arg11[%dma_wait3A_1103, %dma_wait3A_1104, %dma_wait3A_1112, %dma_wait3A_1113] : memref<2x4x32x128xf32, #tpu.memory_space<vmem>> -> memref<1x1x32x128xf32, #tpu.memory_space<vmem>>
      %dma_wait3A_1115 = tpu.memref_squeeze %dma_wait3A_1114 : memref<1x1x32x128xf32, #tpu.memory_space<vmem>> -> memref<32x128xf32, #tpu.memory_space<vmem>>
      %dma_wait3A_1116 = arith.constant 0 : i32
      %dma_wait3A_1117 = arith.constant 0 : i32
      %dma_wait3A_1118 = tpu.memref_slice %arg4[%dma_wait3A_1116, %dma_wait3A_1117] : memref<32x1000000xf32, #tpu.memory_space<hbm>> -> memref<32x128xf32, #tpu.memory_space<hbm>>
      tpu.wait_dma2 semaphore(%arg17 : memref<!tpu.dma_semaphore, #tpu.memory_space<semaphore_mem>>) src(%dma_wait3A_1118 : memref<32x128xf32, #tpu.memory_space<hbm>>) dst(%dma_wait3A_1115 : memref<32x128xf32, #tpu.memory_space<vmem>>)
      %dma_wait3A_1119 = arith.constant 1 : i32
      %dma_wait3A_1120 = arith.constant 3 : i32
      %dma_wait3A_1121 = arith.constant 0 : i32
      %dma_wait3A_1122 = arith.constant 0 : i32
      %dma_wait3A_1123 = tpu.memref_slice %arg12[%dma_wait3A_1119, %dma_wait3A_1120, %dma_wait3A_1121, %dma_wait3A_1122] : memref<2x4x32x128xf32, #tpu.memory_space<vmem>> -> memref<1x1x32x128xf32, #tpu.memory_space<vmem>>
      %dma_wait3A_1124 = tpu.memref_squeeze %dma_wait3A_1123 : memref<1x1x32x128xf32, #tpu.memory_space<vmem>> -> memref<32x128xf32, #tpu.memory_space<vmem>>
      %dma_wait3A_1125 = arith.constant 0 : i32
      %dma_wait3A_1126 = arith.constant 0 : i32
      %dma_wait3A_1127 = tpu.memref_slice %arg5[%dma_wait3A_1125, %dma_wait3A_1126] : memref<32x1000000xf32, #tpu.memory_space<hbm>> -> memref<32x128xf32, #tpu.memory_space<hbm>>
      %dma_wait3A_1128 = arith.constant 0 : i32
      %dma_wait3A_1129 = arith.constant 0 : i32
      %dma_wait3A_1130 = tpu.memref_slice %arg12[%dma_wait3A_1119, %dma_wait3A_1120, %dma_wait3A_1128, %dma_wait3A_1129] : memref<2x4x32x128xf32, #tpu.memory_space<vmem>> -> memref<1x1x32x128xf32, #tpu.memory_space<vmem>>
      %dma_wait3A_1131 = tpu.memref_squeeze %dma_wait3A_1130 : memref<1x1x32x128xf32, #tpu.memory_space<vmem>> -> memref<32x128xf32, #tpu.memory_space<vmem>>
      %dma_wait3A_1132 = arith.constant 0 : i32
      %dma_wait3A_1133 = arith.constant 0 : i32
      %dma_wait3A_1134 = tpu.memref_slice %arg5[%dma_wait3A_1132, %dma_wait3A_1133] : memref<32x1000000xf32, #tpu.memory_space<hbm>> -> memref<32x128xf32, #tpu.memory_space<hbm>>
      tpu.wait_dma2 semaphore(%arg17 : memref<!tpu.dma_semaphore, #tpu.memory_space<semaphore_mem>>) src(%dma_wait3A_1134 : memref<32x128xf32, #tpu.memory_space<hbm>>) dst(%dma_wait3A_1131 : memref<32x128xf32, #tpu.memory_space<vmem>>)
      %dma_wait3A_1135 = arith.constant 1 : i32
      %dma_wait3A_1136 = arith.constant 3 : i32
      %dma_wait3A_1137 = arith.constant 0 : i32
      %dma_wait3A_1138 = tpu.memref_slice %arg13[%dma_wait3A_1135, %dma_wait3A_1136, %dma_wait3A_1137] : memref<2x4x128xf32, #tpu.memory_space<vmem>> -> memref<1x1x128xf32, #tpu.memory_space<vmem>>
      %dma_wait3A_1139 = tpu.memref_squeeze %dma_wait3A_1138 : memref<1x1x128xf32, #tpu.memory_space<vmem>> -> memref<128xf32, #tpu.memory_space<vmem>>
      %dma_wait3A_1140 = arith.constant 0 : i32
      %dma_wait3A_1141 = tpu.memref_slice %arg6[%dma_wait3A_1140] : memref<1000000xf32, #tpu.memory_space<hbm>> -> memref<128xf32, #tpu.memory_space<hbm>>
      %dma_wait3A_1142 = arith.constant 0 : i32
      %dma_wait3A_1143 = tpu.memref_slice %arg13[%dma_wait3A_1135, %dma_wait3A_1136, %dma_wait3A_1142] : memref<2x4x128xf32, #tpu.memory_space<vmem>> -> memref<1x1x128xf32, #tpu.memory_space<vmem>>
      %dma_wait3A_1144 = tpu.memref_squeeze %dma_wait3A_1143 : memref<1x1x128xf32, #tpu.memory_space<vmem>> -> memref<128xf32, #tpu.memory_space<vmem>>
      %dma_wait3A_1145 = arith.constant 0 : i32
      %dma_wait3A_1146 = tpu.memref_slice %arg6[%dma_wait3A_1145] : memref<1000000xf32, #tpu.memory_space<hbm>> -> memref<128xf32, #tpu.memory_space<hbm>>
      tpu.wait_dma2 semaphore(%arg17 : memref<!tpu.dma_semaphore, #tpu.memory_space<semaphore_mem>>) src(%dma_wait3A_1146 : memref<128xf32, #tpu.memory_space<hbm>>) dst(%dma_wait3A_1144 : memref<128xf32, #tpu.memory_space<vmem>>)
      %dma_wait3A_1147 = arith.constant 1 : i32
      %dma_wait3A_1148 = arith.constant 3 : i32
      %dma_wait3A_1149 = arith.constant 0 : i32
      %dma_wait3A_1150 = tpu.memref_slice %arg14[%dma_wait3A_1147, %dma_wait3A_1148, %dma_wait3A_1149] : memref<2x4x128xf32, #tpu.memory_space<vmem>> -> memref<1x1x128xf32, #tpu.memory_space<vmem>>
      %dma_wait3A_1151 = tpu.memref_squeeze %dma_wait3A_1150 : memref<1x1x128xf32, #tpu.memory_space<vmem>> -> memref<128xf32, #tpu.memory_space<vmem>>
      %dma_wait3A_1152 = arith.constant 0 : i32
      %dma_wait3A_1153 = tpu.memref_slice %arg7[%dma_wait3A_1152] : memref<1000000xf32, #tpu.memory_space<hbm>> -> memref<128xf32, #tpu.memory_space<hbm>>
      %dma_wait3A_1154 = arith.constant 0 : i32
      %dma_wait3A_1155 = tpu.memref_slice %arg14[%dma_wait3A_1147, %dma_wait3A_1148, %dma_wait3A_1154] : memref<2x4x128xf32, #tpu.memory_space<vmem>> -> memref<1x1x128xf32, #tpu.memory_space<vmem>>
      %dma_wait3A_1156 = tpu.memref_squeeze %dma_wait3A_1155 : memref<1x1x128xf32, #tpu.memory_space<vmem>> -> memref<128xf32, #tpu.memory_space<vmem>>
      %dma_wait3A_1157 = arith.constant 0 : i32
      %dma_wait3A_1158 = tpu.memref_slice %arg7[%dma_wait3A_1157] : memref<1000000xf32, #tpu.memory_space<hbm>> -> memref<128xf32, #tpu.memory_space<hbm>>
      tpu.wait_dma2 semaphore(%arg17 : memref<!tpu.dma_semaphore, #tpu.memory_space<semaphore_mem>>) src(%dma_wait3A_1158 : memref<128xf32, #tpu.memory_space<hbm>>) dst(%dma_wait3A_1156 : memref<128xf32, #tpu.memory_space<vmem>>)
      %mul3A_1159 = arith.constant 4 : i32
      %mul3A_1160 = arith.muli %add3A_262, %mul3A_1159 : i32
      %get3A_1161 = arith.index_cast %mul3A_1160 : i32 to index
      %get3A_1162 = tpu.vector_load %arg9[%get3A_1161] {strides = array<i32>} : memref<528xi32, #tpu.memory_space<vmem>>, vector<16xi32>,
      %mul3A_1163 = arith.constant 4 : i32
      %mul3A_1164 = arith.muli %add3A_262, %mul3A_1163 : i32
      %get3A_1165 = arith.index_cast %mul3A_1164 : i32 to index
      %get3A_1166 = tpu.vector_load %arg10[%get3A_1165] {strides = array<i32>} : memref<528xi32, #tpu.memory_space<vmem>>, vector<16xi32>,
      %broadcast_in_dim3A_1167 = arith.constant 1 : i32
      %broadcast_in_dim3A_1168 = vector.broadcast %broadcast_in_dim3A_1167 : i32 to vector<16xi32>
      %slice3A_1169 = vector.extract_strided_slice %get3A_1162 {offsets = [0], sizes = [1], strides = [1]} : vector<16xi32> to vector<1xi32>
      %squeeze3A_1170 = vector.extract %slice3A_1169[0] : i32 from vector<1xi32>
      %and3A_1171 = arith.constant 127 : i32
      %and3A_1172 = arith.andi %squeeze3A_1170, %and3A_1171 : i32
      %broadcast_in_dim3A_1173 = vector.broadcast %and3A_1172 : i32 to vector<16xi32>
      %slice3A_1174 = vector.extract_strided_slice %get3A_1166 {offsets = [0], sizes = [1], strides = [1]} : vector<16xi32> to vector<1xi32>
      %squeeze3A_1175 = vector.extract %slice3A_1174[0] : i32 from vector<1xi32>
      %and3A_1176 = arith.constant 127 : i32
      %and3A_1177 = arith.andi %squeeze3A_1175, %and3A_1176 : i32
      %broadcast_in_dim3A_1178 = vector.broadcast %and3A_1177 : i32 to vector<16xi32>
      %broadcast_in_dim3A_1179 = arith.constant 0 : i32
      %broadcast_in_dim3A_1180 = vector.broadcast %broadcast_in_dim3A_1179 : i32 to vector<16xi32>
      %gather3A_1181 = tpu.vector_load_idx %arg11[%broadcast_in_dim3A_1168, %broadcast_in_dim3A_1180, %iota3A, %broadcast_in_dim3A_1173] : memref<2x4x32x128xf32, #tpu.memory_space<vmem>>[vector<16xi32>, vector<16xi32>, vector<16xi32>, vector<16xi32>], vector<16xf32>,
      %add3A_1182 = arith.constant 16 : i32
      %add3A_1183 = vector.broadcast %add3A_1182 : i32 to vector<16xi32>
      %add3A_1184 = arith.addi %iota3A, %add3A_1183 : vector<16xi32>
      %gather3A_1185 = tpu.vector_load_idx %arg11[%broadcast_in_dim3A_1168, %broadcast_in_dim3A_1180, %add3A_1184, %broadcast_in_dim3A_1173] : memref<2x4x32x128xf32, #tpu.memory_space<vmem>>[vector<16xi32>, vector<16xi32>, vector<16xi32>, vector<16xi32>], vector<16xf32>,
      %gather3A_1186 = tpu.vector_load_idx %arg12[%broadcast_in_dim3A_1168, %broadcast_in_dim3A_1180, %iota3A, %broadcast_in_dim3A_1178] : memref<2x4x32x128xf32, #tpu.memory_space<vmem>>[vector<16xi32>, vector<16xi32>, vector<16xi32>, vector<16xi32>], vector<16xf32>,
      %add3A_1187 = arith.constant 16 : i32
      %add3A_1188 = vector.broadcast %add3A_1187 : i32 to vector<16xi32>
      %add3A_1189 = arith.addi %iota3A, %add3A_1188 : vector<16xi32>
      %gather3A_1190 = tpu.vector_load_idx %arg12[%broadcast_in_dim3A_1168, %broadcast_in_dim3A_1180, %add3A_1189, %broadcast_in_dim3A_1178] : memref<2x4x32x128xf32, #tpu.memory_space<vmem>>[vector<16xi32>, vector<16xi32>, vector<16xi32>, vector<16xi32>], vector<16xf32>,
      %mul3A_1191 = arith.mulf %gather3A_1181, %gather3A_1186 : vector<16xf32>
      %mul3A_1192 = arith.mulf %gather3A_1185, %gather3A_1190 : vector<16xf32>
      %add3A_1193 = arith.addf %mul3A_1191, %mul3A_1192 : vector<16xf32>
      %reduce_sum3A_1194 = arith.constant true
      %reduce_sum3A_1195 = vector.broadcast %reduce_sum3A_1194 : i1 to vector<16xi1>
      %reduce_sum3A_1196 = tpu.scan <sum>, %add3A_1193 masked %reduce_sum3A_1195 : vector<16xf32>, vector<16xi1> -> vector<16xf32>
      %reduce_sum3A_1197 = vector.extract %reduce_sum3A_1196[15] : f32 from vector<16xf32>
      %gather3A_1198 = tpu.vector_load_idx %arg13[%broadcast_in_dim3A_1168, %broadcast_in_dim3A_1180, %broadcast_in_dim3A_1173] : memref<2x4x128xf32, #tpu.memory_space<vmem>>[vector<16xi32>, vector<16xi32>, vector<16xi32>], vector<16xf32>,
      %gather3A_1199 = tpu.vector_load_idx %arg14[%broadcast_in_dim3A_1168, %broadcast_in_dim3A_1180, %broadcast_in_dim3A_1178] : memref<2x4x128xf32, #tpu.memory_space<vmem>>[vector<16xi32>, vector<16xi32>, vector<16xi32>], vector<16xf32>,
      %broadcast_in_dim3A_1200 = vector.broadcast %reduce_sum3A_1197 : f32 to vector<16xf32>
      %add3A_1201 = arith.addf %broadcast_in_dim3A_1200, %gather3A_1198 : vector<16xf32>
      %add3A_1202 = arith.addf %add3A_1201, %gather3A_1199 : vector<16xf32>
      %and3A_1203 = arith.constant 3 : i32
      %and3A_1204 = arith.andi %add3A_262, %and3A_1203 : i32
      %mul3A_1205 = arith.constant 4 : i32
      %mul3A_1206 = arith.muli %and3A_1204, %mul3A_1205 : i32
      %add3A_1207 = arith.constant 0 : i32
      %add3A_1208 = arith.addi %mul3A_1206, %add3A_1207 : i32
      %eq3A_1209 = vector.broadcast %add3A_1208 : i32 to vector<16xi32>
      %eq3A_1210 = arith.cmpi eq, %iota3A, %eq3A_1209 : vector<16xi32>
      %select_n3A_1211 = arith.select %eq3A_1210, %add3A_1202, %select_n3A_930 : vector<16xi1>, vector<16xf32>
      %slice3A_1212 = vector.extract_strided_slice %get3A_1162 {offsets = [1], sizes = [1], strides = [1]} : vector<16xi32> to vector<1xi32>
      %squeeze3A_1213 = vector.extract %slice3A_1212[0] : i32 from vector<1xi32>
      %and3A_1214 = arith.constant 127 : i32
      %and3A_1215 = arith.andi %squeeze3A_1213, %and3A_1214 : i32
      %broadcast_in_dim3A_1216 = vector.broadcast %and3A_1215 : i32 to vector<16xi32>
      %slice3A_1217 = vector.extract_strided_slice %get3A_1166 {offsets = [1], sizes = [1], strides = [1]} : vector<16xi32> to vector<1xi32>
      %squeeze3A_1218 = vector.extract %slice3A_1217[0] : i32 from vector<1xi32>
      %and3A_1219 = arith.constant 127 : i32
      %and3A_1220 = arith.andi %squeeze3A_1218, %and3A_1219 : i32
      %broadcast_in_dim3A_1221 = vector.broadcast %and3A_1220 : i32 to vector<16xi32>
      %broadcast_in_dim3A_1222 = arith.constant 1 : i32
      %broadcast_in_dim3A_1223 = vector.broadcast %broadcast_in_dim3A_1222 : i32 to vector<16xi32>
      %gather3A_1224 = tpu.vector_load_idx %arg11[%broadcast_in_dim3A_1168, %broadcast_in_dim3A_1223, %iota3A, %broadcast_in_dim3A_1216] : memref<2x4x32x128xf32, #tpu.memory_space<vmem>>[vector<16xi32>, vector<16xi32>, vector<16xi32>, vector<16xi32>], vector<16xf32>,
      %add3A_1225 = arith.constant 16 : i32
      %add3A_1226 = vector.broadcast %add3A_1225 : i32 to vector<16xi32>
      %add3A_1227 = arith.addi %iota3A, %add3A_1226 : vector<16xi32>
      %gather3A_1228 = tpu.vector_load_idx %arg11[%broadcast_in_dim3A_1168, %broadcast_in_dim3A_1223, %add3A_1227, %broadcast_in_dim3A_1216] : memref<2x4x32x128xf32, #tpu.memory_space<vmem>>[vector<16xi32>, vector<16xi32>, vector<16xi32>, vector<16xi32>], vector<16xf32>,
      %gather3A_1229 = tpu.vector_load_idx %arg12[%broadcast_in_dim3A_1168, %broadcast_in_dim3A_1223, %iota3A, %broadcast_in_dim3A_1221] : memref<2x4x32x128xf32, #tpu.memory_space<vmem>>[vector<16xi32>, vector<16xi32>, vector<16xi32>, vector<16xi32>], vector<16xf32>,
      %add3A_1230 = arith.constant 16 : i32
      %add3A_1231 = vector.broadcast %add3A_1230 : i32 to vector<16xi32>
      %add3A_1232 = arith.addi %iota3A, %add3A_1231 : vector<16xi32>
      %gather3A_1233 = tpu.vector_load_idx %arg12[%broadcast_in_dim3A_1168, %broadcast_in_dim3A_1223, %add3A_1232, %broadcast_in_dim3A_1221] : memref<2x4x32x128xf32, #tpu.memory_space<vmem>>[vector<16xi32>, vector<16xi32>, vector<16xi32>, vector<16xi32>], vector<16xf32>,
      %mul3A_1234 = arith.mulf %gather3A_1224, %gather3A_1229 : vector<16xf32>
      %mul3A_1235 = arith.mulf %gather3A_1228, %gather3A_1233 : vector<16xf32>
      %add3A_1236 = arith.addf %mul3A_1234, %mul3A_1235 : vector<16xf32>
      %reduce_sum3A_1237 = arith.constant true
      %reduce_sum3A_1238 = vector.broadcast %reduce_sum3A_1237 : i1 to vector<16xi1>
      %reduce_sum3A_1239 = tpu.scan <sum>, %add3A_1236 masked %reduce_sum3A_1238 : vector<16xf32>, vector<16xi1> -> vector<16xf32>
      %reduce_sum3A_1240 = vector.extract %reduce_sum3A_1239[15] : f32 from vector<16xf32>
      %gather3A_1241 = tpu.vector_load_idx %arg13[%broadcast_in_dim3A_1168, %broadcast_in_dim3A_1223, %broadcast_in_dim3A_1216] : memref<2x4x128xf32, #tpu.memory_space<vmem>>[vector<16xi32>, vector<16xi32>, vector<16xi32>], vector<16xf32>,
      %gather3A_1242 = tpu.vector_load_idx %arg14[%broadcast_in_dim3A_1168, %broadcast_in_dim3A_1223, %broadcast_in_dim3A_1221] : memref<2x4x128xf32, #tpu.memory_space<vmem>>[vector<16xi32>, vector<16xi32>, vector<16xi32>], vector<16xf32>,
      %broadcast_in_dim3A_1243 = vector.broadcast %reduce_sum3A_1240 : f32 to vector<16xf32>
      %add3A_1244 = arith.addf %broadcast_in_dim3A_1243, %gather3A_1241 : vector<16xf32>
      %add3A_1245 = arith.addf %add3A_1244, %gather3A_1242 : vector<16xf32>
      %and3A_1246 = arith.constant 3 : i32
      %and3A_1247 = arith.andi %add3A_262, %and3A_1246 : i32
      %mul3A_1248 = arith.constant 4 : i32
      %mul3A_1249 = arith.muli %and3A_1247, %mul3A_1248 : i32
      %add3A_1250 = arith.constant 1 : i32
      %add3A_1251 = arith.addi %mul3A_1249, %add3A_1250 : i32
      %eq3A_1252 = vector.broadcast %add3A_1251 : i32 to vector<16xi32>
      %eq3A_1253 = arith.cmpi eq, %iota3A, %eq3A_1252 : vector<16xi32>
      %select_n3A_1254 = arith.select %eq3A_1253, %add3A_1245, %select_n3A_1211 : vector<16xi1>, vector<16xf32>
      %slice3A_1255 = vector.extract_strided_slice %get3A_1162 {offsets = [2], sizes = [1], strides = [1]} : vector<16xi32> to vector<1xi32>
      %squeeze3A_1256 = vector.extract %slice3A_1255[0] : i32 from vector<1xi32>
      %and3A_1257 = arith.constant 127 : i32
      %and3A_1258 = arith.andi %squeeze3A_1256, %and3A_1257 : i32
      %broadcast_in_dim3A_1259 = vector.broadcast %and3A_1258 : i32 to vector<16xi32>
      %slice3A_1260 = vector.extract_strided_slice %get3A_1166 {offsets = [2], sizes = [1], strides = [1]} : vector<16xi32> to vector<1xi32>
      %squeeze3A_1261 = vector.extract %slice3A_1260[0] : i32 from vector<1xi32>
      %and3A_1262 = arith.constant 127 : i32
      %and3A_1263 = arith.andi %squeeze3A_1261, %and3A_1262 : i32
      %broadcast_in_dim3A_1264 = vector.broadcast %and3A_1263 : i32 to vector<16xi32>
      %broadcast_in_dim3A_1265 = arith.constant 2 : i32
      %broadcast_in_dim3A_1266 = vector.broadcast %broadcast_in_dim3A_1265 : i32 to vector<16xi32>
      %gather3A_1267 = tpu.vector_load_idx %arg11[%broadcast_in_dim3A_1168, %broadcast_in_dim3A_1266, %iota3A, %broadcast_in_dim3A_1259] : memref<2x4x32x128xf32, #tpu.memory_space<vmem>>[vector<16xi32>, vector<16xi32>, vector<16xi32>, vector<16xi32>], vector<16xf32>,
      %add3A_1268 = arith.constant 16 : i32
      %add3A_1269 = vector.broadcast %add3A_1268 : i32 to vector<16xi32>
      %add3A_1270 = arith.addi %iota3A, %add3A_1269 : vector<16xi32>
      %gather3A_1271 = tpu.vector_load_idx %arg11[%broadcast_in_dim3A_1168, %broadcast_in_dim3A_1266, %add3A_1270, %broadcast_in_dim3A_1259] : memref<2x4x32x128xf32, #tpu.memory_space<vmem>>[vector<16xi32>, vector<16xi32>, vector<16xi32>, vector<16xi32>], vector<16xf32>,
      %gather3A_1272 = tpu.vector_load_idx %arg12[%broadcast_in_dim3A_1168, %broadcast_in_dim3A_1266, %iota3A, %broadcast_in_dim3A_1264] : memref<2x4x32x128xf32, #tpu.memory_space<vmem>>[vector<16xi32>, vector<16xi32>, vector<16xi32>, vector<16xi32>], vector<16xf32>,
      %add3A_1273 = arith.constant 16 : i32
      %add3A_1274 = vector.broadcast %add3A_1273 : i32 to vector<16xi32>
      %add3A_1275 = arith.addi %iota3A, %add3A_1274 : vector<16xi32>
      %gather3A_1276 = tpu.vector_load_idx %arg12[%broadcast_in_dim3A_1168, %broadcast_in_dim3A_1266, %add3A_1275, %broadcast_in_dim3A_1264] : memref<2x4x32x128xf32, #tpu.memory_space<vmem>>[vector<16xi32>, vector<16xi32>, vector<16xi32>, vector<16xi32>], vector<16xf32>,
      %mul3A_1277 = arith.mulf %gather3A_1267, %gather3A_1272 : vector<16xf32>
      %mul3A_1278 = arith.mulf %gather3A_1271, %gather3A_1276 : vector<16xf32>
      %add3A_1279 = arith.addf %mul3A_1277, %mul3A_1278 : vector<16xf32>
      %reduce_sum3A_1280 = arith.constant true
      %reduce_sum3A_1281 = vector.broadcast %reduce_sum3A_1280 : i1 to vector<16xi1>
      %reduce_sum3A_1282 = tpu.scan <sum>, %add3A_1279 masked %reduce_sum3A_1281 : vector<16xf32>, vector<16xi1> -> vector<16xf32>
      %reduce_sum3A_1283 = vector.extract %reduce_sum3A_1282[15] : f32 from vector<16xf32>
      %gather3A_1284 = tpu.vector_load_idx %arg13[%broadcast_in_dim3A_1168, %broadcast_in_dim3A_1266, %broadcast_in_dim3A_1259] : memref<2x4x128xf32, #tpu.memory_space<vmem>>[vector<16xi32>, vector<16xi32>, vector<16xi32>], vector<16xf32>,
      %gather3A_1285 = tpu.vector_load_idx %arg14[%broadcast_in_dim3A_1168, %broadcast_in_dim3A_1266, %broadcast_in_dim3A_1264] : memref<2x4x128xf32, #tpu.memory_space<vmem>>[vector<16xi32>, vector<16xi32>, vector<16xi32>], vector<16xf32>,
      %broadcast_in_dim3A_1286 = vector.broadcast %reduce_sum3A_1283 : f32 to vector<16xf32>
      %add3A_1287 = arith.addf %broadcast_in_dim3A_1286, %gather3A_1284 : vector<16xf32>
      %add3A_1288 = arith.addf %add3A_1287, %gather3A_1285 : vector<16xf32>
      %and3A_1289 = arith.constant 3 : i32
      %and3A_1290 = arith.andi %add3A_262, %and3A_1289 : i32
      %mul3A_1291 = arith.constant 4 : i32
      %mul3A_1292 = arith.muli %and3A_1290, %mul3A_1291 : i32
      %add3A_1293 = arith.constant 2 : i32
      %add3A_1294 = arith.addi %mul3A_1292, %add3A_1293 : i32
      %eq3A_1295 = vector.broadcast %add3A_1294 : i32 to vector<16xi32>
      %eq3A_1296 = arith.cmpi eq, %iota3A, %eq3A_1295 : vector<16xi32>
      %select_n3A_1297 = arith.select %eq3A_1296, %add3A_1288, %select_n3A_1254 : vector<16xi1>, vector<16xf32>
      %slice3A_1298 = vector.extract_strided_slice %get3A_1162 {offsets = [3], sizes = [1], strides = [1]} : vector<16xi32> to vector<1xi32>
      %squeeze3A_1299 = vector.extract %slice3A_1298[0] : i32 from vector<1xi32>
      %and3A_1300 = arith.constant 127 : i32
      %and3A_1301 = arith.andi %squeeze3A_1299, %and3A_1300 : i32
      %broadcast_in_dim3A_1302 = vector.broadcast %and3A_1301 : i32 to vector<16xi32>
      %slice3A_1303 = vector.extract_strided_slice %get3A_1166 {offsets = [3], sizes = [1], strides = [1]} : vector<16xi32> to vector<1xi32>
      %squeeze3A_1304 = vector.extract %slice3A_1303[0] : i32 from vector<1xi32>
      %and3A_1305 = arith.constant 127 : i32
      %and3A_1306 = arith.andi %squeeze3A_1304, %and3A_1305 : i32
      %broadcast_in_dim3A_1307 = vector.broadcast %and3A_1306 : i32 to vector<16xi32>
      %broadcast_in_dim3A_1308 = arith.constant 3 : i32
      %broadcast_in_dim3A_1309 = vector.broadcast %broadcast_in_dim3A_1308 : i32 to vector<16xi32>
      %gather3A_1310 = tpu.vector_load_idx %arg11[%broadcast_in_dim3A_1168, %broadcast_in_dim3A_1309, %iota3A, %broadcast_in_dim3A_1302] : memref<2x4x32x128xf32, #tpu.memory_space<vmem>>[vector<16xi32>, vector<16xi32>, vector<16xi32>, vector<16xi32>], vector<16xf32>,
      %add3A_1311 = arith.constant 16 : i32
      %add3A_1312 = vector.broadcast %add3A_1311 : i32 to vector<16xi32>
      %add3A_1313 = arith.addi %iota3A, %add3A_1312 : vector<16xi32>
      %gather3A_1314 = tpu.vector_load_idx %arg11[%broadcast_in_dim3A_1168, %broadcast_in_dim3A_1309, %add3A_1313, %broadcast_in_dim3A_1302] : memref<2x4x32x128xf32, #tpu.memory_space<vmem>>[vector<16xi32>, vector<16xi32>, vector<16xi32>, vector<16xi32>], vector<16xf32>,
      %gather3A_1315 = tpu.vector_load_idx %arg12[%broadcast_in_dim3A_1168, %broadcast_in_dim3A_1309, %iota3A, %broadcast_in_dim3A_1307] : memref<2x4x32x128xf32, #tpu.memory_space<vmem>>[vector<16xi32>, vector<16xi32>, vector<16xi32>, vector<16xi32>], vector<16xf32>,
      %add3A_1316 = arith.constant 16 : i32
      %add3A_1317 = vector.broadcast %add3A_1316 : i32 to vector<16xi32>
      %add3A_1318 = arith.addi %iota3A, %add3A_1317 : vector<16xi32>
      %gather3A_1319 = tpu.vector_load_idx %arg12[%broadcast_in_dim3A_1168, %broadcast_in_dim3A_1309, %add3A_1318, %broadcast_in_dim3A_1307] : memref<2x4x32x128xf32, #tpu.memory_space<vmem>>[vector<16xi32>, vector<16xi32>, vector<16xi32>, vector<16xi32>], vector<16xf32>,
      %mul3A_1320 = arith.mulf %gather3A_1310, %gather3A_1315 : vector<16xf32>
      %mul3A_1321 = arith.mulf %gather3A_1314, %gather3A_1319 : vector<16xf32>
      %add3A_1322 = arith.addf %mul3A_1320, %mul3A_1321 : vector<16xf32>
      %reduce_sum3A_1323 = arith.constant true
      %reduce_sum3A_1324 = vector.broadcast %reduce_sum3A_1323 : i1 to vector<16xi1>
      %reduce_sum3A_1325 = tpu.scan <sum>, %add3A_1322 masked %reduce_sum3A_1324 : vector<16xf32>, vector<16xi1> -> vector<16xf32>
      %reduce_sum3A_1326 = vector.extract %reduce_sum3A_1325[15] : f32 from vector<16xf32>
      %gather3A_1327 = tpu.vector_load_idx %arg13[%broadcast_in_dim3A_1168, %broadcast_in_dim3A_1309, %broadcast_in_dim3A_1302] : memref<2x4x128xf32, #tpu.memory_space<vmem>>[vector<16xi32>, vector<16xi32>, vector<16xi32>], vector<16xf32>,
      %gather3A_1328 = tpu.vector_load_idx %arg14[%broadcast_in_dim3A_1168, %broadcast_in_dim3A_1309, %broadcast_in_dim3A_1307] : memref<2x4x128xf32, #tpu.memory_space<vmem>>[vector<16xi32>, vector<16xi32>, vector<16xi32>], vector<16xf32>,
      %broadcast_in_dim3A_1329 = vector.broadcast %reduce_sum3A_1326 : f32 to vector<16xf32>
      %add3A_1330 = arith.addf %broadcast_in_dim3A_1329, %gather3A_1327 : vector<16xf32>
      %add3A_1331 = arith.addf %add3A_1330, %gather3A_1328 : vector<16xf32>
      %and3A_1332 = arith.constant 3 : i32
      %and3A_1333 = arith.andi %add3A_262, %and3A_1332 : i32
      %mul3A_1334 = arith.constant 4 : i32
      %mul3A_1335 = arith.muli %and3A_1333, %mul3A_1334 : i32
      %add3A_1336 = arith.constant 3 : i32
      %add3A_1337 = arith.addi %mul3A_1335, %add3A_1336 : i32
      %eq3A_1338 = vector.broadcast %add3A_1337 : i32 to vector<16xi32>
      %eq3A_1339 = arith.cmpi eq, %iota3A, %eq3A_1338 : vector<16xi32>
      %select_n3A_1340 = arith.select %eq3A_1339, %add3A_1331, %select_n3A_1297 : vector<16xi1>, vector<16xf32>
      %and3A_1341 = arith.constant 3 : i32
      %and3A_1342 = arith.andi %add3A_262, %and3A_1341 : i32
      %eq3A_1343 = arith.constant 3 : i32
      %eq3A_1344 = arith.cmpi eq, %and3A_1342, %eq3A_1343 : i32
      %convert_element_type3A_1345 = arith.extui %eq3A_1344 : i1 to i32
      %cond3A_1346 = arith.constant 0 : i32
      %cond3A_1347 = arith.cmpi ne, %convert_element_type3A_1345, %cond3A_1346 : i32
      scf.if %cond3A_1347 {
        %shift_right_arithmetic3A_1355 = arith.constant 2 : i32
        %shift_right_arithmetic3A_1356 = arith.shrsi %add3A_262, %shift_right_arithmetic3A_1355 : i32
        %mul3A_1357 = arith.constant 16 : i32
        %mul3A_1358 = arith.muli %shift_right_arithmetic3A_1356, %mul3A_1357 : i32
        %swap3A = arith.index_cast %mul3A_1358 : i32 to index
        %swap3A_1359 = tpu.vector_load %arg15[%swap3A] {strides = array<i32>} : memref<512xf32, #tpu.memory_space<vmem>>, vector<16xf32>,
        tpu.vector_store %arg15[%swap3A], %select_n3A_1340 {strides = array<i32>} : memref<512xf32, #tpu.memory_space<vmem>>, vector<16xf32>,
      } else {
      }
      %and3A_1348 = arith.constant 3 : i32
      %and3A_1349 = arith.andi %add3A_262, %and3A_1348 : i32
      %eq3A_1350 = arith.constant 3 : i32
      %eq3A_1351 = arith.cmpi eq, %and3A_1349, %eq3A_1350 : i32
      %broadcast_in_dim3A_1352 = arith.constant 0.000000e+00 : f32
      %broadcast_in_dim3A_1353 = vector.broadcast %broadcast_in_dim3A_1352 : f32 to vector<16xf32>
      %select_n3A_1354 = arith.select %eq3A_1351, %broadcast_in_dim3A_1353, %select_n3A_1340 : vector<16xf32>
      scf.yield %select_n3A_1354 : vector<16xf32>
    }
    %scan3A_254 = arith.constant 64 : i32
    "tpu.region"() ({
      %run_scoped3A = tpu.sem_alloc : memref<!tpu.dma_semaphore, #tpu.memory_space<semaphore_mem>>
      %dma_start3A_255 = tpu.memref_slice %arg8[%mul3A_2] : memref<16384xf32, #tpu.memory_space<hbm>> -> memref<512xf32, #tpu.memory_space<hbm>>
      %dma_start3A_256 = tpu.memref_slice %arg8[%mul3A_2] : memref<16384xf32, #tpu.memory_space<hbm>> -> memref<512xf32, #tpu.memory_space<hbm>>
      tpu.enqueue_dma source(%arg15 : memref<512xf32, #tpu.memory_space<vmem>>) target(%dma_start3A_256 : memref<512xf32, #tpu.memory_space<hbm>>) target_semaphore(%run_scoped3A : memref<!tpu.dma_semaphore, #tpu.memory_space<semaphore_mem>>)
      %dma_wait3A = tpu.memref_slice %arg8[%mul3A_2] : memref<16384xf32, #tpu.memory_space<hbm>> -> memref<512xf32, #tpu.memory_space<hbm>>
      %dma_wait3A_257 = tpu.memref_slice %arg8[%mul3A_2] : memref<16384xf32, #tpu.memory_space<hbm>> -> memref<512xf32, #tpu.memory_space<hbm>>
      tpu.wait_dma2 semaphore(%run_scoped3A : memref<!tpu.dma_semaphore, #tpu.memory_space<semaphore_mem>>) src(%arg15 : memref<512xf32, #tpu.memory_space<vmem>>) dst(%dma_wait3A_257 : memref<512xf32, #tpu.memory_space<hbm>>)
      tpu.yield
    }) : () -> ()
    return
  }
}

</mosaic_0001>

<sc_bundles>
// kernel: kernel.3.cloned.1.call-start
scs
__scs_entry_jumppad:
0x0: {  	(pc) =	sbr.rel $0x88, $3  }
0x1: {  	(tag) =	ssettag $0x0;
	lr =	simm.s32 $0x1  }
0x2: {  	[smem:$0x3F9C] =	sst lr;
	_ =	strace $0xD0000000  }
0x3: {  	_ = 	snop  }
0x4: {  	_ = 	snop  }
0x5: {  	_ = 	snop  }
0x6: {  	_ = 	snop  }
0x7: {  	_ = 	snop  }
__scs_overlays_trampoline_lowered:
0x8: {  	[smem:$0x3FAB] =	sst s0  }
0x9: {  	[smem:$0x3FAC] =	sst s1  }
0xa: {  	[smem:$0x3FAD] =	sst s2  }
0xb: {  	[smem:$0x3FAE] =	sst s3  }
0xc: {  	[smem:$0x3FAF] =	sst s4  }
0xd: {  	[smem:$0x3FB0] =	sst s5  }
0xe: {  	[smem:$0x3FB1] =	sst s6  }
0xf: {  	[smem:$0x3FB2] =	sst s7  }
0x10: {  	[smem:$0x3FB3] =	sst s8  }
0x11: {  	[smem:$0x3FB4] =	sst s9;
	s0 =	simm.s32 @!p0 $0x0  }
0x12: {  	s1 =	sld [smem:$0x3F9A];
	s0 =	simm.s32 @p0 $0x1  }
0x13: {  	[smem:$0x3FB5] =	sst s0;
	s0 =	simm.s32 @!p1 $0x0  }
0x14: {  	s2 =	sld [smem:$0x3F99];
	s0 =	simm.s32 @p1 $0x1  }
0x15: {  	[smem:$0x3FB6] =	sst s0;
	s0 =	simm.s32 @!p2 $0x0  }
0x16: {  	s3 =	sld [smem:$0x3FDB];
	s0 =	simm.s32 @p2 $0x1  }
0x17: {  	s4 =	simm.s32 $0x1BF5;
	[smem:$0x3FB8] =	sst s0  }
0x18: {  	s0 =	sld [smem:$0x3F9B];
	_ =	swait.ge [sflag:s4], $0x0  }
0x19: {  	s7 =	sld [smem:$0x3F9C]  }
0x1a: {  	s8 =	sadd.s32 $0xFFFFE003, lr  }
0x1b: {  	s9 =	sadd.s32 $0xFFFFFEF7, lr;
	s5 =	simm.s32 $0xFFFFFFFF;
	p2 =	slt.u32 s8, $0xFFFFF086  }
0x1c: {  	p1 =	slt.u32 s9, $0xF7A;
	s5 =	simm.s32 @!p2 $0x0  }
0x1d: {  	s5 =	simm.s32 @p1 $0x1;
	p0 =	seq.s32 s7, s2  }
0x1e: {  	s7 =	smul.u32 @!p0 $0xF7A, s2;
	p2 =	seq.s32 @!p0 s5, $0x0  }
0x1f: {  	s9 =	smul.u32 $0xF7A, s1;
	s8 =	simm.s32 @!p0 $0x1BF5;
	p2 =	por !p2, p0  }
0x20: {  	[sflag:s8] =	ssyncset.s32 @!p0 $0xFFFFF086;
	s6 =	sadd.s32 @!p0 s3, s7;
	s7 =	simm.s32 @!p0 $0x108  }
0x21: {  	s3 =	sadd.s32 s3, s9;
	s6 =	sadd.s32 @!p0 $0x88, s6;
	s7 =	simm.s32 @p2 $0x1082  }
0x22: {  	[simem:s7], [sflag:s8] =	dma.local @!p0 [hbm:s6], $0xF7A  }
0x23: {  	s9 =	sor.u32 $0xD0000000, s2;
	s6 =	simm.s32 $0x108;
	_ =	swait.ge @!p0 [sflag:s8], $0x0  }
0x24: {  	s3 =	sadd.s32 $0x88, s3;
	s6 =	simm.s32 @!p1 $0x1082;
	[sflag:s4] =	ssyncset.s32 $0xFFFFF086  }
0x25: {  	[simem:s6], [sflag:s4] =	dma.local [hbm:s3], $0xF7A  }
0x26: {  	[smem:$0x3F9C] =	sst s1;
	(tag) =	ssettag s2;
	_ =	strace s9  }
0x27: {  	s1 =	sld [smem:$0x3FAC]  }
0x28: {  	s2 =	sld [smem:$0x3FAD]  }
0x29: {  	s4 =	sld [smem:$0x3FAF]  }
0x2a: {  	p0 =	seq.s32 s5, $0x0;
	s5 =	sld [smem:$0x3FB0]  }
0x2b: {  	s6 =	sld [smem:$0x3FB1]  }
0x2c: {  	s7 =	sld [smem:$0x3FB2]  }
0x2d: {  	s3 =	simm.s32 $0x108;
	s8 =	sld [smem:$0x3FB3]  }
0x2e: {  	s3 =	simm.s32 @!p0 $0x1082;
	s9 =	sld [smem:$0x3FB4]  }
0x2f: {  	lr =	sadd.s32 s0, s3;
	s0 =	sld [smem:$0x3FAB]  }
0x30: {  	s3 =	sld [smem:$0x3FAE]  }
0x31: {  	[smem:$0x3FB7] =	sst s10  }
0x32: {  	s10 =	sld [smem:$0x3FB5];
	_ =	sdelay $0x3  }
0x33: {  	p0 =	seq.s32 s10, $0x1;
	s10 =	sld [smem:$0x3FB7];
	_ =	sdelay $0x3  }
0x34: {  	[smem:$0x3FB7] =	sst s10  }
0x35: {  	s10 =	sld [smem:$0x3FB6];
	_ =	sdelay $0x3  }
0x36: {  	p1 =	seq.s32 s10, $0x1;
	s10 =	sld [smem:$0x3FB7];
	_ =	sdelay $0x3  }
0x37: {  	[smem:$0x3FB7] =	sst s10  }
0x38: {  	s10 =	sld [smem:$0x3FB8]  }
0x39: {  	_ = 	snop;
	(pc) =	sbr.ind lr, $3  }
0x3a: {  	_ = 	snop  }
0x3b: {  	_ = 	snop  }
0x3c: {  	p2 =	seq.s32 s10, $0x1;
	s10 =	sld [smem:$0x3FB7]  }
0x3d: {  	_ =	shalt  }
0x3e: {  	_ =	shalt  }
0x3f: {  	_ =	shalt  }
0x40: {  	_ =	shalt  }
0x41: {  	_ =	shalt  }
0x42: {  	_ =	shalt  }
0x43: {  	_ =	shalt  }
0x44: {  	_ =	shalt  }
0x45: {  	_ =	shalt  }
0x46: {  	_ =	shalt  }
0x47: {  	_ =	shalt  }
0x48: {  	_ =	shalt  }
0x49: {  	_ =	shalt  }
0x4a: {  	_ =	shalt  }
0x4b: {  	_ =	shalt  }
0x4c: {  	_ =	shalt  }
0x4d: {  	_ =	shalt  }
0x4e: {  	_ =	shalt  }
0x4f: {  	_ =	shalt  }
0x50: {  	_ =	shalt  }
0x51: {  	_ =	shalt  }
0x52: {  	_ =	shalt  }
0x53: {  	_ =	shalt  }
0x54: {  	_ =	shalt  }
0x55: {  	_ =	shalt  }
0x56: {  	_ =	shalt  }
0x57: {  	_ =	shalt  }
0x58: {  	_ =	shalt  }
0x59: {  	_ =	shalt  }
0x5a: {  	_ =	shalt  }
0x5b: {  	_ =	shalt  }
0x5c: {  	_ =	shalt  }
0x5d: {  	_ =	shalt  }
0x5e: {  	_ =	shalt  }
0x5f: {  	_ =	shalt  }
0x60: {  	_ =	shalt  }
0x61: {  	_ =	shalt  }
0x62: {  	_ =	shalt  }
0x63: {  	_ =	shalt  }
0x64: {  	_ =	shalt  }
0x65: {  	_ =	shalt  }
0x66: {  	_ =	shalt  }
0x67: {  	_ =	shalt  }
0x68: {  	_ =	shalt  }
0x69: {  	_ =	shalt  }
0x6a: {  	_ =	shalt  }
0x6b: {  	_ =	shalt  }
0x6c: {  	_ =	shalt  }
0x6d: {  	_ =	shalt  }
0x6e: {  	_ =	shalt  }
0x6f: {  	_ =	shalt  }
0x70: {  	_ =	shalt  }
0x71: {  	_ =	shalt  }
0x72: {  	_ =	shalt  }
0x73: {  	_ =	shalt  }
0x74: {  	_ =	shalt  }
0x75: {  	_ =	shalt  }
0x76: {  	_ =	shalt  }
0x77: {  	_ =	shalt  }
0x78: {  	_ =	shalt  }
0x79: {  	_ =	shalt  }
0x7a: {  	_ =	shalt  }
0x7b: {  	_ =	shalt  }
0x7c: {  	_ =	shalt  }
0x7d: {  	_ =	shalt  }
0x7e: {  	_ =	shalt  }
0x7f: {  	_ =	shalt  }
0x80: {  	_ =	shalt  }
0x81: {  	_ =	shalt  }
0x82: {  	_ =	shalt  }
0x83: {  	_ =	shalt  }
0x84: {  	_ =	shalt  }
0x85: {  	_ =	shalt  }
0x86: {  	_ =	shalt  }
0x87: {  	_ =	shalt  }
.Lfunc_end0:
.L_simem_size_0:
called_computation_lowered:
.L_overlay_start_0:
0x88: {  	s2 =	sld [smem:$0x3FD9]  }
0x89: {  	s3 =	sld [smem:$0x3FFE];
	_ =	sdelay $0x1  }
0x8a: {  	s1 =	srdreg.scid  }
0x8b: {  	s0 =	sand.u32 $0x1, s1  }
0x8c: {  	s17 =	sshll.u32 s0, $0xA;
	s2 =	sadd.s32 s3, s2  }
0x8d: {  	s2 =	sadd.s32 s2, s17  }
0x8e: {  	[smem:$0x3FC3] =	sst s2  }
0x8f: {  	_ = 	snop  }
0x90: {  	s2 =	sld [smem:$0x3FC8]  }
0x91: {  	s18 =	sld [smem:$0x3FC7]  }
0x92: {  	s4 =	sld [smem:$0x3FD0];
	(tm) =	ssettm $0x1  }
0x93: {  	s5 =	sld [smem:$0x3FFB];
	_ =	sdelay $0x3  }
0x94: {  	_ =	strace s5  }
0x95: {  	s5 =	sld [smem:$0x3FFC];
	_ =	sdelay $0x3  }
0x96: {  	_ =	strace s5  }
0x97: {  	s5 =	sld [smem:$0x3FFD];
	_ =	sdelay $0x3  }
0x98: {  	_ =	strace s5  }
0x99: {  	_ =	strace $0x8FFFFFFF  }
0x9a: {  	s19 =	sld [smem:$0x3FDB];
	_ =	sdelay $0x1  }
0x9b: {  	s6 =	simm.s32 $_scs_section_size  }
0x9c: {  	s7 =	simm.s32 $_size__tile_overlayer_lowered;
	s8 =	simm.s32 $_tile_overlayer_lowered  }
0x9d: {  	s22 =	simm.s32 $0x1BFF;
	s21 =	sshll.u32 s8, $0x1;
	s5 =	sadd.s32 s6, s19  }
0x9e: {  	s9 =	simm.s32 $0x0;
	s20 =	sshll.u32 s7, $0x1;
	s7 =	sadd.s32 s21, s5  }
0x9f: {  	[timem:s9], [sflag:s22] =	dma.local [hbm:s7], s20  }
0xa0: {  	_ =	swait.ge [sflag:s22], s20  }
0xa1: {  	s6 =	ssub.s32 $0x0, s20;
	[sflag:s22] =	ssyncset.done $0x0  }
0xa2: {  	[sflag:s22] =	ssyncadd.s32 s6;
	_ =	sdelay $0x1  }
0xa3: {  	s23 =	simm.s32 $0x1B8B  }
0xa4: {  	_ =	swait.ge [sflag:s23], $0x1  }
0xa5: {  	[sflag:s23] =	ssyncset.done $0x0  }
0xa6: {  	s25 =	simm.s32 $0x1B8E;
	s24 =	sld [smem:$0x3FFE];
	[sflag:s23] =	ssyncadd.s32 $0xFFFFFFFF  }
0xa7: {  	s26 =	simm.s32 $execute0_lowered;
	[smem:$0x3FD2] =	sst s25  }
0xa8: {  	s7 =	sshll.u32 s26, $0x1;
	_ =	strace $0x80000046;
	[dreg:$0x1] =	wrdreg $0xFFFFFFFF  }
0xa9: {  	s28 =	simm.s32 $_size_execute0_lowered;
	s5 =	sadd.s32 s5, s7;
	[dreg:$0x0] =	wrdreg $0x0  }
0xaa: {  	s7 =	sshll.u32 s28, $0x1;
	[dreg:$0x2] =	wrdreg s5  }
0xab: {  	[dreg:$0x3] =	wrdreg s7  }
0xac: {  	[dreg:$0x4] =	wrdreg $0xC0  }
0xad: {  	_ =	task [dreg:s9], $0x5FFFF  }
0xae: {  	[dreg:$0x1] =	wrdreg $0xFFFFFFFF  }
0xaf: {  	[dreg:$0x0] =	wrdreg $0x60  }
0xb0: {  	[dreg:$0x2] =	wrdreg s24  }
0xb1: {  	[dreg:$0x3] =	wrdreg s2  }
0xb2: {  	[dreg:$0x4] =	wrdreg s18  }
0xb3: {  	[dreg:$0x5] =	wrdreg s4  }
0xb4: {  	[dreg:$0x6] =	wrdreg $0x9  }
0xb5: {  	_ =	task.clear_ibuf [dreg:s9], $0x7FFFF;
	_ =	strace $0x90000046  }
0xb6: {  	s29 =	simm.s32 $0x9;
	_ =	strace $0x80000048  }
0xb7: {  	_ =	swait.ge [sflag:s29], $0x1  }
0xb8: {  	[sflag:s29] =	ssyncadd.s32 $0xFFFFFFFF  }
0xb9: {  	_ =	strace $0x90000048  }
0xba: {  	_ =	sfence  }
0xbb: {  	s30 =	sld [smem:$0x0];
	_ =	sdelay $0x2  }
0xbc: {  	s31 =	sshll.u32 s1, $0xD;
	s1 =	sshrl.u32 s1, $0x2  }
0xbd: {  	s3 =	sand.u32 $0x4000, s31;
	s1 =	sadd.s32 s1, s30  }
0xbe: {  	s0 =	sor.u32 s3, s0;
	s1 =	sshll.u32 s1, $0x11  }
0xbf: {  	s0 =	sor.u32 s1, s0  }
0xc0: {  	s0 =	sadd.s32 $0x8F2B, s0  }
0xc1: {  	[sflag:s0] =	ssyncadd.remote.s32 $0x1  }
0xc2: {  	_ =	sfence.sel $0xFFFF  }
0xc3: {  	[dreg:$0x0] =	wrdreg $0xFFFFFFFF;
	(pc) =	sbr.abs _section_cstart, $3  }
0xc4: {  	[dreg:$0x1] =	wrdreg $0xFFFFFFFF  }
0xc5: {  	_ =	task.clear_ibuf [dreg:s9], $0x2FFFF;
	_ =	strace $0x9FFFFFFF  }
0xc6: {  	(tm) =	ssettm $0x7FFFFFFF  }
0xc7: {  	_ =	shalt  }
tec
execute0_lowered:
.L_overlay_start_1:
0x0: {  	(tag) =	ssettag $0x1  }
0x1: {  	s0 =	rddreg [dreg:$0x0]  }
0x2: {  	s1 =	rddreg [dreg:$0x1]  }
0x3: {  	s2 =	rddreg [dreg:$0x2]  }
0x4: {  	s3 =	rddreg [dreg:$0x3];
	s5 =	srdreg.scid  }
0x5: {  	s4 =	simm.s32 $0x0;
	s6 =	stileid.u32;
	s13 =	simm.s32 $0x400  }
0x6: {  	s14 =	simm.s32 $0x7A1400;
	s15 =	simm.s32 $0x500;
	s16 =	simm.s32 $0x8500  }
0x7: {  	s17 =	simm.s32 $0x10500;
	s18 =	simm.s32 $0x10900;
	s23 =	simm.s32 $0x7500  }
0x8: {  	s24 =	simm.s32 $0xF500;
	s25 =	simm.s32 $0x10880;
	s26 =	simm.s32 $0x10C80  }
0x9: {  	v0 =	vlaneseq.u32;
	s28 =	simm.s32 $0x1;
	s29 =	simm.s32 $0x2;
	s5 =	sand.u32 $0x1, s5  }
0xa: {  	[smem:$0x7FF] =	sst s4;
	s6 =	sshll.u32 s6, $0x7;
	v1 =	vmul.u32 $0x80, v0;
	s7 =	sshll.u32 s5, $0x6  }
0xb: {  	_ =	strace $0x80000047;
	s8 =	ssub.s32 $0x2, s5;
	s6 =	sor.u32 s7, s6  }
.Ltmp0:
0xc: {  	s5 =	sadd.s32 $0x1000, s0;
	v2 =	vor.u32 $0x800, v1;
	v3 =	vor.u32 $0x1000, v1;
	v4 =	vor.u32 $0x1800, v1;
	s10 =	sadd.s32 s0, s6;
	(pc) =	sbr.rel .LBB2_1-.Ltmp0, $4  }
0xd: {  	s9 =	sshrl.u32 s8, $0x1;
	v5 =	vor.u32 $0x2000, v1;
	v6 =	vor.u32 $0x2800, v1;
	v7 =	vor.u32 $0x3000, v1;
	s3 =	sadd.s32 s3, s6;
	[dreg:$0x5] =	wrdreg s10  }
0xe: {  	v8 =	vor.u32 $0x3800, v1;
	v9 =	vor.u32 $0x4000, v1;
	v10 =	vor.u32 $0x4800, v1;
	s30 =	ssub.s32 s8, s9;
	s31 =	sadd.s32 $0x800, s10;
	[dreg:$0x7] =	wrdreg s3  }
0xf: {  	s7 =	sadd.s32 $0x1FA00, s0;
	v11 =	vor.u32 $0x5000, v1;
	v12 =	vor.u32 $0x5800, v1;
	v13 =	vor.u32 $0x6000, v1;
	s0 =	smax.u32 s30, $0x1;
	[dreg:$0x6] =	wrdreg s31  }
0x10: {  	v14 =	vor.u32 $0x6800, v1;
	v15 =	vor.u32 $0x7000, v1;
	v16 =	vor.u32 $0x7800, v1;
	s6 =	simm.s32 $0x0;
	s3 =	simm.s32 $0x3;
	[dreg:$0x8] =	wrdreg s0  }
.LBB2_5:
0x11: {  	s0 =	rddreg [dreg:$0x7];
	s3 =	simm.s32 $0x10D00  }
0x12: {  	[hbm4b:s0+s4] =	stream.linear.scatter [tilespmem:s3], [sflag:$0x3], $0x200, $0x38;
	[tilespmem:$0x10F00] =	vst v63  }
0x13: {  	s3 =	simm.s32 $0x3  }
0x14: {  	_ =	swait.ge [sflag:s3], $0x200  }
0x15: {  	s6 =	rddreg [dreg:$0x9]  }
0x16: {  	s31 =	rddreg [dreg:$0x8];
	s6 =	sadd.s32 $0x1, s6  }
0x17: {  	p0 =	sne.s32 s6, s31  }
.Ltmp1:
0x18: {  	_ = 	snop;
	(pc) =	sbr.rel @!p0 .LBB2_6-.Ltmp1, $3  }
0x19: {  	_ =	sdelay $0x1  }
0x1a: {  	[sflag:s3] =	ssyncset.done $0x0  }
0x1b: {  	[sflag:s3] =	ssyncadd.s32 $0xFFFFFE00  }
.LBB2_1:
0x1c: {  	[dreg:$0x9] =	wrdreg s6  }
0x1d: {  	s0 =	rddreg [dreg:$0x6]  }
0x1e: {  	[tilespmem:s4], [sflag:$0x3] =	stream.linear.gather [hbm4b:s0+s4], $0x200, $0x38;
	[tilespmem:$0x10F00] =	vst v63  }
0x1f: {  	_ =	swait.ge [sflag:s3], $0x200  }
0x20: {  	[sflag:s3] =	ssyncset.done $0x0  }
0x21: {  	s10 =	simm.s32 $0x280;
	s9 =	rddreg [dreg:$0x5];
	[sflag:s3] =	ssyncadd.s32 $0xFFFFFE00  }
0x22: {  	[tilespmem:s10], [sflag:$0x3] =	stream.linear.gather [hbm4b:s9+s4], $0x200, $0x38;
	[tilespmem:$0x10F00] =	vst v63  }
0x23: {  	_ =	swait.ge [sflag:s3], $0x200  }
0x24: {  	[sflag:s3] =	ssyncset.done $0x0  }
0x25: {  	[sflag:s3] =	ssyncadd.s32 $0xFFFFFE00  }
0x26: {  	v17 =	vld [tilespmem:$0x0];
	_ =	sdelay $0x4  }
0x27: {  	(v2sf) =	vpush v17, $0x0;
	_ =	sdelay $0x7  }
0x28: {  	v18 =	vld [tilespmem:$0x280];
	_ =	sdelay $0x4  }
0x29: {  	(v2sf) =	vpush v18, $0x0;
	_ =	sdelay $0x1  }
0x2a: {  	s11 =	spop (v2sf);
	(v2sf) =	vpush v17, $0x1;
	_ =	sdelay $0x7  }
0x2b: {  	(v2sf) =	vpush v18, $0x1;
	_ =	sdelay $0x3  }
0x2c: {  	s19 =	sand.u32 $0x1FFFFF80, s11  }
0x2d: {  	s12 =	spop (v2sf);
	s3 =	sadd.s32 s1, s19  }
0x2e: {  	[tilespmem:s15], [sflag:$0x1] =	stream.strided.gather [hbm4b:s3+s13], $0x1000, s14, s13, $0x38;
	[tilespmem:$0x10F00] =	vst v63  }
0x2f: {  	s0 =	sshrl.u32 s11, $0x3;
	s20 =	sand.u32 $0x1FFFFF80, s12;
	s22 =	spop (v2sf);
	(v2sf) =	vpush v17, $0x2  }
0x30: {  	s0 =	sand.u32 $0x1FFFFFF0, s0;
	s3 =	sadd.s32 s2, s20  }
0x31: {  	[tilespmem:s16], [sflag:$0x1] =	stream.strided.gather [hbm4b:s3+s13], $0x1000, s14, s13, $0x38;
	[tilespmem:$0x10F00] =	vst v63  }
0x32: {  	s21 =	sshrl.u32 s12, $0x3;
	s0 =	sadd.s32 s5, s0;
	(v2sf) =	vpush v18, $0x2  }
0x33: {  	[tilespmem:s17], [sflag:$0x1] =	stream.linear.gather [hbm4b:s0+s4], $0x80, $0x38;
	[tilespmem:$0x10F00] =	vst v63  }
0x34: {  	s0 =	sand.u32 $0x1FFFFFF0, s21  }
0x35: {  	s0 =	sadd.s32 s7, s0  }
0x36: {  	[tilespmem:s18], [sflag:$0x1] =	stream.linear.gather [hbm4b:s0+s4], $0x80, $0x38;
	[tilespmem:$0x10F00] =	vst v63  }
0x37: {  	s9 =	simm.s32 $0x1500;
	s6 =	sand.u32 $0x1FFFFF80, s22;
	s8 =	spop (v2sf)  }
0x38: {  	s0 =	sshrl.u32 s22, $0x3;
	s3 =	sadd.s32 s1, s6;
	s10 =	sand.u32 $0x1FFFFF80, s8  }
0x39: {  	(v2sf) =	vpush v17, $0x3;
	[tilespmem:s9], [sflag:$0x1] =	stream.strided.gather [hbm4b:s3+s13], $0x1000, s14, s13, $0x38;
	[tilespmem:$0x10F00] =	vst v63  }
0x3a: {  	s11 =	simm.s32 $0x9500;
	s0 =	sand.u32 $0x1FFFFFF0, s0;
	s3 =	sadd.s32 s2, s10  }
0x3b: {  	[tilespmem:s11], [sflag:$0x1] =	stream.strided.gather [hbm4b:s3+s13], $0x1000, s14, s13, $0x38;
	[tilespmem:$0x10F00] =	vst v63  }
0x3c: {  	s19 =	simm.s32 $0x10580;
	s20 =	sshrl.u32 s8, $0x3;
	s0 =	sadd.s32 s5, s0  }
0x3d: {  	[tilespmem:s19], [sflag:$0x1] =	stream.linear.gather [hbm4b:s0+s4], $0x80, $0x38;
	[tilespmem:$0x10F00] =	vst v63  }
0x3e: {  	s0 =	sand.u32 $0x1FFFFFF0, s20;
	s22 =	spop (v2sf);
	(v2sf) =	vpush v18, $0x3  }
0x3f: {  	s21 =	simm.s32 $0x10980;
	s0 =	sadd.s32 s7, s0  }
0x40: {  	[tilespmem:s21], [sflag:$0x1] =	stream.linear.gather [hbm4b:s0+s4], $0x80, $0x38;
	[tilespmem:$0x10F00] =	vst v63  }
0x41: {  	s9 =	simm.s32 $0x2500;
	s6 =	sand.u32 $0x1FFFFF80, s22;
	s8 =	spop (v2sf)  }
0x42: {  	s0 =	sshrl.u32 s22, $0x3;
	s3 =	sadd.s32 s1, s6;
	s10 =	sand.u32 $0x1FFFFF80, s8  }
0x43: {  	[tilespmem:s9], [sflag:$0x1] =	stream.strided.gather [hbm4b:s3+s13], $0x1000, s14, s13, $0x38;
	[tilespmem:$0x10F00] =	vst v63  }
0x44: {  	s11 =	simm.s32 $0xA500;
	s0 =	sand.u32 $0x1FFFFFF0, s0;
	s3 =	sadd.s32 s2, s10  }
0x45: {  	[tilespmem:s11], [sflag:$0x1] =	stream.strided.gather [hbm4b:s3+s13], $0x1000, s14, s13, $0x38;
	[tilespmem:$0x10F00] =	vst v63  }
0x46: {  	s19 =	simm.s32 $0x10600;
	s20 =	sshrl.u32 s8, $0x3;
	s0 =	sadd.s32 s5, s0  }
0x47: {  	[tilespmem:s19], [sflag:$0x1] =	stream.linear.gather [hbm4b:s0+s4], $0x80, $0x38;
	[tilespmem:$0x10F00] =	vst v63  }
0x48: {  	s21 =	spop (v2sf);
	s0 =	sand.u32 $0x1FFFFFF0, s20  }
0x49: {  	s22 =	simm.s32 $0x10A00;
	s6 =	sand.u32 $0x1FFFFF80, s21;
	s0 =	sadd.s32 s7, s0  }
0x4a: {  	[tilespmem:s22], [sflag:$0x1] =	stream.linear.gather [hbm4b:s0+s4], $0x80, $0x38;
	[tilespmem:$0x10F00] =	vst v63  }
0x4b: {  	s9 =	simm.s32 $0x3500;
	s0 =	sadd.s32 s1, s6  }
0x4c: {  	[tilespmem:s9], [sflag:$0x1] =	stream.strided.gather [hbm4b:s0+s13], $0x1000, s14, s13, $0x38;
	[tilespmem:$0x10F00] =	vst v63  }
0x4d: {  	s8 =	spop (v2sf)  }
0x4e: {  	s10 =	sand.u32 $0x1FFFFF80, s8  }
0x4f: {  	s11 =	simm.s32 $0xB500;
	s19 =	sshrl.u32 s21, $0x3;
	s0 =	sadd.s32 s2, s10  }
0x50: {  	[tilespmem:s11], [sflag:$0x1] =	stream.strided.gather [hbm4b:s0+s13], $0x1000, s14, s13, $0x38;
	[tilespmem:$0x10F00] =	vst v63  }
0x51: {  	s0 =	sand.u32 $0x1FFFFFF0, s19  }
0x52: {  	s20 =	simm.s32 $0x10680;
	s0 =	sadd.s32 s5, s0  }
0x53: {  	[tilespmem:s20], [sflag:$0x1] =	stream.linear.gather [hbm4b:s0+s4], $0x80, $0x38;
	[tilespmem:$0x10F00] =	vst v63  }
.Ltmp2:
0x54: {  	s21 =	sshrl.u32 s8, $0x3;
	(pc) =	sbr.rel .LBB2_2-.Ltmp2, $4  }
0x55: {  	s0 =	sand.u32 $0x1FFFFFF0, s21  }
0x56: {  	s30 =	simm.s32 $0x284;
	s22 =	simm.s32 $0x10A80;
	s0 =	sadd.s32 s7, s0  }
0x57: {  	[tilespmem:s22], [sflag:$0x1] =	stream.linear.gather [hbm4b:s0+s4], $0x80, $0x38;
	[tilespmem:$0x10F00] =	vst v63  }
0x58: {  	s31 =	simm.s32 $0x4;
	v17 =	vimm.f32 $0.0e+00;
	s3 =	simm.s32 $0x0;
	s0 =	simm.s32 $0x1  }
.LBB2_4:
0x59: {  	_ =	swait.ge [sflag:s29], $0x1000  }
0x5a: {  	[sflag:s29] =	ssyncset.done $0x0  }
0x5b: {  	[sflag:s29] =	ssyncadd.s32 $0xFFFFF000  }
0x5c: {  	_ =	swait.ge [sflag:s29], $0x1000  }
0x5d: {  	[sflag:s29] =	ssyncset.done $0x0  }
0x5e: {  	[sflag:s29] =	ssyncadd.s32 $0xFFFFF000  }
0x5f: {  	_ =	swait.ge [sflag:s29], $0x80  }
0x60: {  	[sflag:s29] =	ssyncset.done $0x0  }
0x61: {  	[sflag:s29] =	ssyncadd.s32 $0xFFFFFF80  }
0x62: {  	_ =	swait.ge [sflag:s29], $0x80  }
0x63: {  	[sflag:s29] =	ssyncset.done $0x0  }
0x64: {  	[sflag:s29] =	ssyncadd.s32 $0xFFFFFF80  }
0x65: {  	_ =	swait.ge [sflag:s29], $0x1000  }
0x66: {  	[sflag:s29] =	ssyncset.done $0x0  }
0x67: {  	[sflag:s29] =	ssyncadd.s32 $0xFFFFF000  }
0x68: {  	_ =	swait.ge [sflag:s29], $0x1000  }
0x69: {  	[sflag:s29] =	ssyncset.done $0x0  }
0x6a: {  	[sflag:s29] =	ssyncadd.s32 $0xFFFFF000  }
0x6b: {  	_ =	swait.ge [sflag:s29], $0x80  }
0x6c: {  	[sflag:s29] =	ssyncset.done $0x0  }
0x6d: {  	[sflag:s29] =	ssyncadd.s32 $0xFFFFFF80  }
0x6e: {  	_ =	swait.ge [sflag:s29], $0x80  }
0x6f: {  	[sflag:s29] =	ssyncset.done $0x0  }
0x70: {  	[sflag:s29] =	ssyncadd.s32 $0xFFFFFF80  }
0x71: {  	_ =	swait.ge [sflag:s29], $0x1000  }
0x72: {  	[sflag:s29] =	ssyncset.done $0x0  }
0x73: {  	[sflag:s29] =	ssyncadd.s32 $0xFFFFF000  }
0x74: {  	_ =	swait.ge [sflag:s29], $0x1000  }
0x75: {  	[sflag:s29] =	ssyncset.done $0x0  }
0x76: {  	[sflag:s29] =	ssyncadd.s32 $0xFFFFF000  }
0x77: {  	_ =	swait.ge [sflag:s29], $0x80  }
0x78: {  	[sflag:s29] =	ssyncset.done $0x0  }
0x79: {  	[sflag:s29] =	ssyncadd.s32 $0xFFFFFF80  }
0x7a: {  	_ =	swait.ge [sflag:s29], $0x80  }
0x7b: {  	[sflag:s29] =	ssyncset.done $0x0  }
0x7c: {  	[sflag:s29] =	ssyncadd.s32 $0xFFFFFF80  }
0x7d: {  	_ =	swait.ge [sflag:s29], $0x1000  }
0x7e: {  	[sflag:s29] =	ssyncset.done $0x0  }
0x7f: {  	[sflag:s29] =	ssyncadd.s32 $0xFFFFF000  }
0x80: {  	_ =	swait.ge [sflag:s29], $0x1000  }
0x81: {  	[sflag:s29] =	ssyncset.done $0x0  }
0x82: {  	[sflag:s29] =	ssyncadd.s32 $0xFFFFF000  }
0x83: {  	_ =	swait.ge [sflag:s29], $0x80  }
0x84: {  	[sflag:s29] =	ssyncset.done $0x0  }
0x85: {  	[sflag:s29] =	ssyncadd.s32 $0xFFFFFF80  }
0x86: {  	_ =	swait.ge [sflag:s29], $0x80  }
0x87: {  	[sflag:s29] =	ssyncset.done $0x0  }
0x88: {  	[sflag:s29] =	ssyncadd.s32 $0xFFFFFF80  }
0x89: {  	v30 =	vld [tilespmem:s31+$0x0];
	_ =	sdelay $0x1  }
0x8a: {  	v31 =	vld [tilespmem:s30+$0x0];
	_ =	sdelay $0x2  }
0x8b: {  	(v2sf) =	vpush v30, $0x0;
	_ =	sdelay $0x1  }
0x8c: {  	(v2sf) =	vpush v31, $0x0;
	_ =	sdelay $0x1  }
0x8d: {  	(v2sf) =	vpush v30, $0x1;
	_ =	sdelay $0x1  }
0x8e: {  	(v2sf) =	vpush v31, $0x1;
	_ =	sdelay $0x1  }
0x8f: {  	(v2sf) =	vpush v30, $0x2;
	_ =	sdelay $0x1  }
0x90: {  	(v2sf) =	vpush v31, $0x2;
	_ =	sdelay $0x1  }
0x91: {  	(v2sf) =	vpush v30, $0x3;
	_ =	sdelay $0x1  }
0x92: {  	(v2sf) =	vpush v31, $0x3  }
0x93: {  	s6 =	spop (v2sf)  }
0x94: {  	s6 =	sand.u32 $0x7F, s6  }
0x95: {  	s8 =	spop (v2sf);
	v50 =	vor.u32 s6, v9  }
0x96: {  	s8 =	sand.u32 $0x7F, s8;
	v51 =	vor.u32 s6, v10  }
0x97: {  	s9 =	spop (v2sf);
	v32 =	vor.u32 s8, v9  }
0x98: {  	v33 =	vor.u32 s8, v10;
	s9 =	sand.u32 $0x7F, s9  }
0x99: {  	s10 =	spop (v2sf);
	v34 =	vor.u32 s9, v11  }
0x9a: {  	s10 =	sand.u32 $0x7F, s10;
	v35 =	vor.u32 s9, v12;
	v30 =	vld.idx.msk [tilespmem:v50+s15+$0x0], $0xffff  }
0x9b: {  	s11 =	spop (v2sf);
	v36 =	vor.u32 s10, v11;
	v31 =	vld.idx.msk [tilespmem:v51+s15+$0x0], $0xffff  }
0x9c: {  	v37 =	vor.u32 s10, v12;
	s11 =	sand.u32 $0x7F, s11;
	v32 =	vld.idx.msk [tilespmem:v32+s16+$0x0], $0xffff  }
0x9d: {  	s12 =	spop (v2sf);
	v38 =	vor.u32 s11, v13;
	v33 =	vld.idx.msk [tilespmem:v33+s16+$0x0], $0xffff  }
0x9e: {  	s12 =	sand.u32 $0x7F, s12;
	v39 =	vor.u32 s11, v14;
	v34 =	vld.idx.msk [tilespmem:v34+s15+$0x0], $0xffff  }
0x9f: {  	s19 =	spop (v2sf);
	v40 =	vor.u32 s12, v13;
	v35 =	vld.idx.msk [tilespmem:v35+s15+$0x0], $0xffff  }
0xa0: {  	v41 =	vor.u32 s12, v14;
	s19 =	sand.u32 $0x7F, s19;
	v36 =	vld.idx.msk [tilespmem:v36+s16+$0x0], $0xffff  }
0xa1: {  	s20 =	spop (v2sf);
	v42 =	vor.u32 s19, v15;
	v37 =	vld.idx.msk [tilespmem:v37+s16+$0x0], $0xffff  }
0xa2: {  	s20 =	sand.u32 $0x7F, s20;
	v43 =	vor.u32 s19, v16;
	v38 =	vld.idx.msk [tilespmem:v38+s15+$0x0], $0xffff  }
0xa3: {  	v44 =	vor.u32 s20, v15;
	v39 =	vld.idx.msk [tilespmem:v39+s15+$0x0], $0xffff  }
0xa4: {  	v45 =	vor.u32 s20, v16;
	v40 =	vld.idx.msk [tilespmem:v40+s16+$0x0], $0xffff  }
0xa5: {  	v41 =	vld.idx.msk [tilespmem:v41+s16+$0x0], $0xffff  }
0xa6: {  	v42 =	vld.idx.msk [tilespmem:v42+s15+$0x0], $0xffff  }
0xa7: {  	v43 =	vld.idx.msk [tilespmem:v43+s15+$0x0], $0xffff  }
0xa8: {  	v29 =	vbroadcast v29, $0xF;
	v27 =	vbroadcast v27, $0xF;
	v44 =	vld.idx.msk [tilespmem:v44+s16+$0x0], $0xffff  }
0xa9: {  	v23 =	vbroadcast v23, $0xF;
	v24 =	vbroadcast v24, $0xF;
	v52 =	vld.idx.msk [tilespmem:v45+s16+$0x0], $0xffff  }
0xaa: {  	s21 =	sand.u32 $0x8, s3;
	v30 =	vmul.f32 v32, v30;
	v31 =	vmul.f32 v33, v31  }
0xab: {  	s22 =	sor.u32 $0x1, s21;
	v34 =	vmul.f32 v36, v34;
	v35 =	vmul.f32 v37, v35  }
0xac: {  	v63 =	vmov s21;
	v46 =	vmov s22;
	v56 =	vadd.f32 v31, v30  }
0xad: {  	v57 =	vadd.f32 v35, v34;
	v58 =	vmul.f32 v40, v38;
	v59 =	vmul.f32 v41, v39  }
0xae: {  	v28 =	vadd.f32 v29, v28;
	(xrf2) =	vadd.scan.msk.f32 $0xffff, v56;
	v61 =	vmul.f32 v44, v42;
	v32 =	vmul.f32 v52, v43  }
0xaf: {  	vm0 =	veq.s32 v63, v0;
	v54 =	vmov s8;
	(xrf2) =	vadd.scan.msk.f32 $0xffff, v57;
	v62 =	vadd.f32 v59, v58  }
0xb0: {  	v53 =	vmov s6;
	v37 =	vor.u32 $0x200, v54;
	v29 =	vadd.f32 v32, v61  }
0xb1: {  	v25 =	vadd.f32 v27, v25;
	v55 =	vmov s9;
	v34 =	vor.u32 $0x200, v53;
	(xrf2) =	vadd.scan.msk.f32 $0xffff, v62  }
0xb2: {  	v21 =	vadd.f32 v23, v21;
	v60 =	vmov s10;
	v39 =	vor.u32 $0x280, v55;
	(xrf2) =	vadd.scan.msk.f32 $0xffff, v29  }
0xb3: {  	v20 =	vadd.f32 v24, v20;
	v38 =	vmov s11;
	v40 =	vor.u32 $0x280, v60  }
0xb4: {  	v26 =	vadd.f32 v28, v26;
	v41 =	vmov s19;
	v28 =	vor.u32 $0x300, v38  }
0xb5: {  	vm9 =	veq.s32 v46, v0;
	v43 =	vmov s12;
	v44 =	vld.idx.msk [tilespmem:v37+s18+$0x0], $0xffff;
	v29 =	vor.u32 $0x380, v41  }
0xb6: {  	v22 =	vadd.f32 v25, v22;
	v46 =	vmov s20;
	v45 =	vor.u32 $0x300, v43;
	v42 =	vld.idx.msk [tilespmem:v34+s17+$0x0], $0xffff  }
0xb7: {  	v18 =	vadd.f32 v21, v18;
	v17 =	vsel vm0, v26, v17;
	v49 =	vor.u32 $0x380, v46;
	s11 =	sor.u32 $0x2, s21;
	v48 =	vld.idx.msk [tilespmem:v39+s17+$0x0], $0xffff  }
0xb8: {  	v19 =	vadd.f32 v20, v19;
	v17 =	vsel vm9, v22, v17;
	v47 =	vmov s11;
	s12 =	sor.u32 $0x3, s21;
	v51 =	vld.idx.msk [tilespmem:v40+s18+$0x0], $0xffff;
	v50, _, _ =	vpop (xrf2)  }
0xb9: {  	vm10 =	veq.s32 v47, v0;
	v53 =	vmov s12;
	v28 =	vld.idx.msk [tilespmem:v28+s17+$0x0], $0xffff;
	v54 =	vbroadcast v50, $0xF;
	v52, _, _ =	vpop (xrf2)  }
0xba: {  	s19 =	sand.u32 $0x3, s0;
	v17 =	vsel vm10, v18, v17;
	vm11 =	veq.s32 v53, v0;
	v55 =	vld.idx.msk [tilespmem:v29+s17+$0x0], $0xffff;
	v18 =	vbroadcast v52, $0xF  }
0xbb: {  	s20 =	sshll.u32 s19, $0x2;
	v17 =	vsel vm11, v19, v17;
	v57 =	vld.idx.msk [tilespmem:v45+s18+$0x0], $0xffff;
	v19 =	vadd.f32 v54, v42;
	v56, _, _ =	vpop (xrf2)  }
0xbc: {  	v26 =	vld.idx.msk [tilespmem:v49+s18+$0x0], $0xffff;
	v58 =	vmov s20;
	v18 =	vadd.f32 v18, v48;
	v22 =	vbroadcast v56, $0xF;
	v59, _, _ =	vpop (xrf2)  }
0xbd: {  	p0 =	sne.s32 s19, $0x3;
	s21 =	sor.u32 $0x1, s20;
	vm12 =	veq.s32 v58, v0;
	v19 =	vadd.f32 v19, v44;
	v60 =	vbroadcast v59, $0xF  }
0xbe: {  	s6 =	sand.u32 @!p0 $0x1F0, s3;
	s3 =	sadd.s32 $0x8, s3;
	v61 =	vmov s21;
	v18 =	vadd.f32 v18, v51;
	v22 =	vadd.f32 v22, v28  }
0xbf: {  	s8 =	sor.u32 $0x2, s20;
	p1 =	sne.s32 s3, $0x200;
	vm13 =	veq.s32 v61, v0;
	v17 =	vsel vm12, v19, v17;
	v19 =	vadd.f32 v60, v55  }
.Ltmp3:
0xc0: {  	s22 =	sshllo.u32 s19, $0x2;
	v62 =	vmov s8;
	v17 =	vsel vm13, v18, v17;
	v18 =	vadd.f32 v22, v57;
	(pc) =	sbr.rel @!p1 .LBB2_5-.Ltmp3, $4  }
0xc1: {  	v63 =	vmov s22;
	vm14 =	veq.s32 v62, v0;
	v19 =	vadd.f32 v19, v26  }
0xc2: {  	vm15 =	veq.s32 v63, v0;
	v17 =	vsel vm14, v18, v17  }
0xc3: {  	v17 =	vsel vm15, v19, v17  }
0xc4: {  	s30 =	sadd.s32 $0x8, s30;
	s31 =	sadd.s32 $0x8, s31;
	s0 =	sadd.s32 $0x2, s0;
	[tilespmem:s6+$0x10D00] =	vst @!p0 v17;
	v17 =	vpsel !p0, $0x0, v17  }
.LBB2_2:
0xc5: {  	v18 =	vld [tilespmem:s31+$0x0]  }
0xc6: {  	v19 =	vld [tilespmem:s30+$0x0];
	_ =	sdelay $0x3  }
0xc7: {  	(v2sf) =	vpush v18, $0x0  }
0xc8: {  	(v2sf) =	vpush v19, $0x0;
	_ =	sdelay $0x4  }
0xc9: {  	(v2sf) =	vpush v18, $0x1;
	_ =	sdelay $0x2  }
0xca: {  	(v2sf) =	vpush v19, $0x1;
	_ =	sdelay $0x5  }
0xcb: {  	s12 =	spop (v2sf)  }
0xcc: {  	s6 =	simm.s32 $0x4500;
	(v2sf) =	vpush v18, $0x2;
	s8 =	sand.u32 $0x1FFFFF80, s12;
	s9 =	spop (v2sf)  }
0xcd: {  	s20 =	simm.s32 $0xC500;
	s8 =	sadd.s32 s1, s8;
	s19 =	sand.u32 $0x1FFFFF80, s9  }
0xce: {  	[tilespmem:s6], [sflag:$0x2] =	stream.strided.gather [hbm4b:s8+s13], $0x1000, s14, s13, $0x38;
	[tilespmem:$0x10F00] =	vst v63  }
0xcf: {  	s22 =	simm.s32 $0x10700;
	(v2sf) =	vpush v19, $0x2;
	s21 =	sshrl.u32 s12, $0x3;
	s8 =	sadd.s32 s2, s19  }
0xd0: {  	[tilespmem:s20], [sflag:$0x2] =	stream.strided.gather [hbm4b:s8+s13], $0x1000, s14, s13, $0x38;
	[tilespmem:$0x10F00] =	vst v63  }
0xd1: {  	s10 =	simm.s32 $0x10B00;
	s11 =	spop (v2sf);
	s8 =	sand.u32 $0x1FFFFFF0, s21  }
0xd2: {  	s9 =	sshrl.u32 s9, $0x3;
	s12 =	sand.u32 $0x1FFFFF80, s11;
	s8 =	sadd.s32 s5, s8  }
0xd3: {  	[tilespmem:s22], [sflag:$0x2] =	stream.linear.gather [hbm4b:s8+s4], $0x80, $0x38;
	[tilespmem:$0x10F00] =	vst v63  }
0xd4: {  	s19 =	spop (v2sf);
	s20 =	simm.s32 $0x5500;
	s8 =	sand.u32 $0x1FFFFFF0, s9  }
0xd5: {  	s21 =	sand.u32 $0x1FFFFF80, s19;
	s9 =	sadd.s32 s1, s12;
	s8 =	sadd.s32 s7, s8  }
0xd6: {  	[tilespmem:s10], [sflag:$0x2] =	stream.linear.gather [hbm4b:s8+s4], $0x80, $0x38;
	[tilespmem:$0x10F00] =	vst v63  }
0xd7: {  	(v2sf) =	vpush v18, $0x3;
	s22 =	simm.s32 $0xD500;
	s12 =	simm.s32 $0x10B80;
	s8 =	sshrl.u32 s11, $0x3  }
0xd8: {  	(v2sf) =	vpush v19, $0x3;
	[tilespmem:s20], [sflag:$0x2] =	stream.strided.gather [hbm4b:s9+s13], $0x1000, s14, s13, $0x38;
	[tilespmem:$0x10F00] =	vst v63  }
0xd9: {  	s10 =	simm.s32 $0x10780;
	s8 =	sand.u32 $0x1FFFFFF0, s8;
	s9 =	sadd.s32 s2, s21  }
0xda: {  	[tilespmem:s22], [sflag:$0x2] =	stream.strided.gather [hbm4b:s9+s13], $0x1000, s14, s13, $0x38;
	[tilespmem:$0x10F00] =	vst v63  }
0xdb: {  	s11 =	sshrl.u32 s19, $0x3;
	s19 =	spop (v2sf);
	s8 =	sadd.s32 s5, s8  }
0xdc: {  	[tilespmem:s10], [sflag:$0x2] =	stream.linear.gather [hbm4b:s8+s4], $0x80, $0x38;
	[tilespmem:$0x10F00] =	vst v63  }
0xdd: {  	s20 =	sand.u32 $0x1FFFFF80, s19;
	s8 =	sand.u32 $0x1FFFFFF0, s11  }
0xde: {  	s21 =	spop (v2sf);
	s9 =	sadd.s32 s1, s20;
	s8 =	sadd.s32 s7, s8  }
0xdf: {  	[tilespmem:s12], [sflag:$0x2] =	stream.linear.gather [hbm4b:s8+s4], $0x80, $0x38;
	[tilespmem:$0x10F00] =	vst v63  }
0xe0: {  	s22 =	simm.s32 $0x6500;
	s10 =	sand.u32 $0x1FFFFF80, s21;
	s8 =	sshrl.u32 s19, $0x3  }
0xe1: {  	[tilespmem:s22], [sflag:$0x2] =	stream.strided.gather [hbm4b:s9+s13], $0x1000, s14, s13, $0x38;
	[tilespmem:$0x10F00] =	vst v63  }
0xe2: {  	s11 =	simm.s32 $0xE500;
	s8 =	sand.u32 $0x1FFFFFF0, s8;
	s9 =	sadd.s32 s2, s10  }
0xe3: {  	[tilespmem:s11], [sflag:$0x2] =	stream.strided.gather [hbm4b:s9+s13], $0x1000, s14, s13, $0x38;
	[tilespmem:$0x10F00] =	vst v63  }
0xe4: {  	s20 =	sshrl.u32 s21, $0x3;
	s19 =	simm.s32 $0x10800;
	s8 =	sadd.s32 s5, s8  }
0xe5: {  	[tilespmem:s19], [sflag:$0x2] =	stream.linear.gather [hbm4b:s8+s4], $0x80, $0x38;
	[tilespmem:$0x10F00] =	vst v63  }
0xe6: {  	s21 =	simm.s32 $0x10C00;
	s22 =	spop (v2sf);
	s8 =	sand.u32 $0x1FFFFFF0, s20  }
0xe7: {  	s6 =	sand.u32 $0x1FFFFF80, s22;
	s10 =	spop (v2sf);
	s8 =	sadd.s32 s7, s8  }
0xe8: {  	[tilespmem:s21], [sflag:$0x2] =	stream.linear.gather [hbm4b:s8+s4], $0x80, $0x38;
	[tilespmem:$0x10F00] =	vst v63  }
0xe9: {  	s9 =	sadd.s32 s1, s6;
	s11 =	sand.u32 $0x1FFFFF80, s10;
	s8 =	sshrl.u32 s22, $0x3  }
0xea: {  	[tilespmem:s23], [sflag:$0x2] =	stream.strided.gather [hbm4b:s9+s13], $0x1000, s14, s13, $0x38;
	[tilespmem:$0x10F00] =	vst v63  }
0xeb: {  	s8 =	sand.u32 $0x1FFFFFF0, s8;
	s9 =	sadd.s32 s2, s11  }
0xec: {  	[tilespmem:s24], [sflag:$0x2] =	stream.strided.gather [hbm4b:s9+s13], $0x1000, s14, s13, $0x38;
	[tilespmem:$0x10F00] =	vst v63  }
0xed: {  	s12 =	sshrl.u32 s10, $0x3;
	s8 =	sadd.s32 s5, s8  }
0xee: {  	[tilespmem:s25], [sflag:$0x2] =	stream.linear.gather [hbm4b:s8+s4], $0x80, $0x38;
	[tilespmem:$0x10F00] =	vst v63  }
0xef: {  	s8 =	sand.u32 $0x1FFFFFF0, s12  }
0xf0: {  	s8 =	sadd.s32 s7, s8  }
0xf1: {  	[tilespmem:s26], [sflag:$0x2] =	stream.linear.gather [hbm4b:s8+s4], $0x80, $0x38;
	[tilespmem:$0x10F00] =	vst v63  }
0xf2: {  	_ =	swait.ge [sflag:s28], $0x1000  }
0xf3: {  	[sflag:s28] =	ssyncset.done $0x0  }
0xf4: {  	[sflag:s28] =	ssyncadd.s32 $0xFFFFF000  }
0xf5: {  	_ =	swait.ge [sflag:s28], $0x1000  }
0xf6: {  	[sflag:s28] =	ssyncset.done $0x0  }
0xf7: {  	[sflag:s28] =	ssyncadd.s32 $0xFFFFF000  }
0xf8: {  	_ =	swait.ge [sflag:s28], $0x80  }
0xf9: {  	[sflag:s28] =	ssyncset.done $0x0  }
0xfa: {  	[sflag:s28] =	ssyncadd.s32 $0xFFFFFF80  }
0xfb: {  	_ =	swait.ge [sflag:s28], $0x80  }
0xfc: {  	[sflag:s28] =	ssyncset.done $0x0  }
0xfd: {  	[sflag:s28] =	ssyncadd.s32 $0xFFFFFF80  }
0xfe: {  	_ =	swait.ge [sflag:s28], $0x1000  }
0xff: {  	[sflag:s28] =	ssyncset.done $0x0  }
0x100: {  	[sflag:s28] =	ssyncadd.s32 $0xFFFFF000  }
0x101: {  	_ =	swait.ge [sflag:s28], $0x1000  }
0x102: {  	[sflag:s28] =	ssyncset.done $0x0  }
0x103: {  	[sflag:s28] =	ssyncadd.s32 $0xFFFFF000  }
0x104: {  	_ =	swait.ge [sflag:s28], $0x80  }
0x105: {  	[sflag:s28] =	ssyncset.done $0x0  }
0x106: {  	[sflag:s28] =	ssyncadd.s32 $0xFFFFFF80  }
0x107: {  	_ =	swait.ge [sflag:s28], $0x80  }
0x108: {  	[sflag:s28] =	ssyncset.done $0x0  }
0x109: {  	[sflag:s28] =	ssyncadd.s32 $0xFFFFFF80  }
0x10a: {  	_ =	swait.ge [sflag:s28], $0x1000  }
0x10b: {  	[sflag:s28] =	ssyncset.done $0x0  }
0x10c: {  	[sflag:s28] =	ssyncadd.s32 $0xFFFFF000  }
0x10d: {  	_ =	swait.ge [sflag:s28], $0x1000  }
0x10e: {  	[sflag:s28] =	ssyncset.done $0x0  }
0x10f: {  	[sflag:s28] =	ssyncadd.s32 $0xFFFFF000  }
0x110: {  	_ =	swait.ge [sflag:s28], $0x80  }
0x111: {  	[sflag:s28] =	ssyncset.done $0x0  }
0x112: {  	[sflag:s28] =	ssyncadd.s32 $0xFFFFFF80  }
0x113: {  	_ =	swait.ge [sflag:s28], $0x80  }
0x114: {  	[sflag:s28] =	ssyncset.done $0x0  }
0x115: {  	[sflag:s28] =	ssyncadd.s32 $0xFFFFFF80  }
0x116: {  	_ =	swait.ge [sflag:s28], $0x1000  }
0x117: {  	[sflag:s28] =	ssyncset.done $0x0  }
0x118: {  	[sflag:s28] =	ssyncadd.s32 $0xFFFFF000  }
0x119: {  	_ =	swait.ge [sflag:s28], $0x1000  }
0x11a: {  	[sflag:s28] =	ssyncset.done $0x0  }
0x11b: {  	[sflag:s28] =	ssyncadd.s32 $0xFFFFF000  }
0x11c: {  	_ =	swait.ge [sflag:s28], $0x80  }
0x11d: {  	[sflag:s28] =	ssyncset.done $0x0  }
0x11e: {  	[sflag:s28] =	ssyncadd.s32 $0xFFFFFF80  }
0x11f: {  	_ =	swait.ge [sflag:s28], $0x80  }
0x120: {  	[sflag:s28] =	ssyncset.done $0x0  }
0x121: {  	[sflag:s28] =	ssyncadd.s32 $0xFFFFFF80  }
0x122: {  	v18 =	vld [tilespmem:s31+$0xFFFFFFFC];
	_ =	sdelay $0x1  }
0x123: {  	v19 =	vld [tilespmem:s30+$0xFFFFFFFC];
	_ =	sdelay $0x2  }
0x124: {  	(v2sf) =	vpush v18, $0x0;
	_ =	sdelay $0x1  }
0x125: {  	(v2sf) =	vpush v19, $0x0;
	_ =	sdelay $0x1  }
0x126: {  	(v2sf) =	vpush v18, $0x1;
	_ =	sdelay $0x1  }
0x127: {  	(v2sf) =	vpush v19, $0x1;
	_ =	sdelay $0x1  }
0x128: {  	(v2sf) =	vpush v18, $0x2;
	_ =	sdelay $0x1  }
0x129: {  	(v2sf) =	vpush v19, $0x2;
	_ =	sdelay $0x1  }
0x12a: {  	(v2sf) =	vpush v18, $0x3;
	_ =	sdelay $0x1  }
0x12b: {  	(v2sf) =	vpush v19, $0x3  }
0x12c: {  	s19 =	spop (v2sf)  }
0x12d: {  	s8 =	sand.u32 $0x7F, s19  }
0x12e: {  	s20 =	spop (v2sf);
	v18 =	vor.u32 s8, v1  }
0x12f: {  	s9 =	sand.u32 $0x7F, s20;
	v19 =	vor.u32 s8, v2  }
0x130: {  	s21 =	spop (v2sf);
	v20 =	vor.u32 s9, v1  }
0x131: {  	v21 =	vor.u32 s9, v2;
	s12 =	sand.u32 $0x7F, s21  }
0x132: {  	s10 =	spop (v2sf);
	v22 =	vor.u32 s12, v3  }
0x133: {  	s10 =	sand.u32 $0x7F, s10;
	v23 =	vor.u32 s12, v4;
	v18 =	vld.idx.msk [tilespmem:v18+s15+$0x0], $0xffff  }
0x134: {  	s22 =	spop (v2sf);
	v24 =	vor.u32 s10, v3;
	v19 =	vld.idx.msk [tilespmem:v19+s15+$0x0], $0xffff  }
0x135: {  	v25 =	vor.u32 s10, v4;
	s6 =	sand.u32 $0x7F, s22;
	v20 =	vld.idx.msk [tilespmem:v20+s16+$0x0], $0xffff  }
0x136: {  	s11 =	spop (v2sf);
	v26 =	vor.u32 s6, v5;
	v21 =	vld.idx.msk [tilespmem:v21+s16+$0x0], $0xffff  }
0x137: {  	s11 =	sand.u32 $0x7F, s11;
	v27 =	vor.u32 s6, v6;
	v22 =	vld.idx.msk [tilespmem:v22+s15+$0x0], $0xffff  }
0x138: {  	s19 =	spop (v2sf);
	v28 =	vor.u32 s11, v5;
	v23 =	vld.idx.msk [tilespmem:v23+s15+$0x0], $0xffff  }
0x139: {  	v29 =	vor.u32 s11, v6;
	s19 =	sand.u32 $0x7F, s19;
	v24 =	vld.idx.msk [tilespmem:v24+s16+$0x0], $0xffff  }
0x13a: {  	s20 =	spop (v2sf);
	v30 =	vor.u32 s19, v7;
	v25 =	vld.idx.msk [tilespmem:v25+s16+$0x0], $0xffff  }
0x13b: {  	s20 =	sand.u32 $0x7F, s20;
	v31 =	vor.u32 s19, v8;
	v26 =	vld.idx.msk [tilespmem:v26+s15+$0x0], $0xffff  }
0x13c: {  	v32 =	vor.u32 s20, v7;
	v27 =	vld.idx.msk [tilespmem:v27+s15+$0x0], $0xffff  }
0x13d: {  	v33 =	vor.u32 s20, v8;
	v28 =	vld.idx.msk [tilespmem:v28+s16+$0x0], $0xffff  }
0x13e: {  	v29 =	vld.idx.msk [tilespmem:v29+s16+$0x0], $0xffff  }
0x13f: {  	v30 =	vld.idx.msk [tilespmem:v30+s15+$0x0], $0xffff  }
0x140: {  	v31 =	vld.idx.msk [tilespmem:v31+s15+$0x0], $0xffff  }
0x141: {  	v32 =	vld.idx.msk [tilespmem:v32+s16+$0x0], $0xffff  }
0x142: {  	v33 =	vld.idx.msk [tilespmem:v33+s16+$0x0], $0xffff;
	_ =	sdelay $0x1  }
0x143: {  	v18 =	vmul.f32 v20, v18;
	v19 =	vmul.f32 v21, v19  }
0x144: {  	v20 =	vmul.f32 v24, v22;
	v21 =	vmul.f32 v25, v23  }
0x145: {  	v18 =	vadd.f32 v19, v18;
	v19 =	vmul.f32 v28, v26;
	v22 =	vmul.f32 v29, v27  }
0x146: {  	v20 =	vadd.f32 v21, v20;
	v21 =	vmul.f32 v32, v30;
	v23 =	vmul.f32 v33, v31  }
0x147: {  	(xrf2) =	vadd.scan.msk.f32 $0xffff, v18;
	v18 =	vadd.f32 v22, v19  }
0x148: {  	v19 =	vmov s8;
	(xrf2) =	vadd.scan.msk.f32 $0xffff, v20;
	v22 =	vmov s12;
	v20 =	vadd.f32 v23, v21  }
0x149: {  	v22 =	vor.u32 $0x80, v22;
	(xrf2) =	vadd.scan.msk.f32 $0xffff, v18  }
0x14a: {  	v21 =	vmov s9;
	v18 =	vmov s10;
	(xrf2) =	vadd.scan.msk.f32 $0xffff, v20  }
0x14b: {  	v18 =	vor.u32 $0x80, v18;
	v20 =	vmov s6  }
0x14c: {  	v23 =	vmov s11;
	v20 =	vor.u32 $0x100, v20  }
0x14d: {  	v24 =	vmov s19;
	v28 =	vld.idx.msk [tilespmem:v19+s17+$0x0], $0xffff;
	v19 =	vor.u32 $0x100, v23  }
0x14e: {  	v24 =	vor.u32 $0x180, v24;
	v23 =	vmov s20;
	v25 =	vld.idx.msk [tilespmem:v22+s17+$0x0], $0xffff  }
0x14f: {  	p0 =	seq.s32 s3, $0x1F8;
	v30 =	vor.u32 $0x180, v23;
	v26 =	vld.idx.msk [tilespmem:v21+s18+$0x0], $0xffff  }
.Ltmp4:
0x150: {  	v22 =	vld.idx.msk [tilespmem:v18+s18+$0x0], $0xffff;
	(pc) =	sbr.rel @p0 .LBB2_4-.Ltmp4, $4  }
0x151: {  	v29, _, _ =	vpop (xrf2);
	v21 =	vld.idx.msk [tilespmem:v20+s17+$0x0], $0xffff  }
0x152: {  	v27, _, _ =	vpop (xrf2);
	v18 =	vld.idx.msk [tilespmem:v19+s18+$0x0], $0xffff  }
0x153: {  	v20 =	vld.idx.msk [tilespmem:v24+s17+$0x0], $0xffff;
	v23, _, _ =	vpop (xrf2)  }
0x154: {  	v19 =	vld.idx.msk [tilespmem:v30+s18+$0x0], $0xffff;
	v24, _, _ =	vpop (xrf2)  }
0x155: {  	v30 =	vld [tilespmem:s31+$0x4];
	_ =	sdelay $0x4  }
0x156: {  	(v2sf) =	vpush v30, $0x0;
	_ =	sdelay $0x7  }
0x157: {  	v31 =	vld [tilespmem:s30+$0x4];
	_ =	sdelay $0x4  }
0x158: {  	(v2sf) =	vpush v31, $0x0;
	_ =	sdelay $0x1  }
0x159: {  	s6 =	spop (v2sf);
	(v2sf) =	vpush v30, $0x1;
	_ =	sdelay $0x7  }
0x15a: {  	(v2sf) =	vpush v31, $0x1;
	_ =	sdelay $0x3  }
0x15b: {  	s8 =	sand.u32 $0x1FFFFF80, s6  }
0x15c: {  	s9 =	spop (v2sf);
	s8 =	sadd.s32 s1, s8  }
0x15d: {  	[tilespmem:s15], [sflag:$0x1] =	stream.strided.gather [hbm4b:s8+s13], $0x1000, s14, s13, $0x38;
	[tilespmem:$0x10F00] =	vst v63  }
0x15e: {  	s6 =	sshrl.u32 s6, $0x3;
	s22 =	sand.u32 $0x1FFFFF80, s9;
	s11 =	spop (v2sf);
	(v2sf) =	vpush v30, $0x2  }
0x15f: {  	s6 =	sand.u32 $0x1FFFFFF0, s6;
	s8 =	sadd.s32 s2, s22  }
0x160: {  	[tilespmem:s16], [sflag:$0x1] =	stream.strided.gather [hbm4b:s8+s13], $0x1000, s14, s13, $0x38;
	[tilespmem:$0x10F00] =	vst v63  }
0x161: {  	s10 =	sshrl.u32 s9, $0x3;
	s6 =	sadd.s32 s5, s6;
	(v2sf) =	vpush v31, $0x2  }
0x162: {  	[tilespmem:s17], [sflag:$0x1] =	stream.linear.gather [hbm4b:s6+s4], $0x80, $0x38;
	[tilespmem:$0x10F00] =	vst v63  }
0x163: {  	s6 =	sand.u32 $0x1FFFFFF0, s10  }
0x164: {  	s6 =	sadd.s32 s7, s6  }
0x165: {  	[tilespmem:s18], [sflag:$0x1] =	stream.linear.gather [hbm4b:s6+s4], $0x80, $0x38;
	[tilespmem:$0x10F00] =	vst v63  }
0x166: {  	s10 =	simm.s32 $0x1500;
	s12 =	sand.u32 $0x1FFFFF80, s11;
	s19 =	spop (v2sf)  }
0x167: {  	s6 =	sshrl.u32 s11, $0x3;
	s8 =	sadd.s32 s1, s12;
	s20 =	sand.u32 $0x1FFFFF80, s19  }
0x168: {  	(v2sf) =	vpush v30, $0x3;
	[tilespmem:s10], [sflag:$0x1] =	stream.strided.gather [hbm4b:s8+s13], $0x1000, s14, s13, $0x38;
	[tilespmem:$0x10F00] =	vst v63  }
0x169: {  	s21 =	simm.s32 $0x9500;
	s6 =	sand.u32 $0x1FFFFFF0, s6;
	s8 =	sadd.s32 s2, s20  }
0x16a: {  	[tilespmem:s21], [sflag:$0x1] =	stream.strided.gather [hbm4b:s8+s13], $0x1000, s14, s13, $0x38;
	[tilespmem:$0x10F00] =	vst v63  }
0x16b: {  	s22 =	simm.s32 $0x10580;
	s9 =	sshrl.u32 s19, $0x3;
	s6 =	sadd.s32 s5, s6  }
0x16c: {  	[tilespmem:s22], [sflag:$0x1] =	stream.linear.gather [hbm4b:s6+s4], $0x80, $0x38;
	[tilespmem:$0x10F00] =	vst v63  }
0x16d: {  	s6 =	sand.u32 $0x1FFFFFF0, s9;
	s11 =	spop (v2sf);
	(v2sf) =	vpush v31, $0x3  }
0x16e: {  	s10 =	simm.s32 $0x10980;
	s6 =	sadd.s32 s7, s6  }
0x16f: {  	[tilespmem:s10], [sflag:$0x1] =	stream.linear.gather [hbm4b:s6+s4], $0x80, $0x38;
	[tilespmem:$0x10F00] =	vst v63  }
0x170: {  	s20 =	simm.s32 $0x2500;
	s12 =	sand.u32 $0x1FFFFF80, s11;
	s19 =	spop (v2sf)  }
0x171: {  	s6 =	sshrl.u32 s11, $0x3;
	s8 =	sadd.s32 s1, s12;
	s21 =	sand.u32 $0x1FFFFF80, s19  }
0x172: {  	[tilespmem:s20], [sflag:$0x1] =	stream.strided.gather [hbm4b:s8+s13], $0x1000, s14, s13, $0x38;
	[tilespmem:$0x10F00] =	vst v63  }
0x173: {  	s22 =	simm.s32 $0xA500;
	s6 =	sand.u32 $0x1FFFFFF0, s6;
	s8 =	sadd.s32 s2, s21  }
0x174: {  	[tilespmem:s22], [sflag:$0x1] =	stream.strided.gather [hbm4b:s8+s13], $0x1000, s14, s13, $0x38;
	[tilespmem:$0x10F00] =	vst v63  }
0x175: {  	s11 =	simm.s32 $0x10600;
	s12 =	sshrl.u32 s19, $0x3;
	s6 =	sadd.s32 s5, s6  }
0x176: {  	[tilespmem:s11], [sflag:$0x1] =	stream.linear.gather [hbm4b:s6+s4], $0x80, $0x38;
	[tilespmem:$0x10F00] =	vst v63  }
0x177: {  	s8 =	spop (v2sf);
	s6 =	sand.u32 $0x1FFFFFF0, s12  }
0x178: {  	s19 =	simm.s32 $0x10A00;
	s20 =	sand.u32 $0x1FFFFF80, s8;
	s6 =	sadd.s32 s7, s6  }
0x179: {  	[tilespmem:s19], [sflag:$0x1] =	stream.linear.gather [hbm4b:s6+s4], $0x80, $0x38;
	[tilespmem:$0x10F00] =	vst v63  }
0x17a: {  	s22 =	simm.s32 $0x3500;
	s6 =	sadd.s32 s1, s20  }
0x17b: {  	[tilespmem:s22], [sflag:$0x1] =	stream.strided.gather [hbm4b:s6+s13], $0x1000, s14, s13, $0x38;
	[tilespmem:$0x10F00] =	vst v63  }
0x17c: {  	s21 =	spop (v2sf)  }
0x17d: {  	s11 =	sand.u32 $0x1FFFFF80, s21  }
0x17e: {  	s12 =	simm.s32 $0xB500;
	s19 =	sshrl.u32 s8, $0x3;
	s6 =	sadd.s32 s2, s11  }
0x17f: {  	[tilespmem:s12], [sflag:$0x1] =	stream.strided.gather [hbm4b:s6+s13], $0x1000, s14, s13, $0x38;
	[tilespmem:$0x10F00] =	vst v63  }
0x180: {  	s20 =	simm.s32 $0x10680;
	s6 =	sand.u32 $0x1FFFFFF0, s19  }
.Ltmp5:
0x181: {  	s21 =	sshrl.u32 s21, $0x3;
	s6 =	sadd.s32 s5, s6;
	(pc) =	sbr.rel .LBB2_4-.Ltmp5, $4  }
0x182: {  	[tilespmem:s20], [sflag:$0x1] =	stream.linear.gather [hbm4b:s6+s4], $0x80, $0x38;
	[tilespmem:$0x10F00] =	vst v63  }
0x183: {  	s6 =	sand.u32 $0x1FFFFFF0, s21  }
0x184: {  	s22 =	simm.s32 $0x10A80;
	s6 =	sadd.s32 s7, s6  }
0x185: {  	[tilespmem:s22], [sflag:$0x1] =	stream.linear.gather [hbm4b:s6+s4], $0x80, $0x38;
	[tilespmem:$0x10F00] =	vst v63  }
.LBB2_6:
0x186: {  	_ =	sfence.sel $0x180000  }
0x187: {  	[bflag:$0x0] =	sbarrier.arrive $0xFFFF  }
0x188: {  	_ =	strace $0x90000047  }
0x189: {  	s0 =	stileid.u32;
	[bflag:$0x2] =	sbarrier.arrive $0xFFFF  }
0x18a: {  	p0 =	sne.s32 s0, $0x0;
	s0 =	rddreg [dreg:$0x4]  }
0x18b: {  	s0 =	sadd.s32 @!p0 $0x100000, s0  }
0x18c: {  	[sflag:s0] =	ssyncadd.tile.s32 @!p0 $0x1;
	_ =	shalt  }
.Lfunc_end2:
_tile_overlayer_lowered:
.L_overlay_start_2:
0x18d: {  	(tag) =	ssettag $0x2  }
0x18e: {  	s0 =	rddreg [dreg:$0x0];
	s2 =	stileid.u32  }
0x18f: {  	s1 =	rddreg [dreg:$0x1];
	p0 =	sne.s32 s2, $0x0  }
0x190: {  	s3 =	rddreg [dreg:$0x2];
	[bflag:$0x3] =	sbarrier.arrive $0xFFFF;
	s2 =	simm.s32 @!p0 $0x1C03  }
0x191: {  	[timem:s3], [sflag:s2] =	dma.local @!p0 [hbm:s0], s1  }
0x192: {  	s0 =	simm.s32 @!p0 $0x3  }
0x193: {  	_ =	swait.ge @!p0 [sflag:s0], s1  }
0x194: {  	s1 =	ssub.s32 @!p0 $0x0, s1;
	[sflag:s0] =	ssyncset.done @!p0 $0x0  }
0x195: {  	[sflag:s0] =	ssyncadd.s32 @!p0 s1  }
0x196: {  	[bflag:$0x3] =	sbarrier.arrive $0xFFFF  }
0x197: {  	_ =	shalt  }

</sc_bundles>
